<compile_context>
chip_gen: v7x
topology: tpu7x:2x2x1
jax: 0.10.2.dev20260603
libtpu: 0.0.44.dev20260713+nightly
codegen_flags: <defaults>
</compile_context>

<pallas_src>
import functools

import jax
import jax.numpy as jnp
from jax import lax
from jax.experimental import pallas as pl
from jax.experimental.pallas import tpu as pltpu
from jax.experimental.pallas import tpu_sc as plsc

NN = 10000
EE = 160000
DD = 256
CC = 64
SINK = NN
NPAD = 10112
ZR = NPAD // 16
CR = 632
CRL = NN - 15 * CR
NW = 32
CB = 128
CHUNKS = 40
CH0 = 40
CH1 = 40
EPAD = NW * CHUNKS * CB
ROWS = EPAD // CB
BN = 1000
GRID = NN // BN

_mesh = plsc.VectorSubcoreMesh(core_axis_name="c", subcore_axis_name="s")


@functools.partial(
    pl.kernel,
    out_type=jax.ShapeDtypeStruct((2, 2, NN, 16), jnp.float32),
    mesh=_mesh,
    scratch_types=[
        pltpu.VMEM((CHUNKS, CB), jnp.int32),
        pltpu.VMEM((CHUNKS, CB), jnp.int32),
        pltpu.VMEM((CB, 16), jnp.float32),
        pltpu.VMEM_SHARED((NPAD, 16), jnp.float32),
        pltpu.VMEM_SHARED((NPAD, 16), jnp.float32),
    ],
    compiler_params=pltpu.CompilerParams(use_tc_tiling_on_sc=False),
)
def _deg_kernel(src_hbm, dst_hbm, ones_hbm, zeros_hbm, out_hbm,
                src_v, dst_v, ones_v, acc_in, acc_out):
    c = lax.axis_index("c")
    s = lax.axis_index("s")
    wid = c * 16 + s
    pltpu.sync_copy(ones_hbm, ones_v)
    pltpu.sync_copy(zeros_hbm.at[pl.ds(s * ZR, ZR)], acc_in.at[pl.ds(s * ZR, ZR)])
    pltpu.sync_copy(zeros_hbm.at[pl.ds(s * ZR, ZR)], acc_out.at[pl.ds(s * ZR, ZR)])
    pltpu.sync_copy(src_hbm.at[pl.ds(wid * CHUNKS, CHUNKS)], src_v)
    pltpu.sync_copy(dst_hbm.at[pl.ds(wid * CHUNKS, CHUNKS)], dst_v)
    plsc.subcore_barrier()

    def body(j, carry):
        pltpu.sync_copy(ones_v, acc_in.at[dst_v.at[j]], add=True)
        pltpu.sync_copy(ones_v, acc_out.at[src_v.at[j]], add=True)
        return carry

    lax.fori_loop(0, CHUNKS, body, 0)
    plsc.subcore_barrier()

    @pl.when(s < 15)
    def _():
        pltpu.sync_copy(acc_in.at[pl.ds(s * CR, CR)],
                        out_hbm.at[c, 0, pl.ds(s * CR, CR)])
        pltpu.sync_copy(acc_out.at[pl.ds(s * CR, CR)],
                        out_hbm.at[c, 1, pl.ds(s * CR, CR)])

    @pl.when(s == 15)
    def _():
        pltpu.sync_copy(acc_in.at[pl.ds(15 * CR, CRL)],
                        out_hbm.at[c, 0, pl.ds(15 * CR, CRL)])
        pltpu.sync_copy(acc_out.at[pl.ds(15 * CR, CRL)],
                        out_hbm.at[c, 1, pl.ds(15 * CR, CRL)])


@functools.partial(
    pl.kernel,
    out_type=jax.ShapeDtypeStruct((2, NN, CC), jnp.bfloat16),
    mesh=_mesh,
    scratch_types=[
        pltpu.VMEM((max(CH0, CH1), CB), jnp.int32),
        pltpu.VMEM((max(CH0, CH1), CB), jnp.int32),
        pltpu.VMEM((CB, CC), jnp.bfloat16),
        pltpu.VMEM((CB, CC), jnp.bfloat16),
        pltpu.VMEM_SHARED((NPAD, CC), jnp.bfloat16),
        pltpu.VMEM_SHARED((NN, CC), jnp.bfloat16),
        pltpu.SemaphoreType.DMA,
        pltpu.SemaphoreType.DMA,
    ],
    compiler_params=pltpu.CompilerParams(use_tc_tiling_on_sc=False),
)
def _hop_kernel(g_hbm, src_hbm, dst_hbm, zeros_hbm, out_hbm,
                src_v, dst_v, rows_a, rows_b, acc, g_s, sem_a, sem_b):
    c = lax.axis_index("c")
    s = lax.axis_index("s")
    pltpu.sync_copy(zeros_hbm.at[pl.ds(s * ZR, ZR)], acc.at[pl.ds(s * ZR, ZR)])

    @pl.when(s < 15)
    def _():
        pltpu.sync_copy(g_hbm.at[pl.ds(s * CR, CR)], g_s.at[pl.ds(s * CR, CR)])

    @pl.when(s == 15)
    def _():
        pltpu.sync_copy(g_hbm.at[pl.ds(15 * CR, CRL)], g_s.at[pl.ds(15 * CR, CRL)])

    def stage(nch, base):
        pltpu.sync_copy(src_hbm.at[pl.ds(base, nch)], src_v.at[pl.ds(0, nch)])
        pltpu.sync_copy(dst_hbm.at[pl.ds(base, nch)], dst_v.at[pl.ds(0, nch)])

    @pl.when(c == 0)
    def _():
        stage(CH0, s * CH0)

    if CH1 > 0:
        @pl.when(c == 1)
        def _():
            stage(CH1, 16 * CH0 + s * CH1)

    plsc.subcore_barrier()

    def run_loop(nch):
        pltpu.async_copy(g_s.at[src_v.at[0]], rows_a, sem_a)

        def body(u, carry):
            j0 = 2 * u
            j1 = 2 * u + 1
            db = pltpu.async_copy(g_s.at[src_v.at[j1]], rows_b, sem_b)
            pltpu.make_async_copy(g_s.at[src_v.at[j0]], rows_a, sem_a).wait()
            pltpu.sync_copy(rows_a, acc.at[dst_v.at[j0]], add=True)

            @pl.when(u < nch // 2 - 1)
            def _():
                pltpu.async_copy(g_s.at[src_v.at[j0 + 2]], rows_a, sem_a)

            db.wait()
            pltpu.sync_copy(rows_b, acc.at[dst_v.at[j1]], add=True)
            return carry

        lax.fori_loop(0, nch // 2, body, 0)

    @pl.when(c == 0)
    def _():
        run_loop(CH0)

    if CH1 > 0:
        @pl.when(c == 1)
        def _():
            run_loop(CH1)

    plsc.subcore_barrier()

    @pl.when(s < 15)
    def _():
        pltpu.sync_copy(acc.at[pl.ds(s * CR, CR)],
                        out_hbm.at[c, pl.ds(s * CR, CR)])

    @pl.when(s == 15)
    def _():
        pltpu.sync_copy(acc.at[pl.ds(15 * CR, CRL)],
                        out_hbm.at[c, pl.ds(15 * CR, CRL)])


def _matmul_body(x_ref, w_ref, y_ref):
    y_ref[...] = jnp.dot(x_ref[...], w_ref[...],
                         preferred_element_type=jnp.float32)


_matmul = pl.pallas_call(
    _matmul_body,
    grid=(GRID,),
    in_specs=[
        pl.BlockSpec((BN, DD), lambda i: (i, 0)),
        pl.BlockSpec((DD, CC), lambda i: (0, 0)),
    ],
    out_specs=pl.BlockSpec((BN, CC), lambda i: (i, 0)),
    out_shape=jax.ShapeDtypeStruct((NN, CC), jnp.float32),
)


def _scale_body(y_ref, deg_ref, o_ref, nrm_ref):
    d = deg_ref[...]
    din = d[0, 0, :, 0] + d[1, 0, :, 0]
    dout = d[0, 1, :, 0] + d[1, 1, :, 0]
    nd = lax.rsqrt(jnp.maximum(din, 1.0))
    ns = lax.rsqrt(jnp.maximum(dout, 1.0))
    nrm_ref[...] = jnp.stack([nd, ns, ns * nd, ns], axis=-1)
    o_ref[...] = (y_ref[...] * ns[:, None]).astype(jnp.bfloat16)


_scale = pl.pallas_call(
    _scale_body,
    grid=(GRID,),
    in_specs=[
        pl.BlockSpec((BN, CC), lambda i: (i, 0)),
        pl.BlockSpec((2, 2, BN, 16), lambda i: (0, 0, i, 0)),
    ],
    out_specs=[
        pl.BlockSpec((BN, CC), lambda i: (i, 0)),
        pl.BlockSpec((BN, 4), lambda i: (i, 0)),
    ],
    out_shape=[
        jax.ShapeDtypeStruct((NN, CC), jnp.bfloat16),
        jax.ShapeDtypeStruct((NN, 4), jnp.float32),
    ],
)


def _mid_body(a_ref, nrm_ref, o_ref):
    s2 = nrm_ref[:, 2]
    a = a_ref[0].astype(jnp.float32) + a_ref[1].astype(jnp.float32)
    o_ref[...] = (a * s2[:, None]).astype(jnp.bfloat16)


_mid = pl.pallas_call(
    _mid_body,
    grid=(GRID,),
    in_specs=[
        pl.BlockSpec((2, BN, CC), lambda i: (0, i, 0)),
        pl.BlockSpec((BN, 4), lambda i: (i, 0)),
    ],
    out_specs=pl.BlockSpec((BN, CC), lambda i: (i, 0)),
    out_shape=jax.ShapeDtypeStruct((NN, CC), jnp.bfloat16),
)


def _fin_body(a_ref, nrm_ref, p_ref, l_ref, e_ref):
    nd = nrm_ref[:, 0]
    a = a_ref[0].astype(jnp.float32) + a_ref[1].astype(jnp.float32)
    logits = a * nd[:, None]
    m = jnp.max(logits, axis=1, keepdims=True)
    ex = jnp.exp(logits - m)
    p = ex / jnp.sum(ex, axis=1, keepdims=True)
    l_ref[...] = logits
    p_ref[...] = p
    ent_sum = -jnp.sum(p * jnp.log(p + 1e-12))
    i = pl.program_id(0)

    @pl.when(i == 0)
    def _():
        e_ref[...] = jnp.reshape(ent_sum, (1, 1))

    @pl.when(i > 0)
    def _():
        e_ref[...] = e_ref[...] + ent_sum

    @pl.when(i == GRID - 1)
    def _():
        e_ref[...] = e_ref[...] * (1.0 / NN)


_fin = pl.pallas_call(
    _fin_body,
    grid=(GRID,),
    in_specs=[
        pl.BlockSpec((2, BN, CC), lambda i: (0, i, 0)),
        pl.BlockSpec((BN, 4), lambda i: (i, 0)),
    ],
    out_specs=[
        pl.BlockSpec((BN, CC), lambda i: (i, 0)),
        pl.BlockSpec((BN, CC), lambda i: (i, 0)),
        pl.BlockSpec((1, 1), lambda i: (0, 0)),
    ],
    out_shape=[
        jax.ShapeDtypeStruct((NN, CC), jnp.float32),
        jax.ShapeDtypeStruct((NN, CC), jnp.float32),
        jax.ShapeDtypeStruct((1, 1), jnp.float32),
    ],
)


def kernel(features, edge_index, W):
    sink_pad = jnp.full((EPAD - EE,), SINK, jnp.int32)
    zero_pad = jnp.zeros((EPAD - EE,), jnp.int32)
    src_deg = jnp.concatenate([edge_index[0], sink_pad]).reshape(ROWS, CB)
    src_hop = jnp.concatenate([edge_index[0], zero_pad]).reshape(ROWS, CB)
    dst_p = jnp.concatenate([edge_index[1], sink_pad]).reshape(ROWS, CB)
    ones16 = jnp.ones((CB, 16), jnp.float32)
    zeros16 = jnp.zeros((NPAD, 16), jnp.float32)
    zeros64 = jnp.zeros((NPAD, CC), jnp.bfloat16)

    degp = _deg_kernel(src_deg, dst_p, ones16, zeros16)
    y0 = _matmul(features, W)
    g1, nrm = _scale(y0, degp)
    a1 = _hop_kernel(g1, src_hop, dst_p, zeros64)
    g2 = _mid(a1, nrm)
    a2 = _hop_kernel(g2, src_hop, dst_p, zeros64)
    probs, logits, ent = _fin(a2, nrm)
    return probs, logits, ent[0, 0]

# --- scband reference (transcript-rebuilt; emitter-appended) ---
"""Pipeline reference for scband-smgnetwork-3942779977731 (READ-ONLY COPY).

The authoritative reference and input builder live on the scoring server;
editing this copy changes nothing except your own understanding.
"""

import jax, jax.numpy as jnp
import numpy as np

N = 10000
E = 160000
D = 256
C = 64
K = 2


def setup_inputs(seed: int = 0) -> dict:
    key = jax.random.key(seed)
    k1, k2, k3 = jax.random.split(key, 3)
    features = jax.random.normal(k1, (N, D), dtype=jnp.float32)
    edge_index = jax.random.randint(k2, (2, E), 0, N, dtype=jnp.int32)
    W = jax.random.normal(k3, (D, C), dtype=jnp.float32) * 0.05
    return {"features": features, "edge_index": edge_index, "W": W}


def _sgc_forward(features, edge_index, W):
    # SGConv with k propagation hops, symmetric normalization, cached=True
    # (cache irrelevant for a single forward). Dropout is identity in eval mode.
    src = edge_index[0]
    dst = edge_index[1]
    ones = jnp.ones((E,), dtype=jnp.float32)
    in_deg = jax.ops.segment_sum(ones, dst, num_segments=N)
    out_deg = jax.ops.segment_sum(ones, src, num_segments=N)
    norm_src = jax.lax.rsqrt(jnp.clip(out_deg, 1.0, None))
    norm_dst = jax.lax.rsqrt(jnp.clip(in_deg, 1.0, None))
    h = features
    for _ in range(K):
        m = h[src] * norm_src[src][:, None]
        agg = jax.ops.segment_sum(m, dst, num_segments=N)
        h = agg * norm_dst[:, None]
    logits = h @ W  # bias=False
    probs = jax.nn.softmax(logits, axis=1)  # out_fun = Softmax(dim=1)
    # per-node softmax entropy returned by the layer
    ent = -jnp.sum(probs * jnp.log(probs + 1e-12), axis=1)
    return probs, logits, jnp.mean(ent)


def reference(features, edge_index, W):
    return _sgc_forward(features, edge_index, W)

if __name__ == "__main__":
    import jax
    _d = setup_inputs()
    print(jax.jit(kernel)(*tuple(_d.values())))

</pallas_src>

<mosaic_0001>
#map = affine_map<(d0, d1) -> (0, 0)>
#map1 = affine_map<(d0, d1) -> (0, 0, 0)>
module attributes {stable_mosaic.version = 14 : i64} {
  func.func @_hop_kernel(%arg0: i32, %arg1: i32, %arg2: memref<10000x64xbf16, #tpu.memory_space<hbm>>, %arg3: memref<1280x128xi32, #tpu.memory_space<hbm>>, %arg4: memref<1280x128xi32, #tpu.memory_space<hbm>>, %arg5: memref<10112x64xbf16, #tpu.memory_space<hbm>>, %arg6: memref<2x10000x64xbf16, #tpu.memory_space<hbm>>, %arg7: memref<40x128xi32, #tpu.memory_space<vmem>>, %arg8: memref<40x128xi32, #tpu.memory_space<vmem>>, %arg9: memref<128x64xbf16, #tpu.memory_space<vmem>>, %arg10: memref<128x64xbf16, #tpu.memory_space<vmem>>, %arg11: memref<10112x64xbf16, #tpu.memory_space<vmem_shared>>, %arg12: memref<10000x64xbf16, #tpu.memory_space<vmem_shared>>, %arg13: memref<!tpu.dma_semaphore, #tpu.memory_space<semaphore_mem>>, %arg14: memref<!tpu.dma_semaphore, #tpu.memory_space<semaphore_mem>>) attributes {dimension_semantics = [#tpu.dimension_semantics<core_parallel>, #tpu.dimension_semantics<subcore_parallel>], iteration_bounds = array<i64: 2, 16>, scalar_prefetch = 0 : i64, scratch_operands = 8 : i64, tpu.core_type = #tpu.core_type<sc_vector_subcore>, window_params = [{transform_indices = #map}, {transform_indices = #map}, {transform_indices = #map}, {transform_indices = #map}, {transform_indices = #map1}]} {
    %mul3A = arith.constant 632 : i32
    %mul3A_0 = arith.muli %arg1, %mul3A : i32
    %mul3A_1 = arith.constant 632 : i32
    %mul3A_2 = arith.muli %arg1, %mul3A_1 : i32
    "tpu.region"() ({
      %run_scoped3A = tpu.sem_alloc : memref<!tpu.dma_semaphore, #tpu.memory_space<semaphore_mem>>
      %dma_start3A = arith.constant 0 : i32
      %dma_start3A_40 = tpu.memref_slice %arg11[%mul3A_2, %dma_start3A] : memref<10112x64xbf16, #tpu.memory_space<vmem_shared>> -> memref<632x64xbf16, #tpu.memory_space<vmem_shared>>
      %dma_start3A_41 = arith.constant 0 : i32
      %dma_start3A_42 = tpu.memref_slice %arg5[%mul3A_0, %dma_start3A_41] : memref<10112x64xbf16, #tpu.memory_space<hbm>> -> memref<632x64xbf16, #tpu.memory_space<hbm>>
      tpu.enqueue_dma source(%dma_start3A_42 : memref<632x64xbf16, #tpu.memory_space<hbm>>) target(%dma_start3A_40 : memref<632x64xbf16, #tpu.memory_space<vmem_shared>>) target_semaphore(%run_scoped3A : memref<!tpu.dma_semaphore, #tpu.memory_space<semaphore_mem>>)
      %dma_wait3A = arith.constant 0 : i32
      %dma_wait3A_43 = tpu.memref_slice %arg11[%mul3A_2, %dma_wait3A] : memref<10112x64xbf16, #tpu.memory_space<vmem_shared>> -> memref<632x64xbf16, #tpu.memory_space<vmem_shared>>
      %dma_wait3A_44 = arith.constant 0 : i32
      %dma_wait3A_45 = tpu.memref_slice %arg5[%mul3A_0, %dma_wait3A_44] : memref<10112x64xbf16, #tpu.memory_space<hbm>> -> memref<632x64xbf16, #tpu.memory_space<hbm>>
      tpu.wait_dma2 semaphore(%run_scoped3A : memref<!tpu.dma_semaphore, #tpu.memory_space<semaphore_mem>>) src(%dma_wait3A_45 : memref<632x64xbf16, #tpu.memory_space<hbm>>) dst(%dma_wait3A_43 : memref<632x64xbf16, #tpu.memory_space<vmem_shared>>)
      tpu.yield
    }) : () -> ()
    %lt3A = arith.constant 15 : i32
    %lt3A_3 = arith.cmpi slt, %arg1, %lt3A : i32
    %convert_element_type3A = arith.extui %lt3A_3 : i1 to i32
    %cond3A = arith.constant 0 : i32
    %cond3A_4 = arith.cmpi ne, %convert_element_type3A, %cond3A : i32
    scf.if %cond3A_4 {
      %mul3A_40 = arith.constant 632 : i32
      %mul3A_41 = arith.muli %arg1, %mul3A_40 : i32
      %mul3A_42 = arith.constant 632 : i32
      %mul3A_43 = arith.muli %arg1, %mul3A_42 : i32
      "tpu.region"() ({
        %run_scoped3A = tpu.sem_alloc : memref<!tpu.dma_semaphore, #tpu.memory_space<semaphore_mem>>
        %dma_start3A = arith.constant 0 : i32
        %dma_start3A_44 = tpu.memref_slice %arg12[%mul3A_43, %dma_start3A] : memref<10000x64xbf16, #tpu.memory_space<vmem_shared>> -> memref<632x64xbf16, #tpu.memory_space<vmem_shared>>
        %dma_start3A_45 = arith.constant 0 : i32
        %dma_start3A_46 = tpu.memref_slice %arg2[%mul3A_41, %dma_start3A_45] : memref<10000x64xbf16, #tpu.memory_space<hbm>> -> memref<632x64xbf16, #tpu.memory_space<hbm>>
        tpu.enqueue_dma source(%dma_start3A_46 : memref<632x64xbf16, #tpu.memory_space<hbm>>) target(%dma_start3A_44 : memref<632x64xbf16, #tpu.memory_space<vmem_shared>>) target_semaphore(%run_scoped3A : memref<!tpu.dma_semaphore, #tpu.memory_space<semaphore_mem>>)
        %dma_wait3A = arith.constant 0 : i32
        %dma_wait3A_47 = tpu.memref_slice %arg12[%mul3A_43, %dma_wait3A] : memref<10000x64xbf16, #tpu.memory_space<vmem_shared>> -> memref<632x64xbf16, #tpu.memory_space<vmem_shared>>
        %dma_wait3A_48 = arith.constant 0 : i32
        %dma_wait3A_49 = tpu.memref_slice %arg2[%mul3A_41, %dma_wait3A_48] : memref<10000x64xbf16, #tpu.memory_space<hbm>> -> memref<632x64xbf16, #tpu.memory_space<hbm>>
        tpu.wait_dma2 semaphore(%run_scoped3A : memref<!tpu.dma_semaphore, #tpu.memory_space<semaphore_mem>>) src(%dma_wait3A_49 : memref<632x64xbf16, #tpu.memory_space<hbm>>) dst(%dma_wait3A_47 : memref<632x64xbf16, #tpu.memory_space<vmem_shared>>)
        tpu.yield
      }) : () -> ()
    } else {
    }
    %eq3A = arith.constant 15 : i32
    %eq3A_5 = arith.cmpi eq, %arg1, %eq3A : i32
    %convert_element_type3A_6 = arith.extui %eq3A_5 : i1 to i32
    %cond3A_7 = arith.constant 0 : i32
    %cond3A_8 = arith.cmpi ne, %convert_element_type3A_6, %cond3A_7 : i32
    scf.if %cond3A_8 {
      "tpu.region"() ({
        %run_scoped3A = tpu.sem_alloc : memref<!tpu.dma_semaphore, #tpu.memory_space<semaphore_mem>>
        %dma_start3A = arith.constant 9480 : i32
        %dma_start3A_40 = arith.constant 0 : i32
        %dma_start3A_41 = tpu.memref_slice %arg12[%dma_start3A, %dma_start3A_40] : memref<10000x64xbf16, #tpu.memory_space<vmem_shared>> -> memref<520x64xbf16, #tpu.memory_space<vmem_shared>>
        %dma_start3A_42 = arith.constant 9480 : i32
        %dma_start3A_43 = arith.constant 0 : i32
        %dma_start3A_44 = tpu.memref_slice %arg2[%dma_start3A_42, %dma_start3A_43] : memref<10000x64xbf16, #tpu.memory_space<hbm>> -> memref<520x64xbf16, #tpu.memory_space<hbm>>
        tpu.enqueue_dma source(%dma_start3A_44 : memref<520x64xbf16, #tpu.memory_space<hbm>>) target(%dma_start3A_41 : memref<520x64xbf16, #tpu.memory_space<vmem_shared>>) target_semaphore(%run_scoped3A : memref<!tpu.dma_semaphore, #tpu.memory_space<semaphore_mem>>)
        %dma_wait3A = arith.constant 9480 : i32
        %dma_wait3A_45 = arith.constant 0 : i32
        %dma_wait3A_46 = tpu.memref_slice %arg12[%dma_wait3A, %dma_wait3A_45] : memref<10000x64xbf16, #tpu.memory_space<vmem_shared>> -> memref<520x64xbf16, #tpu.memory_space<vmem_shared>>
        %dma_wait3A_47 = arith.constant 9480 : i32
        %dma_wait3A_48 = arith.constant 0 : i32
        %dma_wait3A_49 = tpu.memref_slice %arg2[%dma_wait3A_47, %dma_wait3A_48] : memref<10000x64xbf16, #tpu.memory_space<hbm>> -> memref<520x64xbf16, #tpu.memory_space<hbm>>
        tpu.wait_dma2 semaphore(%run_scoped3A : memref<!tpu.dma_semaphore, #tpu.memory_space<semaphore_mem>>) src(%dma_wait3A_49 : memref<520x64xbf16, #tpu.memory_space<hbm>>) dst(%dma_wait3A_46 : memref<520x64xbf16, #tpu.memory_space<vmem_shared>>)
        tpu.yield
      }) : () -> ()
    } else {
    }
    %eq3A_9 = arith.constant 0 : i32
    %eq3A_10 = arith.cmpi eq, %arg0, %eq3A_9 : i32
    %convert_element_type3A_11 = arith.extui %eq3A_10 : i1 to i32
    %cond3A_12 = arith.constant 0 : i32
    %cond3A_13 = arith.cmpi ne, %convert_element_type3A_11, %cond3A_12 : i32
    scf.if %cond3A_13 {
      %mul3A_40 = arith.constant 40 : i32
      %mul3A_41 = arith.muli %arg1, %mul3A_40 : i32
      "tpu.region"() ({
        %run_scoped3A = tpu.sem_alloc : memref<!tpu.dma_semaphore, #tpu.memory_space<semaphore_mem>>
        %dma_start3A = arith.constant 0 : i32
        %dma_start3A_42 = arith.constant 0 : i32
        %dma_start3A_43 = tpu.memref_slice %arg7[%dma_start3A, %dma_start3A_42] : memref<40x128xi32, #tpu.memory_space<vmem>> -> memref<40x128xi32, #tpu.memory_space<vmem>>
        %dma_start3A_44 = arith.constant 0 : i32
        %dma_start3A_45 = tpu.memref_slice %arg3[%mul3A_41, %dma_start3A_44] : memref<1280x128xi32, #tpu.memory_space<hbm>> -> memref<40x128xi32, #tpu.memory_space<hbm>>
        %dma_start3A_46 = arith.constant 0 : i32
        %dma_start3A_47 = arith.constant 0 : i32
        %dma_start3A_48 = tpu.memref_slice %arg7[%dma_start3A_46, %dma_start3A_47] : memref<40x128xi32, #tpu.memory_space<vmem>> -> memref<40x128xi32, #tpu.memory_space<vmem>>
        %dma_start3A_49 = arith.constant 0 : i32
        %dma_start3A_50 = tpu.memref_slice %arg3[%mul3A_41, %dma_start3A_49] : memref<1280x128xi32, #tpu.memory_space<hbm>> -> memref<40x128xi32, #tpu.memory_space<hbm>>
        tpu.enqueue_dma source(%dma_start3A_50 : memref<40x128xi32, #tpu.memory_space<hbm>>) target(%dma_start3A_48 : memref<40x128xi32, #tpu.memory_space<vmem>>) target_semaphore(%run_scoped3A : memref<!tpu.dma_semaphore, #tpu.memory_space<semaphore_mem>>)
        %dma_wait3A = arith.constant 0 : i32
        %dma_wait3A_51 = arith.constant 0 : i32
        %dma_wait3A_52 = tpu.memref_slice %arg7[%dma_wait3A, %dma_wait3A_51] : memref<40x128xi32, #tpu.memory_space<vmem>> -> memref<40x128xi32, #tpu.memory_space<vmem>>
        %dma_wait3A_53 = arith.constant 0 : i32
        %dma_wait3A_54 = tpu.memref_slice %arg3[%mul3A_41, %dma_wait3A_53] : memref<1280x128xi32, #tpu.memory_space<hbm>> -> memref<40x128xi32, #tpu.memory_space<hbm>>
        %dma_wait3A_55 = arith.constant 0 : i32
        %dma_wait3A_56 = arith.constant 0 : i32
        %dma_wait3A_57 = tpu.memref_slice %arg7[%dma_wait3A_55, %dma_wait3A_56] : memref<40x128xi32, #tpu.memory_space<vmem>> -> memref<40x128xi32, #tpu.memory_space<vmem>>
        %dma_wait3A_58 = arith.constant 0 : i32
        %dma_wait3A_59 = tpu.memref_slice %arg3[%mul3A_41, %dma_wait3A_58] : memref<1280x128xi32, #tpu.memory_space<hbm>> -> memref<40x128xi32, #tpu.memory_space<hbm>>
        tpu.wait_dma2 semaphore(%run_scoped3A : memref<!tpu.dma_semaphore, #tpu.memory_space<semaphore_mem>>) src(%dma_wait3A_59 : memref<40x128xi32, #tpu.memory_space<hbm>>) dst(%dma_wait3A_57 : memref<40x128xi32, #tpu.memory_space<vmem>>)
        tpu.yield
      }) : () -> ()
      "tpu.region"() ({
        %run_scoped3A = tpu.sem_alloc : memref<!tpu.dma_semaphore, #tpu.memory_space<semaphore_mem>>
        %dma_start3A = arith.constant 0 : i32
        %dma_start3A_42 = arith.constant 0 : i32
        %dma_start3A_43 = tpu.memref_slice %arg8[%dma_start3A, %dma_start3A_42] : memref<40x128xi32, #tpu.memory_space<vmem>> -> memref<40x128xi32, #tpu.memory_space<vmem>>
        %dma_start3A_44 = arith.constant 0 : i32
        %dma_start3A_45 = tpu.memref_slice %arg4[%mul3A_41, %dma_start3A_44] : memref<1280x128xi32, #tpu.memory_space<hbm>> -> memref<40x128xi32, #tpu.memory_space<hbm>>
        %dma_start3A_46 = arith.constant 0 : i32
        %dma_start3A_47 = arith.constant 0 : i32
        %dma_start3A_48 = tpu.memref_slice %arg8[%dma_start3A_46, %dma_start3A_47] : memref<40x128xi32, #tpu.memory_space<vmem>> -> memref<40x128xi32, #tpu.memory_space<vmem>>
        %dma_start3A_49 = arith.constant 0 : i32
        %dma_start3A_50 = tpu.memref_slice %arg4[%mul3A_41, %dma_start3A_49] : memref<1280x128xi32, #tpu.memory_space<hbm>> -> memref<40x128xi32, #tpu.memory_space<hbm>>
        tpu.enqueue_dma source(%dma_start3A_50 : memref<40x128xi32, #tpu.memory_space<hbm>>) target(%dma_start3A_48 : memref<40x128xi32, #tpu.memory_space<vmem>>) target_semaphore(%run_scoped3A : memref<!tpu.dma_semaphore, #tpu.memory_space<semaphore_mem>>)
        %dma_wait3A = arith.constant 0 : i32
        %dma_wait3A_51 = arith.constant 0 : i32
        %dma_wait3A_52 = tpu.memref_slice %arg8[%dma_wait3A, %dma_wait3A_51] : memref<40x128xi32, #tpu.memory_space<vmem>> -> memref<40x128xi32, #tpu.memory_space<vmem>>
        %dma_wait3A_53 = arith.constant 0 : i32
        %dma_wait3A_54 = tpu.memref_slice %arg4[%mul3A_41, %dma_wait3A_53] : memref<1280x128xi32, #tpu.memory_space<hbm>> -> memref<40x128xi32, #tpu.memory_space<hbm>>
        %dma_wait3A_55 = arith.constant 0 : i32
        %dma_wait3A_56 = arith.constant 0 : i32
        %dma_wait3A_57 = tpu.memref_slice %arg8[%dma_wait3A_55, %dma_wait3A_56] : memref<40x128xi32, #tpu.memory_space<vmem>> -> memref<40x128xi32, #tpu.memory_space<vmem>>
        %dma_wait3A_58 = arith.constant 0 : i32
        %dma_wait3A_59 = tpu.memref_slice %arg4[%mul3A_41, %dma_wait3A_58] : memref<1280x128xi32, #tpu.memory_space<hbm>> -> memref<40x128xi32, #tpu.memory_space<hbm>>
        tpu.wait_dma2 semaphore(%run_scoped3A : memref<!tpu.dma_semaphore, #tpu.memory_space<semaphore_mem>>) src(%dma_wait3A_59 : memref<40x128xi32, #tpu.memory_space<hbm>>) dst(%dma_wait3A_57 : memref<40x128xi32, #tpu.memory_space<vmem>>)
        tpu.yield
      }) : () -> ()
    } else {
    }
    %eq3A_14 = arith.constant 1 : i32
    %eq3A_15 = arith.cmpi eq, %arg0, %eq3A_14 : i32
    %convert_element_type3A_16 = arith.extui %eq3A_15 : i1 to i32
    %cond3A_17 = arith.constant 0 : i32
    %cond3A_18 = arith.cmpi ne, %convert_element_type3A_16, %cond3A_17 : i32
    scf.if %cond3A_18 {
      %mul3A_40 = arith.constant 40 : i32
      %mul3A_41 = arith.muli %arg1, %mul3A_40 : i32
      %add3A = arith.constant 640 : i32
      %add3A_42 = arith.addi %add3A, %mul3A_41 : i32
      "tpu.region"() ({
        %run_scoped3A = tpu.sem_alloc : memref<!tpu.dma_semaphore, #tpu.memory_space<semaphore_mem>>
        %dma_start3A = arith.constant 0 : i32
        %dma_start3A_43 = arith.constant 0 : i32
        %dma_start3A_44 = tpu.memref_slice %arg7[%dma_start3A, %dma_start3A_43] : memref<40x128xi32, #tpu.memory_space<vmem>> -> memref<40x128xi32, #tpu.memory_space<vmem>>
        %dma_start3A_45 = arith.constant 0 : i32
        %dma_start3A_46 = tpu.memref_slice %arg3[%add3A_42, %dma_start3A_45] : memref<1280x128xi32, #tpu.memory_space<hbm>> -> memref<40x128xi32, #tpu.memory_space<hbm>>
        %dma_start3A_47 = arith.constant 0 : i32
        %dma_start3A_48 = arith.constant 0 : i32
        %dma_start3A_49 = tpu.memref_slice %arg7[%dma_start3A_47, %dma_start3A_48] : memref<40x128xi32, #tpu.memory_space<vmem>> -> memref<40x128xi32, #tpu.memory_space<vmem>>
        %dma_start3A_50 = arith.constant 0 : i32
        %dma_start3A_51 = tpu.memref_slice %arg3[%add3A_42, %dma_start3A_50] : memref<1280x128xi32, #tpu.memory_space<hbm>> -> memref<40x128xi32, #tpu.memory_space<hbm>>
        tpu.enqueue_dma source(%dma_start3A_51 : memref<40x128xi32, #tpu.memory_space<hbm>>) target(%dma_start3A_49 : memref<40x128xi32, #tpu.memory_space<vmem>>) target_semaphore(%run_scoped3A : memref<!tpu.dma_semaphore, #tpu.memory_space<semaphore_mem>>)
        %dma_wait3A = arith.constant 0 : i32
        %dma_wait3A_52 = arith.constant 0 : i32
        %dma_wait3A_53 = tpu.memref_slice %arg7[%dma_wait3A, %dma_wait3A_52] : memref<40x128xi32, #tpu.memory_space<vmem>> -> memref<40x128xi32, #tpu.memory_space<vmem>>
        %dma_wait3A_54 = arith.constant 0 : i32
        %dma_wait3A_55 = tpu.memref_slice %arg3[%add3A_42, %dma_wait3A_54] : memref<1280x128xi32, #tpu.memory_space<hbm>> -> memref<40x128xi32, #tpu.memory_space<hbm>>
        %dma_wait3A_56 = arith.constant 0 : i32
        %dma_wait3A_57 = arith.constant 0 : i32
        %dma_wait3A_58 = tpu.memref_slice %arg7[%dma_wait3A_56, %dma_wait3A_57] : memref<40x128xi32, #tpu.memory_space<vmem>> -> memref<40x128xi32, #tpu.memory_space<vmem>>
        %dma_wait3A_59 = arith.constant 0 : i32
        %dma_wait3A_60 = tpu.memref_slice %arg3[%add3A_42, %dma_wait3A_59] : memref<1280x128xi32, #tpu.memory_space<hbm>> -> memref<40x128xi32, #tpu.memory_space<hbm>>
        tpu.wait_dma2 semaphore(%run_scoped3A : memref<!tpu.dma_semaphore, #tpu.memory_space<semaphore_mem>>) src(%dma_wait3A_60 : memref<40x128xi32, #tpu.memory_space<hbm>>) dst(%dma_wait3A_58 : memref<40x128xi32, #tpu.memory_space<vmem>>)
        tpu.yield
      }) : () -> ()
      "tpu.region"() ({
        %run_scoped3A = tpu.sem_alloc : memref<!tpu.dma_semaphore, #tpu.memory_space<semaphore_mem>>
        %dma_start3A = arith.constant 0 : i32
        %dma_start3A_43 = arith.constant 0 : i32
        %dma_start3A_44 = tpu.memref_slice %arg8[%dma_start3A, %dma_start3A_43] : memref<40x128xi32, #tpu.memory_space<vmem>> -> memref<40x128xi32, #tpu.memory_space<vmem>>
        %dma_start3A_45 = arith.constant 0 : i32
        %dma_start3A_46 = tpu.memref_slice %arg4[%add3A_42, %dma_start3A_45] : memref<1280x128xi32, #tpu.memory_space<hbm>> -> memref<40x128xi32, #tpu.memory_space<hbm>>
        %dma_start3A_47 = arith.constant 0 : i32
        %dma_start3A_48 = arith.constant 0 : i32
        %dma_start3A_49 = tpu.memref_slice %arg8[%dma_start3A_47, %dma_start3A_48] : memref<40x128xi32, #tpu.memory_space<vmem>> -> memref<40x128xi32, #tpu.memory_space<vmem>>
        %dma_start3A_50 = arith.constant 0 : i32
        %dma_start3A_51 = tpu.memref_slice %arg4[%add3A_42, %dma_start3A_50] : memref<1280x128xi32, #tpu.memory_space<hbm>> -> memref<40x128xi32, #tpu.memory_space<hbm>>
        tpu.enqueue_dma source(%dma_start3A_51 : memref<40x128xi32, #tpu.memory_space<hbm>>) target(%dma_start3A_49 : memref<40x128xi32, #tpu.memory_space<vmem>>) target_semaphore(%run_scoped3A : memref<!tpu.dma_semaphore, #tpu.memory_space<semaphore_mem>>)
        %dma_wait3A = arith.constant 0 : i32
        %dma_wait3A_52 = arith.constant 0 : i32
        %dma_wait3A_53 = tpu.memref_slice %arg8[%dma_wait3A, %dma_wait3A_52] : memref<40x128xi32, #tpu.memory_space<vmem>> -> memref<40x128xi32, #tpu.memory_space<vmem>>
        %dma_wait3A_54 = arith.constant 0 : i32
        %dma_wait3A_55 = tpu.memref_slice %arg4[%add3A_42, %dma_wait3A_54] : memref<1280x128xi32, #tpu.memory_space<hbm>> -> memref<40x128xi32, #tpu.memory_space<hbm>>
        %dma_wait3A_56 = arith.constant 0 : i32
        %dma_wait3A_57 = arith.constant 0 : i32
        %dma_wait3A_58 = tpu.memref_slice %arg8[%dma_wait3A_56, %dma_wait3A_57] : memref<40x128xi32, #tpu.memory_space<vmem>> -> memref<40x128xi32, #tpu.memory_space<vmem>>
        %dma_wait3A_59 = arith.constant 0 : i32
        %dma_wait3A_60 = tpu.memref_slice %arg4[%add3A_42, %dma_wait3A_59] : memref<1280x128xi32, #tpu.memory_space<hbm>> -> memref<40x128xi32, #tpu.memory_space<hbm>>
        tpu.wait_dma2 semaphore(%run_scoped3A : memref<!tpu.dma_semaphore, #tpu.memory_space<semaphore_mem>>) src(%dma_wait3A_60 : memref<40x128xi32, #tpu.memory_space<hbm>>) dst(%dma_wait3A_58 : memref<40x128xi32, #tpu.memory_space<vmem>>)
        tpu.yield
      }) : () -> ()
    } else {
    }
    %barrier3A = arith.constant 0 : index
    tpu.barrier barrier_id(%barrier3A)
    %eq3A_19 = arith.constant 0 : i32
    %eq3A_20 = arith.cmpi eq, %arg0, %eq3A_19 : i32
    %convert_element_type3A_21 = arith.extui %eq3A_20 : i1 to i32
    %cond3A_22 = arith.constant 0 : i32
    %cond3A_23 = arith.cmpi ne, %convert_element_type3A_21, %cond3A_22 : i32
    scf.if %cond3A_23 {
      %dma_start3A = arith.constant 0 : i32
      %dma_start3A_40 = arith.constant 0 : i32
      %dma_start3A_41 = tpu.memref_slice %arg7[%dma_start3A, %dma_start3A_40] : memref<40x128xi32, #tpu.memory_space<vmem>> -> memref<1x128xi32, #tpu.memory_space<vmem>>
      %dma_start3A_42 = tpu.memref_squeeze %dma_start3A_41 : memref<1x128xi32, #tpu.memory_space<vmem>> -> memref<128xi32, #tpu.memory_space<vmem>>
      %dma_start3A_43 = arith.constant 0 : i32
      %dma_start3A_44 = arith.constant 0 : i32
      %dma_start3A_45 = tpu.memref_slice %arg12[%dma_start3A_43, %dma_start3A_44] : memref<10000x64xbf16, #tpu.memory_space<vmem_shared>> -> memref<10000x64xbf16, #tpu.memory_space<vmem_shared>>
      tpu.enqueue_indirect_dma source(%dma_start3A_45 : memref<10000x64xbf16, #tpu.memory_space<vmem_shared>>) target(%arg9 : memref<128x64xbf16, #tpu.memory_space<vmem>>) offsets(%dma_start3A_42 : memref<128xi32, #tpu.memory_space<vmem>>) semaphore(%arg13 : memref<!tpu.dma_semaphore, #tpu.memory_space<semaphore_mem>>)
      %scan3A = arith.constant 0 : i32
      %scan3A_46 = arith.constant 0 : i32
      %scan3A_47 = arith.constant 20 : i32
      %scan3A_48 = arith.addi %scan3A_46, %scan3A_47 : i32
      %scan3A_49 = arith.constant 1 : i32
      scf.for %scan3A_51 = %scan3A_46 to %scan3A_48 step %scan3A_49  : i32 {
        %mul3A_52 = arith.constant 2 : i32
        %mul3A_53 = arith.muli %mul3A_52, %scan3A_51 : i32
        %mul3A_54 = arith.constant 2 : i32
        %mul3A_55 = arith.muli %mul3A_54, %scan3A_51 : i32
        %add3A = arith.constant 1 : i32
        %add3A_56 = arith.addi %mul3A_55, %add3A : i32
        %dma_start3A_57 = arith.constant 0 : i32
        %dma_start3A_58 = tpu.memref_slice %arg7[%add3A_56, %dma_start3A_57] : memref<40x128xi32, #tpu.memory_space<vmem>> -> memref<1x128xi32, #tpu.memory_space<vmem>>
        %dma_start3A_59 = tpu.memref_squeeze %dma_start3A_58 : memref<1x128xi32, #tpu.memory_space<vmem>> -> memref<128xi32, #tpu.memory_space<vmem>>
        %dma_start3A_60 = arith.constant 0 : i32
        %dma_start3A_61 = arith.constant 0 : i32
        %dma_start3A_62 = tpu.memref_slice %arg12[%dma_start3A_60, %dma_start3A_61] : memref<10000x64xbf16, #tpu.memory_space<vmem_shared>> -> memref<10000x64xbf16, #tpu.memory_space<vmem_shared>>
        tpu.enqueue_indirect_dma source(%dma_start3A_62 : memref<10000x64xbf16, #tpu.memory_space<vmem_shared>>) target(%arg10 : memref<128x64xbf16, #tpu.memory_space<vmem>>) offsets(%dma_start3A_59 : memref<128xi32, #tpu.memory_space<vmem>>) semaphore(%arg14 : memref<!tpu.dma_semaphore, #tpu.memory_space<semaphore_mem>>)
        %dma_wait3A = arith.constant 0 : i32
        %dma_wait3A_63 = tpu.memref_slice %arg7[%mul3A_53, %dma_wait3A] : memref<40x128xi32, #tpu.memory_space<vmem>> -> memref<1x128xi32, #tpu.memory_space<vmem>>
        %dma_wait3A_64 = tpu.memref_squeeze %dma_wait3A_63 : memref<1x128xi32, #tpu.memory_space<vmem>> -> memref<128xi32, #tpu.memory_space<vmem>>
        %dma_wait3A_65 = arith.constant 0 : i32
        %dma_wait3A_66 = arith.constant 0 : i32
        %dma_wait3A_67 = tpu.memref_slice %arg12[%dma_wait3A_65, %dma_wait3A_66] : memref<10000x64xbf16, #tpu.memory_space<vmem_shared>> -> memref<10000x64xbf16, #tpu.memory_space<vmem_shared>>
        tpu.wait_indirect_dma semaphore(%arg13 : memref<!tpu.dma_semaphore, #tpu.memory_space<semaphore_mem>>) src(%dma_wait3A_67 : memref<10000x64xbf16, #tpu.memory_space<vmem_shared>>) dst(%arg9 : memref<128x64xbf16, #tpu.memory_space<vmem>>)
        "tpu.region"() ({
          %run_scoped3A = tpu.sem_alloc : memref<!tpu.dma_semaphore, #tpu.memory_space<semaphore_mem>>
          %dma_start3A_79 = arith.constant 0 : i32
          %dma_start3A_80 = tpu.memref_slice %arg8[%mul3A_53, %dma_start3A_79] : memref<40x128xi32, #tpu.memory_space<vmem>> -> memref<1x128xi32, #tpu.memory_space<vmem>>
          %dma_start3A_81 = tpu.memref_squeeze %dma_start3A_80 : memref<1x128xi32, #tpu.memory_space<vmem>> -> memref<128xi32, #tpu.memory_space<vmem>>
          %dma_start3A_82 = arith.constant 0 : i32
          %dma_start3A_83 = arith.constant 0 : i32
          %dma_start3A_84 = tpu.memref_slice %arg11[%dma_start3A_82, %dma_start3A_83] : memref<10112x64xbf16, #tpu.memory_space<vmem_shared>> -> memref<10112x64xbf16, #tpu.memory_space<vmem_shared>>
          tpu.enqueue_indirect_dma source(%arg9 : memref<128x64xbf16, #tpu.memory_space<vmem>>) target(%dma_start3A_84 : memref<10112x64xbf16, #tpu.memory_space<vmem_shared>>) offsets(%dma_start3A_81 : memref<128xi32, #tpu.memory_space<vmem>>) semaphore(%run_scoped3A : memref<!tpu.dma_semaphore, #tpu.memory_space<semaphore_mem>>) {add = true}
          %dma_wait3A_85 = arith.constant 0 : i32
          %dma_wait3A_86 = tpu.memref_slice %arg8[%mul3A_53, %dma_wait3A_85] : memref<40x128xi32, #tpu.memory_space<vmem>> -> memref<1x128xi32, #tpu.memory_space<vmem>>
          %dma_wait3A_87 = tpu.memref_squeeze %dma_wait3A_86 : memref<1x128xi32, #tpu.memory_space<vmem>> -> memref<128xi32, #tpu.memory_space<vmem>>
          %dma_wait3A_88 = arith.constant 0 : i32
          %dma_wait3A_89 = arith.constant 0 : i32
          %dma_wait3A_90 = tpu.memref_slice %arg11[%dma_wait3A_88, %dma_wait3A_89] : memref<10112x64xbf16, #tpu.memory_space<vmem_shared>> -> memref<10112x64xbf16, #tpu.memory_space<vmem_shared>>
          tpu.wait_indirect_dma semaphore(%run_scoped3A : memref<!tpu.dma_semaphore, #tpu.memory_space<semaphore_mem>>) src(%arg9 : memref<128x64xbf16, #tpu.memory_space<vmem>>) dst(%dma_wait3A_90 : memref<10112x64xbf16, #tpu.memory_space<vmem_shared>>)
          tpu.yield
        }) : () -> ()
        %lt3A_68 = arith.constant 19 : i32
        %lt3A_69 = arith.cmpi slt, %scan3A_51, %lt3A_68 : i32
        %convert_element_type3A_70 = arith.extui %lt3A_69 : i1 to i32
        %cond3A_71 = arith.constant 0 : i32
        %cond3A_72 = arith.cmpi ne, %convert_element_type3A_70, %cond3A_71 : i32
        scf.if %cond3A_72 {
          %add3A_79 = arith.constant 2 : i32
          %add3A_80 = arith.addi %mul3A_53, %add3A_79 : i32
          %dma_start3A_81 = arith.constant 0 : i32
          %dma_start3A_82 = tpu.memref_slice %arg7[%add3A_80, %dma_start3A_81] : memref<40x128xi32, #tpu.memory_space<vmem>> -> memref<1x128xi32, #tpu.memory_space<vmem>>
          %dma_start3A_83 = tpu.memref_squeeze %dma_start3A_82 : memref<1x128xi32, #tpu.memory_space<vmem>> -> memref<128xi32, #tpu.memory_space<vmem>>
          %dma_start3A_84 = arith.constant 0 : i32
          %dma_start3A_85 = arith.constant 0 : i32
          %dma_start3A_86 = tpu.memref_slice %arg12[%dma_start3A_84, %dma_start3A_85] : memref<10000x64xbf16, #tpu.memory_space<vmem_shared>> -> memref<10000x64xbf16, #tpu.memory_space<vmem_shared>>
          tpu.enqueue_indirect_dma source(%dma_start3A_86 : memref<10000x64xbf16, #tpu.memory_space<vmem_shared>>) target(%arg9 : memref<128x64xbf16, #tpu.memory_space<vmem>>) offsets(%dma_start3A_83 : memref<128xi32, #tpu.memory_space<vmem>>) semaphore(%arg13 : memref<!tpu.dma_semaphore, #tpu.memory_space<semaphore_mem>>)
        } else {
        }
        %dma_wait3A_73 = arith.constant 0 : i32
        %dma_wait3A_74 = tpu.memref_slice %arg7[%add3A_56, %dma_wait3A_73] : memref<40x128xi32, #tpu.memory_space<vmem>> -> memref<1x128xi32, #tpu.memory_space<vmem>>
        %dma_wait3A_75 = tpu.memref_squeeze %dma_wait3A_74 : memref<1x128xi32, #tpu.memory_space<vmem>> -> memref<128xi32, #tpu.memory_space<vmem>>
        %dma_wait3A_76 = arith.constant 0 : i32
        %dma_wait3A_77 = arith.constant 0 : i32
        %dma_wait3A_78 = tpu.memref_slice %arg12[%dma_wait3A_76, %dma_wait3A_77] : memref<10000x64xbf16, #tpu.memory_space<vmem_shared>> -> memref<10000x64xbf16, #tpu.memory_space<vmem_shared>>
        tpu.wait_indirect_dma semaphore(%arg14 : memref<!tpu.dma_semaphore, #tpu.memory_space<semaphore_mem>>) src(%dma_wait3A_78 : memref<10000x64xbf16, #tpu.memory_space<vmem_shared>>) dst(%arg10 : memref<128x64xbf16, #tpu.memory_space<vmem>>)
        "tpu.region"() ({
          %run_scoped3A = tpu.sem_alloc : memref<!tpu.dma_semaphore, #tpu.memory_space<semaphore_mem>>
          %dma_start3A_79 = arith.constant 0 : i32
          %dma_start3A_80 = tpu.memref_slice %arg8[%add3A_56, %dma_start3A_79] : memref<40x128xi32, #tpu.memory_space<vmem>> -> memref<1x128xi32, #tpu.memory_space<vmem>>
          %dma_start3A_81 = tpu.memref_squeeze %dma_start3A_80 : memref<1x128xi32, #tpu.memory_space<vmem>> -> memref<128xi32, #tpu.memory_space<vmem>>
          %dma_start3A_82 = arith.constant 0 : i32
          %dma_start3A_83 = arith.constant 0 : i32
          %dma_start3A_84 = tpu.memref_slice %arg11[%dma_start3A_82, %dma_start3A_83] : memref<10112x64xbf16, #tpu.memory_space<vmem_shared>> -> memref<10112x64xbf16, #tpu.memory_space<vmem_shared>>
          tpu.enqueue_indirect_dma source(%arg10 : memref<128x64xbf16, #tpu.memory_space<vmem>>) target(%dma_start3A_84 : memref<10112x64xbf16, #tpu.memory_space<vmem_shared>>) offsets(%dma_start3A_81 : memref<128xi32, #tpu.memory_space<vmem>>) semaphore(%run_scoped3A : memref<!tpu.dma_semaphore, #tpu.memory_space<semaphore_mem>>) {add = true}
          %dma_wait3A_85 = arith.constant 0 : i32
          %dma_wait3A_86 = tpu.memref_slice %arg8[%add3A_56, %dma_wait3A_85] : memref<40x128xi32, #tpu.memory_space<vmem>> -> memref<1x128xi32, #tpu.memory_space<vmem>>
          %dma_wait3A_87 = tpu.memref_squeeze %dma_wait3A_86 : memref<1x128xi32, #tpu.memory_space<vmem>> -> memref<128xi32, #tpu.memory_space<vmem>>
          %dma_wait3A_88 = arith.constant 0 : i32
          %dma_wait3A_89 = arith.constant 0 : i32
          %dma_wait3A_90 = tpu.memref_slice %arg11[%dma_wait3A_88, %dma_wait3A_89] : memref<10112x64xbf16, #tpu.memory_space<vmem_shared>> -> memref<10112x64xbf16, #tpu.memory_space<vmem_shared>>
          tpu.wait_indirect_dma semaphore(%run_scoped3A : memref<!tpu.dma_semaphore, #tpu.memory_space<semaphore_mem>>) src(%arg10 : memref<128x64xbf16, #tpu.memory_space<vmem>>) dst(%dma_wait3A_90 : memref<10112x64xbf16, #tpu.memory_space<vmem_shared>>)
          tpu.yield
        }) : () -> ()
      }
      %scan3A_50 = arith.constant 20 : i32
    } else {
    }
    %eq3A_24 = arith.constant 1 : i32
    %eq3A_25 = arith.cmpi eq, %arg0, %eq3A_24 : i32
    %convert_element_type3A_26 = arith.extui %eq3A_25 : i1 to i32
    %cond3A_27 = arith.constant 0 : i32
    %cond3A_28 = arith.cmpi ne, %convert_element_type3A_26, %cond3A_27 : i32
    scf.if %cond3A_28 {
      %dma_start3A = arith.constant 0 : i32
      %dma_start3A_40 = arith.constant 0 : i32
      %dma_start3A_41 = tpu.memref_slice %arg7[%dma_start3A, %dma_start3A_40] : memref<40x128xi32, #tpu.memory_space<vmem>> -> memref<1x128xi32, #tpu.memory_space<vmem>>
      %dma_start3A_42 = tpu.memref_squeeze %dma_start3A_41 : memref<1x128xi32, #tpu.memory_space<vmem>> -> memref<128xi32, #tpu.memory_space<vmem>>
      %dma_start3A_43 = arith.constant 0 : i32
      %dma_start3A_44 = arith.constant 0 : i32
      %dma_start3A_45 = tpu.memref_slice %arg12[%dma_start3A_43, %dma_start3A_44] : memref<10000x64xbf16, #tpu.memory_space<vmem_shared>> -> memref<10000x64xbf16, #tpu.memory_space<vmem_shared>>
      tpu.enqueue_indirect_dma source(%dma_start3A_45 : memref<10000x64xbf16, #tpu.memory_space<vmem_shared>>) target(%arg9 : memref<128x64xbf16, #tpu.memory_space<vmem>>) offsets(%dma_start3A_42 : memref<128xi32, #tpu.memory_space<vmem>>) semaphore(%arg13 : memref<!tpu.dma_semaphore, #tpu.memory_space<semaphore_mem>>)
      %scan3A = arith.constant 0 : i32
      %scan3A_46 = arith.constant 0 : i32
      %scan3A_47 = arith.constant 20 : i32
      %scan3A_48 = arith.addi %scan3A_46, %scan3A_47 : i32
      %scan3A_49 = arith.constant 1 : i32
      scf.for %scan3A_51 = %scan3A_46 to %scan3A_48 step %scan3A_49  : i32 {
        %mul3A_52 = arith.constant 2 : i32
        %mul3A_53 = arith.muli %mul3A_52, %scan3A_51 : i32
        %mul3A_54 = arith.constant 2 : i32
        %mul3A_55 = arith.muli %mul3A_54, %scan3A_51 : i32
        %add3A = arith.constant 1 : i32
        %add3A_56 = arith.addi %mul3A_55, %add3A : i32
        %dma_start3A_57 = arith.constant 0 : i32
        %dma_start3A_58 = tpu.memref_slice %arg7[%add3A_56, %dma_start3A_57] : memref<40x128xi32, #tpu.memory_space<vmem>> -> memref<1x128xi32, #tpu.memory_space<vmem>>
        %dma_start3A_59 = tpu.memref_squeeze %dma_start3A_58 : memref<1x128xi32, #tpu.memory_space<vmem>> -> memref<128xi32, #tpu.memory_space<vmem>>
        %dma_start3A_60 = arith.constant 0 : i32
        %dma_start3A_61 = arith.constant 0 : i32
        %dma_start3A_62 = tpu.memref_slice %arg12[%dma_start3A_60, %dma_start3A_61] : memref<10000x64xbf16, #tpu.memory_space<vmem_shared>> -> memref<10000x64xbf16, #tpu.memory_space<vmem_shared>>
        tpu.enqueue_indirect_dma source(%dma_start3A_62 : memref<10000x64xbf16, #tpu.memory_space<vmem_shared>>) target(%arg10 : memref<128x64xbf16, #tpu.memory_space<vmem>>) offsets(%dma_start3A_59 : memref<128xi32, #tpu.memory_space<vmem>>) semaphore(%arg14 : memref<!tpu.dma_semaphore, #tpu.memory_space<semaphore_mem>>)
        %dma_wait3A = arith.constant 0 : i32
        %dma_wait3A_63 = tpu.memref_slice %arg7[%mul3A_53, %dma_wait3A] : memref<40x128xi32, #tpu.memory_space<vmem>> -> memref<1x128xi32, #tpu.memory_space<vmem>>
        %dma_wait3A_64 = tpu.memref_squeeze %dma_wait3A_63 : memref<1x128xi32, #tpu.memory_space<vmem>> -> memref<128xi32, #tpu.memory_space<vmem>>
        %dma_wait3A_65 = arith.constant 0 : i32
        %dma_wait3A_66 = arith.constant 0 : i32
        %dma_wait3A_67 = tpu.memref_slice %arg12[%dma_wait3A_65, %dma_wait3A_66] : memref<10000x64xbf16, #tpu.memory_space<vmem_shared>> -> memref<10000x64xbf16, #tpu.memory_space<vmem_shared>>
        tpu.wait_indirect_dma semaphore(%arg13 : memref<!tpu.dma_semaphore, #tpu.memory_space<semaphore_mem>>) src(%dma_wait3A_67 : memref<10000x64xbf16, #tpu.memory_space<vmem_shared>>) dst(%arg9 : memref<128x64xbf16, #tpu.memory_space<vmem>>)
        "tpu.region"() ({
          %run_scoped3A = tpu.sem_alloc : memref<!tpu.dma_semaphore, #tpu.memory_space<semaphore_mem>>
          %dma_start3A_79 = arith.constant 0 : i32
          %dma_start3A_80 = tpu.memref_slice %arg8[%mul3A_53, %dma_start3A_79] : memref<40x128xi32, #tpu.memory_space<vmem>> -> memref<1x128xi32, #tpu.memory_space<vmem>>
          %dma_start3A_81 = tpu.memref_squeeze %dma_start3A_80 : memref<1x128xi32, #tpu.memory_space<vmem>> -> memref<128xi32, #tpu.memory_space<vmem>>
          %dma_start3A_82 = arith.constant 0 : i32
          %dma_start3A_83 = arith.constant 0 : i32
          %dma_start3A_84 = tpu.memref_slice %arg11[%dma_start3A_82, %dma_start3A_83] : memref<10112x64xbf16, #tpu.memory_space<vmem_shared>> -> memref<10112x64xbf16, #tpu.memory_space<vmem_shared>>
          tpu.enqueue_indirect_dma source(%arg9 : memref<128x64xbf16, #tpu.memory_space<vmem>>) target(%dma_start3A_84 : memref<10112x64xbf16, #tpu.memory_space<vmem_shared>>) offsets(%dma_start3A_81 : memref<128xi32, #tpu.memory_space<vmem>>) semaphore(%run_scoped3A : memref<!tpu.dma_semaphore, #tpu.memory_space<semaphore_mem>>) {add = true}
          %dma_wait3A_85 = arith.constant 0 : i32
          %dma_wait3A_86 = tpu.memref_slice %arg8[%mul3A_53, %dma_wait3A_85] : memref<40x128xi32, #tpu.memory_space<vmem>> -> memref<1x128xi32, #tpu.memory_space<vmem>>
          %dma_wait3A_87 = tpu.memref_squeeze %dma_wait3A_86 : memref<1x128xi32, #tpu.memory_space<vmem>> -> memref<128xi32, #tpu.memory_space<vmem>>
          %dma_wait3A_88 = arith.constant 0 : i32
          %dma_wait3A_89 = arith.constant 0 : i32
          %dma_wait3A_90 = tpu.memref_slice %arg11[%dma_wait3A_88, %dma_wait3A_89] : memref<10112x64xbf16, #tpu.memory_space<vmem_shared>> -> memref<10112x64xbf16, #tpu.memory_space<vmem_shared>>
          tpu.wait_indirect_dma semaphore(%run_scoped3A : memref<!tpu.dma_semaphore, #tpu.memory_space<semaphore_mem>>) src(%arg9 : memref<128x64xbf16, #tpu.memory_space<vmem>>) dst(%dma_wait3A_90 : memref<10112x64xbf16, #tpu.memory_space<vmem_shared>>)
          tpu.yield
        }) : () -> ()
        %lt3A_68 = arith.constant 19 : i32
        %lt3A_69 = arith.cmpi slt, %scan3A_51, %lt3A_68 : i32
        %convert_element_type3A_70 = arith.extui %lt3A_69 : i1 to i32
        %cond3A_71 = arith.constant 0 : i32
        %cond3A_72 = arith.cmpi ne, %convert_element_type3A_70, %cond3A_71 : i32
        scf.if %cond3A_72 {
          %add3A_79 = arith.constant 2 : i32
          %add3A_80 = arith.addi %mul3A_53, %add3A_79 : i32
          %dma_start3A_81 = arith.constant 0 : i32
          %dma_start3A_82 = tpu.memref_slice %arg7[%add3A_80, %dma_start3A_81] : memref<40x128xi32, #tpu.memory_space<vmem>> -> memref<1x128xi32, #tpu.memory_space<vmem>>
          %dma_start3A_83 = tpu.memref_squeeze %dma_start3A_82 : memref<1x128xi32, #tpu.memory_space<vmem>> -> memref<128xi32, #tpu.memory_space<vmem>>
          %dma_start3A_84 = arith.constant 0 : i32
          %dma_start3A_85 = arith.constant 0 : i32
          %dma_start3A_86 = tpu.memref_slice %arg12[%dma_start3A_84, %dma_start3A_85] : memref<10000x64xbf16, #tpu.memory_space<vmem_shared>> -> memref<10000x64xbf16, #tpu.memory_space<vmem_shared>>
          tpu.enqueue_indirect_dma source(%dma_start3A_86 : memref<10000x64xbf16, #tpu.memory_space<vmem_shared>>) target(%arg9 : memref<128x64xbf16, #tpu.memory_space<vmem>>) offsets(%dma_start3A_83 : memref<128xi32, #tpu.memory_space<vmem>>) semaphore(%arg13 : memref<!tpu.dma_semaphore, #tpu.memory_space<semaphore_mem>>)
        } else {
        }
        %dma_wait3A_73 = arith.constant 0 : i32
        %dma_wait3A_74 = tpu.memref_slice %arg7[%add3A_56, %dma_wait3A_73] : memref<40x128xi32, #tpu.memory_space<vmem>> -> memref<1x128xi32, #tpu.memory_space<vmem>>
        %dma_wait3A_75 = tpu.memref_squeeze %dma_wait3A_74 : memref<1x128xi32, #tpu.memory_space<vmem>> -> memref<128xi32, #tpu.memory_space<vmem>>
        %dma_wait3A_76 = arith.constant 0 : i32
        %dma_wait3A_77 = arith.constant 0 : i32
        %dma_wait3A_78 = tpu.memref_slice %arg12[%dma_wait3A_76, %dma_wait3A_77] : memref<10000x64xbf16, #tpu.memory_space<vmem_shared>> -> memref<10000x64xbf16, #tpu.memory_space<vmem_shared>>
        tpu.wait_indirect_dma semaphore(%arg14 : memref<!tpu.dma_semaphore, #tpu.memory_space<semaphore_mem>>) src(%dma_wait3A_78 : memref<10000x64xbf16, #tpu.memory_space<vmem_shared>>) dst(%arg10 : memref<128x64xbf16, #tpu.memory_space<vmem>>)
        "tpu.region"() ({
          %run_scoped3A = tpu.sem_alloc : memref<!tpu.dma_semaphore, #tpu.memory_space<semaphore_mem>>
          %dma_start3A_79 = arith.constant 0 : i32
          %dma_start3A_80 = tpu.memref_slice %arg8[%add3A_56, %dma_start3A_79] : memref<40x128xi32, #tpu.memory_space<vmem>> -> memref<1x128xi32, #tpu.memory_space<vmem>>
          %dma_start3A_81 = tpu.memref_squeeze %dma_start3A_80 : memref<1x128xi32, #tpu.memory_space<vmem>> -> memref<128xi32, #tpu.memory_space<vmem>>
          %dma_start3A_82 = arith.constant 0 : i32
          %dma_start3A_83 = arith.constant 0 : i32
          %dma_start3A_84 = tpu.memref_slice %arg11[%dma_start3A_82, %dma_start3A_83] : memref<10112x64xbf16, #tpu.memory_space<vmem_shared>> -> memref<10112x64xbf16, #tpu.memory_space<vmem_shared>>
          tpu.enqueue_indirect_dma source(%arg10 : memref<128x64xbf16, #tpu.memory_space<vmem>>) target(%dma_start3A_84 : memref<10112x64xbf16, #tpu.memory_space<vmem_shared>>) offsets(%dma_start3A_81 : memref<128xi32, #tpu.memory_space<vmem>>) semaphore(%run_scoped3A : memref<!tpu.dma_semaphore, #tpu.memory_space<semaphore_mem>>) {add = true}
          %dma_wait3A_85 = arith.constant 0 : i32
          %dma_wait3A_86 = tpu.memref_slice %arg8[%add3A_56, %dma_wait3A_85] : memref<40x128xi32, #tpu.memory_space<vmem>> -> memref<1x128xi32, #tpu.memory_space<vmem>>
          %dma_wait3A_87 = tpu.memref_squeeze %dma_wait3A_86 : memref<1x128xi32, #tpu.memory_space<vmem>> -> memref<128xi32, #tpu.memory_space<vmem>>
          %dma_wait3A_88 = arith.constant 0 : i32
          %dma_wait3A_89 = arith.constant 0 : i32
          %dma_wait3A_90 = tpu.memref_slice %arg11[%dma_wait3A_88, %dma_wait3A_89] : memref<10112x64xbf16, #tpu.memory_space<vmem_shared>> -> memref<10112x64xbf16, #tpu.memory_space<vmem_shared>>
          tpu.wait_indirect_dma semaphore(%run_scoped3A : memref<!tpu.dma_semaphore, #tpu.memory_space<semaphore_mem>>) src(%arg10 : memref<128x64xbf16, #tpu.memory_space<vmem>>) dst(%dma_wait3A_90 : memref<10112x64xbf16, #tpu.memory_space<vmem_shared>>)
          tpu.yield
        }) : () -> ()
      }
      %scan3A_50 = arith.constant 20 : i32
    } else {
    }
    %barrier3A_29 = arith.constant 0 : index
    tpu.barrier barrier_id(%barrier3A_29)
    %lt3A_30 = arith.constant 15 : i32
    %lt3A_31 = arith.cmpi slt, %arg1, %lt3A_30 : i32
    %convert_element_type3A_32 = arith.extui %lt3A_31 : i1 to i32
    %cond3A_33 = arith.constant 0 : i32
    %cond3A_34 = arith.cmpi ne, %convert_element_type3A_32, %cond3A_33 : i32
    scf.if %cond3A_34 {
      %mul3A_40 = arith.constant 632 : i32
      %mul3A_41 = arith.muli %arg1, %mul3A_40 : i32
      %mul3A_42 = arith.constant 632 : i32
      %mul3A_43 = arith.muli %arg1, %mul3A_42 : i32
      "tpu.region"() ({
        %run_scoped3A = tpu.sem_alloc : memref<!tpu.dma_semaphore, #tpu.memory_space<semaphore_mem>>
        %dma_start3A = arith.constant 0 : i32
        %dma_start3A_44 = tpu.memref_slice %arg6[%arg0, %mul3A_43, %dma_start3A] : memref<2x10000x64xbf16, #tpu.memory_space<hbm>> -> memref<1x632x64xbf16, #tpu.memory_space<hbm>>
        %dma_start3A_45 = tpu.memref_squeeze %dma_start3A_44 : memref<1x632x64xbf16, #tpu.memory_space<hbm>> -> memref<632x64xbf16, #tpu.memory_space<hbm>>
        %dma_start3A_46 = arith.constant 0 : i32
        %dma_start3A_47 = tpu.memref_slice %arg11[%mul3A_41, %dma_start3A_46] : memref<10112x64xbf16, #tpu.memory_space<vmem_shared>> -> memref<632x64xbf16, #tpu.memory_space<vmem_shared>>
        tpu.enqueue_dma source(%dma_start3A_47 : memref<632x64xbf16, #tpu.memory_space<vmem_shared>>) target(%dma_start3A_45 : memref<632x64xbf16, #tpu.memory_space<hbm>>) target_semaphore(%run_scoped3A : memref<!tpu.dma_semaphore, #tpu.memory_space<semaphore_mem>>)
        %dma_wait3A = arith.constant 0 : i32
        %dma_wait3A_48 = tpu.memref_slice %arg6[%arg0, %mul3A_43, %dma_wait3A] : memref<2x10000x64xbf16, #tpu.memory_space<hbm>> -> memref<1x632x64xbf16, #tpu.memory_space<hbm>>
        %dma_wait3A_49 = tpu.memref_squeeze %dma_wait3A_48 : memref<1x632x64xbf16, #tpu.memory_space<hbm>> -> memref<632x64xbf16, #tpu.memory_space<hbm>>
        %dma_wait3A_50 = arith.constant 0 : i32
        %dma_wait3A_51 = tpu.memref_slice %arg11[%mul3A_41, %dma_wait3A_50] : memref<10112x64xbf16, #tpu.memory_space<vmem_shared>> -> memref<632x64xbf16, #tpu.memory_space<vmem_shared>>
        tpu.wait_dma2 semaphore(%run_scoped3A : memref<!tpu.dma_semaphore, #tpu.memory_space<semaphore_mem>>) src(%dma_wait3A_51 : memref<632x64xbf16, #tpu.memory_space<vmem_shared>>) dst(%dma_wait3A_49 : memref<632x64xbf16, #tpu.memory_space<hbm>>)
        tpu.yield
      }) : () -> ()
    } else {
    }
    %eq3A_35 = arith.constant 15 : i32
    %eq3A_36 = arith.cmpi eq, %arg1, %eq3A_35 : i32
    %convert_element_type3A_37 = arith.extui %eq3A_36 : i1 to i32
    %cond3A_38 = arith.constant 0 : i32
    %cond3A_39 = arith.cmpi ne, %convert_element_type3A_37, %cond3A_38 : i32
    scf.if %cond3A_39 {
      "tpu.region"() ({
        %run_scoped3A = tpu.sem_alloc : memref<!tpu.dma_semaphore, #tpu.memory_space<semaphore_mem>>
        %dma_start3A = arith.constant 9480 : i32
        %dma_start3A_40 = arith.constant 0 : i32
        %dma_start3A_41 = tpu.memref_slice %arg6[%arg0, %dma_start3A, %dma_start3A_40] : memref<2x10000x64xbf16, #tpu.memory_space<hbm>> -> memref<1x520x64xbf16, #tpu.memory_space<hbm>>
        %dma_start3A_42 = tpu.memref_squeeze %dma_start3A_41 : memref<1x520x64xbf16, #tpu.memory_space<hbm>> -> memref<520x64xbf16, #tpu.memory_space<hbm>>
        %dma_start3A_43 = arith.constant 9480 : i32
        %dma_start3A_44 = arith.constant 0 : i32
        %dma_start3A_45 = tpu.memref_slice %arg11[%dma_start3A_43, %dma_start3A_44] : memref<10112x64xbf16, #tpu.memory_space<vmem_shared>> -> memref<520x64xbf16, #tpu.memory_space<vmem_shared>>
        tpu.enqueue_dma source(%dma_start3A_45 : memref<520x64xbf16, #tpu.memory_space<vmem_shared>>) target(%dma_start3A_42 : memref<520x64xbf16, #tpu.memory_space<hbm>>) target_semaphore(%run_scoped3A : memref<!tpu.dma_semaphore, #tpu.memory_space<semaphore_mem>>)
        %dma_wait3A = arith.constant 9480 : i32
        %dma_wait3A_46 = arith.constant 0 : i32
        %dma_wait3A_47 = tpu.memref_slice %arg6[%arg0, %dma_wait3A, %dma_wait3A_46] : memref<2x10000x64xbf16, #tpu.memory_space<hbm>> -> memref<1x520x64xbf16, #tpu.memory_space<hbm>>
        %dma_wait3A_48 = tpu.memref_squeeze %dma_wait3A_47 : memref<1x520x64xbf16, #tpu.memory_space<hbm>> -> memref<520x64xbf16, #tpu.memory_space<hbm>>
        %dma_wait3A_49 = arith.constant 9480 : i32
        %dma_wait3A_50 = arith.constant 0 : i32
        %dma_wait3A_51 = tpu.memref_slice %arg11[%dma_wait3A_49, %dma_wait3A_50] : memref<10112x64xbf16, #tpu.memory_space<vmem_shared>> -> memref<520x64xbf16, #tpu.memory_space<vmem_shared>>
        tpu.wait_dma2 semaphore(%run_scoped3A : memref<!tpu.dma_semaphore, #tpu.memory_space<semaphore_mem>>) src(%dma_wait3A_51 : memref<520x64xbf16, #tpu.memory_space<vmem_shared>>) dst(%dma_wait3A_48 : memref<520x64xbf16, #tpu.memory_space<hbm>>)
        tpu.yield
      }) : () -> ()
    } else {
    }
    return
  }
}

#map = affine_map<(d0, d1) -> (0, 0)>
#map1 = affine_map<(d0, d1) -> (0, 0, 0, 0)>
module attributes {stable_mosaic.version = 14 : i64} {
  func.func @_deg_kernel(%arg0: i32, %arg1: i32, %arg2: memref<1280x128xi32, #tpu.memory_space<hbm>>, %arg3: memref<1280x128xi32, #tpu.memory_space<hbm>>, %arg4: memref<128x16xf32, #tpu.memory_space<hbm>>, %arg5: memref<10112x16xf32, #tpu.memory_space<hbm>>, %arg6: memref<2x2x10000x16xf32, #tpu.memory_space<hbm>>, %arg7: memref<40x128xi32, #tpu.memory_space<vmem>>, %arg8: memref<40x128xi32, #tpu.memory_space<vmem>>, %arg9: memref<128x16xf32, #tpu.memory_space<vmem>>, %arg10: memref<10112x16xf32, #tpu.memory_space<vmem_shared>>, %arg11: memref<10112x16xf32, #tpu.memory_space<vmem_shared>>) attributes {dimension_semantics = [#tpu.dimension_semantics<core_parallel>, #tpu.dimension_semantics<subcore_parallel>], iteration_bounds = array<i64: 2, 16>, scalar_prefetch = 0 : i64, scratch_operands = 5 : i64, tpu.core_type = #tpu.core_type<sc_vector_subcore>, window_params = [{transform_indices = #map}, {transform_indices = #map}, {transform_indices = #map}, {transform_indices = #map}, {transform_indices = #map1}]} {
    %mul3A = arith.constant 16 : i32
    %mul3A_0 = arith.muli %arg0, %mul3A : i32
    %add3A = arith.addi %mul3A_0, %arg1 : i32
    "tpu.region"() ({
      %run_scoped3A = tpu.sem_alloc : memref<!tpu.dma_semaphore, #tpu.memory_space<semaphore_mem>>
      tpu.enqueue_dma source(%arg4 : memref<128x16xf32, #tpu.memory_space<hbm>>) target(%arg9 : memref<128x16xf32, #tpu.memory_space<vmem>>) target_semaphore(%run_scoped3A : memref<!tpu.dma_semaphore, #tpu.memory_space<semaphore_mem>>)
      tpu.wait_dma2 semaphore(%run_scoped3A : memref<!tpu.dma_semaphore, #tpu.memory_space<semaphore_mem>>) src(%arg4 : memref<128x16xf32, #tpu.memory_space<hbm>>) dst(%arg9 : memref<128x16xf32, #tpu.memory_space<vmem>>)
      tpu.yield
    }) : () -> ()
    %mul3A_1 = arith.constant 632 : i32
    %mul3A_2 = arith.muli %arg1, %mul3A_1 : i32
    %mul3A_3 = arith.constant 632 : i32
    %mul3A_4 = arith.muli %arg1, %mul3A_3 : i32
    "tpu.region"() ({
      %run_scoped3A = tpu.sem_alloc : memref<!tpu.dma_semaphore, #tpu.memory_space<semaphore_mem>>
      %dma_start3A = arith.constant 0 : i32
      %dma_start3A_25 = tpu.memref_slice %arg10[%mul3A_4, %dma_start3A] : memref<10112x16xf32, #tpu.memory_space<vmem_shared>> -> memref<632x16xf32, #tpu.memory_space<vmem_shared>>
      %dma_start3A_26 = arith.constant 0 : i32
      %dma_start3A_27 = tpu.memref_slice %arg5[%mul3A_2, %dma_start3A_26] : memref<10112x16xf32, #tpu.memory_space<hbm>> -> memref<632x16xf32, #tpu.memory_space<hbm>>
      tpu.enqueue_dma source(%dma_start3A_27 : memref<632x16xf32, #tpu.memory_space<hbm>>) target(%dma_start3A_25 : memref<632x16xf32, #tpu.memory_space<vmem_shared>>) target_semaphore(%run_scoped3A : memref<!tpu.dma_semaphore, #tpu.memory_space<semaphore_mem>>)
      %dma_wait3A = arith.constant 0 : i32
      %dma_wait3A_28 = tpu.memref_slice %arg10[%mul3A_4, %dma_wait3A] : memref<10112x16xf32, #tpu.memory_space<vmem_shared>> -> memref<632x16xf32, #tpu.memory_space<vmem_shared>>
      %dma_wait3A_29 = arith.constant 0 : i32
      %dma_wait3A_30 = tpu.memref_slice %arg5[%mul3A_2, %dma_wait3A_29] : memref<10112x16xf32, #tpu.memory_space<hbm>> -> memref<632x16xf32, #tpu.memory_space<hbm>>
      tpu.wait_dma2 semaphore(%run_scoped3A : memref<!tpu.dma_semaphore, #tpu.memory_space<semaphore_mem>>) src(%dma_wait3A_30 : memref<632x16xf32, #tpu.memory_space<hbm>>) dst(%dma_wait3A_28 : memref<632x16xf32, #tpu.memory_space<vmem_shared>>)
      tpu.yield
    }) : () -> ()
    %mul3A_5 = arith.constant 632 : i32
    %mul3A_6 = arith.muli %arg1, %mul3A_5 : i32
    %mul3A_7 = arith.constant 632 : i32
    %mul3A_8 = arith.muli %arg1, %mul3A_7 : i32
    "tpu.region"() ({
      %run_scoped3A = tpu.sem_alloc : memref<!tpu.dma_semaphore, #tpu.memory_space<semaphore_mem>>
      %dma_start3A = arith.constant 0 : i32
      %dma_start3A_25 = tpu.memref_slice %arg11[%mul3A_8, %dma_start3A] : memref<10112x16xf32, #tpu.memory_space<vmem_shared>> -> memref<632x16xf32, #tpu.memory_space<vmem_shared>>
      %dma_start3A_26 = arith.constant 0 : i32
      %dma_start3A_27 = tpu.memref_slice %arg5[%mul3A_6, %dma_start3A_26] : memref<10112x16xf32, #tpu.memory_space<hbm>> -> memref<632x16xf32, #tpu.memory_space<hbm>>
      tpu.enqueue_dma source(%dma_start3A_27 : memref<632x16xf32, #tpu.memory_space<hbm>>) target(%dma_start3A_25 : memref<632x16xf32, #tpu.memory_space<vmem_shared>>) target_semaphore(%run_scoped3A : memref<!tpu.dma_semaphore, #tpu.memory_space<semaphore_mem>>)
      %dma_wait3A = arith.constant 0 : i32
      %dma_wait3A_28 = tpu.memref_slice %arg11[%mul3A_8, %dma_wait3A] : memref<10112x16xf32, #tpu.memory_space<vmem_shared>> -> memref<632x16xf32, #tpu.memory_space<vmem_shared>>
      %dma_wait3A_29 = arith.constant 0 : i32
      %dma_wait3A_30 = tpu.memref_slice %arg5[%mul3A_6, %dma_wait3A_29] : memref<10112x16xf32, #tpu.memory_space<hbm>> -> memref<632x16xf32, #tpu.memory_space<hbm>>
      tpu.wait_dma2 semaphore(%run_scoped3A : memref<!tpu.dma_semaphore, #tpu.memory_space<semaphore_mem>>) src(%dma_wait3A_30 : memref<632x16xf32, #tpu.memory_space<hbm>>) dst(%dma_wait3A_28 : memref<632x16xf32, #tpu.memory_space<vmem_shared>>)
      tpu.yield
    }) : () -> ()
    %mul3A_9 = arith.constant 40 : i32
    %mul3A_10 = arith.muli %add3A, %mul3A_9 : i32
    "tpu.region"() ({
      %run_scoped3A = tpu.sem_alloc : memref<!tpu.dma_semaphore, #tpu.memory_space<semaphore_mem>>
      %dma_start3A = arith.constant 0 : i32
      %dma_start3A_25 = tpu.memref_slice %arg2[%mul3A_10, %dma_start3A] : memref<1280x128xi32, #tpu.memory_space<hbm>> -> memref<40x128xi32, #tpu.memory_space<hbm>>
      %dma_start3A_26 = arith.constant 0 : i32
      %dma_start3A_27 = tpu.memref_slice %arg2[%mul3A_10, %dma_start3A_26] : memref<1280x128xi32, #tpu.memory_space<hbm>> -> memref<40x128xi32, #tpu.memory_space<hbm>>
      tpu.enqueue_dma source(%dma_start3A_27 : memref<40x128xi32, #tpu.memory_space<hbm>>) target(%arg7 : memref<40x128xi32, #tpu.memory_space<vmem>>) target_semaphore(%run_scoped3A : memref<!tpu.dma_semaphore, #tpu.memory_space<semaphore_mem>>)
      %dma_wait3A = arith.constant 0 : i32
      %dma_wait3A_28 = tpu.memref_slice %arg2[%mul3A_10, %dma_wait3A] : memref<1280x128xi32, #tpu.memory_space<hbm>> -> memref<40x128xi32, #tpu.memory_space<hbm>>
      %dma_wait3A_29 = arith.constant 0 : i32
      %dma_wait3A_30 = tpu.memref_slice %arg2[%mul3A_10, %dma_wait3A_29] : memref<1280x128xi32, #tpu.memory_space<hbm>> -> memref<40x128xi32, #tpu.memory_space<hbm>>
      tpu.wait_dma2 semaphore(%run_scoped3A : memref<!tpu.dma_semaphore, #tpu.memory_space<semaphore_mem>>) src(%dma_wait3A_30 : memref<40x128xi32, #tpu.memory_space<hbm>>) dst(%arg7 : memref<40x128xi32, #tpu.memory_space<vmem>>)
      tpu.yield
    }) : () -> ()
    %mul3A_11 = arith.constant 40 : i32
    %mul3A_12 = arith.muli %add3A, %mul3A_11 : i32
    "tpu.region"() ({
      %run_scoped3A = tpu.sem_alloc : memref<!tpu.dma_semaphore, #tpu.memory_space<semaphore_mem>>
      %dma_start3A = arith.constant 0 : i32
      %dma_start3A_25 = tpu.memref_slice %arg3[%mul3A_12, %dma_start3A] : memref<1280x128xi32, #tpu.memory_space<hbm>> -> memref<40x128xi32, #tpu.memory_space<hbm>>
      %dma_start3A_26 = arith.constant 0 : i32
      %dma_start3A_27 = tpu.memref_slice %arg3[%mul3A_12, %dma_start3A_26] : memref<1280x128xi32, #tpu.memory_space<hbm>> -> memref<40x128xi32, #tpu.memory_space<hbm>>
      tpu.enqueue_dma source(%dma_start3A_27 : memref<40x128xi32, #tpu.memory_space<hbm>>) target(%arg8 : memref<40x128xi32, #tpu.memory_space<vmem>>) target_semaphore(%run_scoped3A : memref<!tpu.dma_semaphore, #tpu.memory_space<semaphore_mem>>)
      %dma_wait3A = arith.constant 0 : i32
      %dma_wait3A_28 = tpu.memref_slice %arg3[%mul3A_12, %dma_wait3A] : memref<1280x128xi32, #tpu.memory_space<hbm>> -> memref<40x128xi32, #tpu.memory_space<hbm>>
      %dma_wait3A_29 = arith.constant 0 : i32
      %dma_wait3A_30 = tpu.memref_slice %arg3[%mul3A_12, %dma_wait3A_29] : memref<1280x128xi32, #tpu.memory_space<hbm>> -> memref<40x128xi32, #tpu.memory_space<hbm>>
      tpu.wait_dma2 semaphore(%run_scoped3A : memref<!tpu.dma_semaphore, #tpu.memory_space<semaphore_mem>>) src(%dma_wait3A_30 : memref<40x128xi32, #tpu.memory_space<hbm>>) dst(%arg8 : memref<40x128xi32, #tpu.memory_space<vmem>>)
      tpu.yield
    }) : () -> ()
    %barrier3A = arith.constant 0 : index
    tpu.barrier barrier_id(%barrier3A)
    %scan3A = arith.constant 0 : i32
    %scan3A_13 = arith.constant 0 : i32
    %scan3A_14 = arith.constant 40 : i32
    %scan3A_15 = arith.addi %scan3A_13, %scan3A_14 : i32
    %scan3A_16 = arith.constant 1 : i32
    scf.for %scan3A_25 = %scan3A_13 to %scan3A_15 step %scan3A_16  : i32 {
      "tpu.region"() ({
        %run_scoped3A = tpu.sem_alloc : memref<!tpu.dma_semaphore, #tpu.memory_space<semaphore_mem>>
        %dma_start3A = arith.constant 0 : i32
        %dma_start3A_26 = tpu.memref_slice %arg8[%scan3A_25, %dma_start3A] : memref<40x128xi32, #tpu.memory_space<vmem>> -> memref<1x128xi32, #tpu.memory_space<vmem>>
        %dma_start3A_27 = tpu.memref_squeeze %dma_start3A_26 : memref<1x128xi32, #tpu.memory_space<vmem>> -> memref<128xi32, #tpu.memory_space<vmem>>
        %dma_start3A_28 = arith.constant 0 : i32
        %dma_start3A_29 = arith.constant 0 : i32
        %dma_start3A_30 = tpu.memref_slice %arg10[%dma_start3A_28, %dma_start3A_29] : memref<10112x16xf32, #tpu.memory_space<vmem_shared>> -> memref<10112x16xf32, #tpu.memory_space<vmem_shared>>
        tpu.enqueue_indirect_dma source(%arg9 : memref<128x16xf32, #tpu.memory_space<vmem>>) target(%dma_start3A_30 : memref<10112x16xf32, #tpu.memory_space<vmem_shared>>) offsets(%dma_start3A_27 : memref<128xi32, #tpu.memory_space<vmem>>) semaphore(%run_scoped3A : memref<!tpu.dma_semaphore, #tpu.memory_space<semaphore_mem>>) {add = true}
        %dma_wait3A = arith.constant 0 : i32
        %dma_wait3A_31 = tpu.memref_slice %arg8[%scan3A_25, %dma_wait3A] : memref<40x128xi32, #tpu.memory_space<vmem>> -> memref<1x128xi32, #tpu.memory_space<vmem>>
        %dma_wait3A_32 = tpu.memref_squeeze %dma_wait3A_31 : memref<1x128xi32, #tpu.memory_space<vmem>> -> memref<128xi32, #tpu.memory_space<vmem>>
        %dma_wait3A_33 = arith.constant 0 : i32
        %dma_wait3A_34 = arith.constant 0 : i32
        %dma_wait3A_35 = tpu.memref_slice %arg10[%dma_wait3A_33, %dma_wait3A_34] : memref<10112x16xf32, #tpu.memory_space<vmem_shared>> -> memref<10112x16xf32, #tpu.memory_space<vmem_shared>>
        tpu.wait_indirect_dma semaphore(%run_scoped3A : memref<!tpu.dma_semaphore, #tpu.memory_space<semaphore_mem>>) src(%arg9 : memref<128x16xf32, #tpu.memory_space<vmem>>) dst(%dma_wait3A_35 : memref<10112x16xf32, #tpu.memory_space<vmem_shared>>)
        tpu.yield
      }) : () -> ()
      "tpu.region"() ({
        %run_scoped3A = tpu.sem_alloc : memref<!tpu.dma_semaphore, #tpu.memory_space<semaphore_mem>>
        %dma_start3A = arith.constant 0 : i32
        %dma_start3A_26 = tpu.memref_slice %arg7[%scan3A_25, %dma_start3A] : memref<40x128xi32, #tpu.memory_space<vmem>> -> memref<1x128xi32, #tpu.memory_space<vmem>>
        %dma_start3A_27 = tpu.memref_squeeze %dma_start3A_26 : memref<1x128xi32, #tpu.memory_space<vmem>> -> memref<128xi32, #tpu.memory_space<vmem>>
        %dma_start3A_28 = arith.constant 0 : i32
        %dma_start3A_29 = arith.constant 0 : i32
        %dma_start3A_30 = tpu.memref_slice %arg11[%dma_start3A_28, %dma_start3A_29] : memref<10112x16xf32, #tpu.memory_space<vmem_shared>> -> memref<10112x16xf32, #tpu.memory_space<vmem_shared>>
        tpu.enqueue_indirect_dma source(%arg9 : memref<128x16xf32, #tpu.memory_space<vmem>>) target(%dma_start3A_30 : memref<10112x16xf32, #tpu.memory_space<vmem_shared>>) offsets(%dma_start3A_27 : memref<128xi32, #tpu.memory_space<vmem>>) semaphore(%run_scoped3A : memref<!tpu.dma_semaphore, #tpu.memory_space<semaphore_mem>>) {add = true}
        %dma_wait3A = arith.constant 0 : i32
        %dma_wait3A_31 = tpu.memref_slice %arg7[%scan3A_25, %dma_wait3A] : memref<40x128xi32, #tpu.memory_space<vmem>> -> memref<1x128xi32, #tpu.memory_space<vmem>>
        %dma_wait3A_32 = tpu.memref_squeeze %dma_wait3A_31 : memref<1x128xi32, #tpu.memory_space<vmem>> -> memref<128xi32, #tpu.memory_space<vmem>>
        %dma_wait3A_33 = arith.constant 0 : i32
        %dma_wait3A_34 = arith.constant 0 : i32
        %dma_wait3A_35 = tpu.memref_slice %arg11[%dma_wait3A_33, %dma_wait3A_34] : memref<10112x16xf32, #tpu.memory_space<vmem_shared>> -> memref<10112x16xf32, #tpu.memory_space<vmem_shared>>
        tpu.wait_indirect_dma semaphore(%run_scoped3A : memref<!tpu.dma_semaphore, #tpu.memory_space<semaphore_mem>>) src(%arg9 : memref<128x16xf32, #tpu.memory_space<vmem>>) dst(%dma_wait3A_35 : memref<10112x16xf32, #tpu.memory_space<vmem_shared>>)
        tpu.yield
      }) : () -> ()
    }
    %scan3A_17 = arith.constant 40 : i32
    %barrier3A_18 = arith.constant 0 : index
    tpu.barrier barrier_id(%barrier3A_18)
    %lt3A = arith.constant 15 : i32
    %lt3A_19 = arith.cmpi slt, %arg1, %lt3A : i32
    %convert_element_type3A = arith.extui %lt3A_19 : i1 to i32
    %cond3A = arith.constant 0 : i32
    %cond3A_20 = arith.cmpi ne, %convert_element_type3A, %cond3A : i32
    scf.if %cond3A_20 {
      %mul3A_25 = arith.constant 632 : i32
      %mul3A_26 = arith.muli %arg1, %mul3A_25 : i32
      %mul3A_27 = arith.constant 632 : i32
      %mul3A_28 = arith.muli %arg1, %mul3A_27 : i32
      %run_scoped3A = arith.constant 0 : i32
      "tpu.region"() ({
        %run_scoped3A_34 = tpu.sem_alloc : memref<!tpu.dma_semaphore, #tpu.memory_space<semaphore_mem>>
        %dma_start3A = arith.constant 0 : i32
        %dma_start3A_35 = tpu.memref_slice %arg6[%arg0, %run_scoped3A, %mul3A_28, %dma_start3A] : memref<2x2x10000x16xf32, #tpu.memory_space<hbm>> -> memref<1x1x632x16xf32, #tpu.memory_space<hbm>>
        %dma_start3A_36 = tpu.memref_squeeze %dma_start3A_35 : memref<1x1x632x16xf32, #tpu.memory_space<hbm>> -> memref<632x16xf32, #tpu.memory_space<hbm>>
        %dma_start3A_37 = arith.constant 0 : i32
        %dma_start3A_38 = tpu.memref_slice %arg10[%mul3A_26, %dma_start3A_37] : memref<10112x16xf32, #tpu.memory_space<vmem_shared>> -> memref<632x16xf32, #tpu.memory_space<vmem_shared>>
        tpu.enqueue_dma source(%dma_start3A_38 : memref<632x16xf32, #tpu.memory_space<vmem_shared>>) target(%dma_start3A_36 : memref<632x16xf32, #tpu.memory_space<hbm>>) target_semaphore(%run_scoped3A_34 : memref<!tpu.dma_semaphore, #tpu.memory_space<semaphore_mem>>)
        %dma_wait3A = arith.constant 0 : i32
        %dma_wait3A_39 = tpu.memref_slice %arg6[%arg0, %run_scoped3A, %mul3A_28, %dma_wait3A] : memref<2x2x10000x16xf32, #tpu.memory_space<hbm>> -> memref<1x1x632x16xf32, #tpu.memory_space<hbm>>
        %dma_wait3A_40 = tpu.memref_squeeze %dma_wait3A_39 : memref<1x1x632x16xf32, #tpu.memory_space<hbm>> -> memref<632x16xf32, #tpu.memory_space<hbm>>
        %dma_wait3A_41 = arith.constant 0 : i32
        %dma_wait3A_42 = tpu.memref_slice %arg10[%mul3A_26, %dma_wait3A_41] : memref<10112x16xf32, #tpu.memory_space<vmem_shared>> -> memref<632x16xf32, #tpu.memory_space<vmem_shared>>
        tpu.wait_dma2 semaphore(%run_scoped3A_34 : memref<!tpu.dma_semaphore, #tpu.memory_space<semaphore_mem>>) src(%dma_wait3A_42 : memref<632x16xf32, #tpu.memory_space<vmem_shared>>) dst(%dma_wait3A_40 : memref<632x16xf32, #tpu.memory_space<hbm>>)
        tpu.yield
      }) : () -> ()
      %mul3A_29 = arith.constant 632 : i32
      %mul3A_30 = arith.muli %arg1, %mul3A_29 : i32
      %mul3A_31 = arith.constant 632 : i32
      %mul3A_32 = arith.muli %arg1, %mul3A_31 : i32
      %run_scoped3A_33 = arith.constant 1 : i32
      "tpu.region"() ({
        %run_scoped3A_34 = tpu.sem_alloc : memref<!tpu.dma_semaphore, #tpu.memory_space<semaphore_mem>>
        %dma_start3A = arith.constant 0 : i32
        %dma_start3A_35 = tpu.memref_slice %arg6[%arg0, %run_scoped3A_33, %mul3A_32, %dma_start3A] : memref<2x2x10000x16xf32, #tpu.memory_space<hbm>> -> memref<1x1x632x16xf32, #tpu.memory_space<hbm>>
        %dma_start3A_36 = tpu.memref_squeeze %dma_start3A_35 : memref<1x1x632x16xf32, #tpu.memory_space<hbm>> -> memref<632x16xf32, #tpu.memory_space<hbm>>
        %dma_start3A_37 = arith.constant 0 : i32
        %dma_start3A_38 = tpu.memref_slice %arg11[%mul3A_30, %dma_start3A_37] : memref<10112x16xf32, #tpu.memory_space<vmem_shared>> -> memref<632x16xf32, #tpu.memory_space<vmem_shared>>
        tpu.enqueue_dma source(%dma_start3A_38 : memref<632x16xf32, #tpu.memory_space<vmem_shared>>) target(%dma_start3A_36 : memref<632x16xf32, #tpu.memory_space<hbm>>) target_semaphore(%run_scoped3A_34 : memref<!tpu.dma_semaphore, #tpu.memory_space<semaphore_mem>>)
        %dma_wait3A = arith.constant 0 : i32
        %dma_wait3A_39 = tpu.memref_slice %arg6[%arg0, %run_scoped3A_33, %mul3A_32, %dma_wait3A] : memref<2x2x10000x16xf32, #tpu.memory_space<hbm>> -> memref<1x1x632x16xf32, #tpu.memory_space<hbm>>
        %dma_wait3A_40 = tpu.memref_squeeze %dma_wait3A_39 : memref<1x1x632x16xf32, #tpu.memory_space<hbm>> -> memref<632x16xf32, #tpu.memory_space<hbm>>
        %dma_wait3A_41 = arith.constant 0 : i32
        %dma_wait3A_42 = tpu.memref_slice %arg11[%mul3A_30, %dma_wait3A_41] : memref<10112x16xf32, #tpu.memory_space<vmem_shared>> -> memref<632x16xf32, #tpu.memory_space<vmem_shared>>
        tpu.wait_dma2 semaphore(%run_scoped3A_34 : memref<!tpu.dma_semaphore, #tpu.memory_space<semaphore_mem>>) src(%dma_wait3A_42 : memref<632x16xf32, #tpu.memory_space<vmem_shared>>) dst(%dma_wait3A_40 : memref<632x16xf32, #tpu.memory_space<hbm>>)
        tpu.yield
      }) : () -> ()
    } else {
    }
    %eq3A = arith.constant 15 : i32
    %eq3A_21 = arith.cmpi eq, %arg1, %eq3A : i32
    %convert_element_type3A_22 = arith.extui %eq3A_21 : i1 to i32
    %cond3A_23 = arith.constant 0 : i32
    %cond3A_24 = arith.cmpi ne, %convert_element_type3A_22, %cond3A_23 : i32
    scf.if %cond3A_24 {
      %run_scoped3A = arith.constant 0 : i32
      "tpu.region"() ({
        %run_scoped3A_26 = tpu.sem_alloc : memref<!tpu.dma_semaphore, #tpu.memory_space<semaphore_mem>>
        %dma_start3A = arith.constant 9480 : i32
        %dma_start3A_27 = arith.constant 0 : i32
        %dma_start3A_28 = tpu.memref_slice %arg6[%arg0, %run_scoped3A, %dma_start3A, %dma_start3A_27] : memref<2x2x10000x16xf32, #tpu.memory_space<hbm>> -> memref<1x1x520x16xf32, #tpu.memory_space<hbm>>
        %dma_start3A_29 = tpu.memref_squeeze %dma_start3A_28 : memref<1x1x520x16xf32, #tpu.memory_space<hbm>> -> memref<520x16xf32, #tpu.memory_space<hbm>>
        %dma_start3A_30 = arith.constant 9480 : i32
        %dma_start3A_31 = arith.constant 0 : i32
        %dma_start3A_32 = tpu.memref_slice %arg10[%dma_start3A_30, %dma_start3A_31] : memref<10112x16xf32, #tpu.memory_space<vmem_shared>> -> memref<520x16xf32, #tpu.memory_space<vmem_shared>>
        tpu.enqueue_dma source(%dma_start3A_32 : memref<520x16xf32, #tpu.memory_space<vmem_shared>>) target(%dma_start3A_29 : memref<520x16xf32, #tpu.memory_space<hbm>>) target_semaphore(%run_scoped3A_26 : memref<!tpu.dma_semaphore, #tpu.memory_space<semaphore_mem>>)
        %dma_wait3A = arith.constant 9480 : i32
        %dma_wait3A_33 = arith.constant 0 : i32
        %dma_wait3A_34 = tpu.memref_slice %arg6[%arg0, %run_scoped3A, %dma_wait3A, %dma_wait3A_33] : memref<2x2x10000x16xf32, #tpu.memory_space<hbm>> -> memref<1x1x520x16xf32, #tpu.memory_space<hbm>>
        %dma_wait3A_35 = tpu.memref_squeeze %dma_wait3A_34 : memref<1x1x520x16xf32, #tpu.memory_space<hbm>> -> memref<520x16xf32, #tpu.memory_space<hbm>>
        %dma_wait3A_36 = arith.constant 9480 : i32
        %dma_wait3A_37 = arith.constant 0 : i32
        %dma_wait3A_38 = tpu.memref_slice %arg10[%dma_wait3A_36, %dma_wait3A_37] : memref<10112x16xf32, #tpu.memory_space<vmem_shared>> -> memref<520x16xf32, #tpu.memory_space<vmem_shared>>
        tpu.wait_dma2 semaphore(%run_scoped3A_26 : memref<!tpu.dma_semaphore, #tpu.memory_space<semaphore_mem>>) src(%dma_wait3A_38 : memref<520x16xf32, #tpu.memory_space<vmem_shared>>) dst(%dma_wait3A_35 : memref<520x16xf32, #tpu.memory_space<hbm>>)
        tpu.yield
      }) : () -> ()
      %run_scoped3A_25 = arith.constant 1 : i32
      "tpu.region"() ({
        %run_scoped3A_26 = tpu.sem_alloc : memref<!tpu.dma_semaphore, #tpu.memory_space<semaphore_mem>>
        %dma_start3A = arith.constant 9480 : i32
        %dma_start3A_27 = arith.constant 0 : i32
        %dma_start3A_28 = tpu.memref_slice %arg6[%arg0, %run_scoped3A_25, %dma_start3A, %dma_start3A_27] : memref<2x2x10000x16xf32, #tpu.memory_space<hbm>> -> memref<1x1x520x16xf32, #tpu.memory_space<hbm>>
        %dma_start3A_29 = tpu.memref_squeeze %dma_start3A_28 : memref<1x1x520x16xf32, #tpu.memory_space<hbm>> -> memref<520x16xf32, #tpu.memory_space<hbm>>
        %dma_start3A_30 = arith.constant 9480 : i32
        %dma_start3A_31 = arith.constant 0 : i32
        %dma_start3A_32 = tpu.memref_slice %arg11[%dma_start3A_30, %dma_start3A_31] : memref<10112x16xf32, #tpu.memory_space<vmem_shared>> -> memref<520x16xf32, #tpu.memory_space<vmem_shared>>
        tpu.enqueue_dma source(%dma_start3A_32 : memref<520x16xf32, #tpu.memory_space<vmem_shared>>) target(%dma_start3A_29 : memref<520x16xf32, #tpu.memory_space<hbm>>) target_semaphore(%run_scoped3A_26 : memref<!tpu.dma_semaphore, #tpu.memory_space<semaphore_mem>>)
        %dma_wait3A = arith.constant 9480 : i32
        %dma_wait3A_33 = arith.constant 0 : i32
        %dma_wait3A_34 = tpu.memref_slice %arg6[%arg0, %run_scoped3A_25, %dma_wait3A, %dma_wait3A_33] : memref<2x2x10000x16xf32, #tpu.memory_space<hbm>> -> memref<1x1x520x16xf32, #tpu.memory_space<hbm>>
        %dma_wait3A_35 = tpu.memref_squeeze %dma_wait3A_34 : memref<1x1x520x16xf32, #tpu.memory_space<hbm>> -> memref<520x16xf32, #tpu.memory_space<hbm>>
        %dma_wait3A_36 = arith.constant 9480 : i32
        %dma_wait3A_37 = arith.constant 0 : i32
        %dma_wait3A_38 = tpu.memref_slice %arg11[%dma_wait3A_36, %dma_wait3A_37] : memref<10112x16xf32, #tpu.memory_space<vmem_shared>> -> memref<520x16xf32, #tpu.memory_space<vmem_shared>>
        tpu.wait_dma2 semaphore(%run_scoped3A_26 : memref<!tpu.dma_semaphore, #tpu.memory_space<semaphore_mem>>) src(%dma_wait3A_38 : memref<520x16xf32, #tpu.memory_space<vmem_shared>>) dst(%dma_wait3A_35 : memref<520x16xf32, #tpu.memory_space<hbm>>)
        tpu.yield
      }) : () -> ()
    } else {
    }
    return
  }
}

#map = affine_map<(d0, d1) -> (0, 0)>
#map1 = affine_map<(d0, d1) -> (0, 0, 0)>
module attributes {stable_mosaic.version = 14 : i64} {
  func.func @_hop_kernel(%arg0: i32, %arg1: i32, %arg2: memref<10000x64xbf16, #tpu.memory_space<hbm>>, %arg3: memref<1280x128xi32, #tpu.memory_space<hbm>>, %arg4: memref<1280x128xi32, #tpu.memory_space<hbm>>, %arg5: memref<10112x64xbf16, #tpu.memory_space<hbm>>, %arg6: memref<2x10000x64xbf16, #tpu.memory_space<hbm>>, %arg7: memref<40x128xi32, #tpu.memory_space<vmem>>, %arg8: memref<40x128xi32, #tpu.memory_space<vmem>>, %arg9: memref<128x64xbf16, #tpu.memory_space<vmem>>, %arg10: memref<128x64xbf16, #tpu.memory_space<vmem>>, %arg11: memref<10112x64xbf16, #tpu.memory_space<vmem_shared>>, %arg12: memref<10000x64xbf16, #tpu.memory_space<vmem_shared>>, %arg13: memref<!tpu.dma_semaphore, #tpu.memory_space<semaphore_mem>>, %arg14: memref<!tpu.dma_semaphore, #tpu.memory_space<semaphore_mem>>) attributes {dimension_semantics = [#tpu.dimension_semantics<core_parallel>, #tpu.dimension_semantics<subcore_parallel>], iteration_bounds = array<i64: 2, 16>, scalar_prefetch = 0 : i64, scratch_operands = 8 : i64, tpu.core_type = #tpu.core_type<sc_vector_subcore>, window_params = [{transform_indices = #map}, {transform_indices = #map}, {transform_indices = #map}, {transform_indices = #map}, {transform_indices = #map1}]} {
    %mul3A = arith.constant 632 : i32
    %mul3A_0 = arith.muli %arg1, %mul3A : i32
    %mul3A_1 = arith.constant 632 : i32
    %mul3A_2 = arith.muli %arg1, %mul3A_1 : i32
    "tpu.region"() ({
      %run_scoped3A = tpu.sem_alloc : memref<!tpu.dma_semaphore, #tpu.memory_space<semaphore_mem>>
      %dma_start3A = arith.constant 0 : i32
      %dma_start3A_40 = tpu.memref_slice %arg11[%mul3A_2, %dma_start3A] : memref<10112x64xbf16, #tpu.memory_space<vmem_shared>> -> memref<632x64xbf16, #tpu.memory_space<vmem_shared>>
      %dma_start3A_41 = arith.constant 0 : i32
      %dma_start3A_42 = tpu.memref_slice %arg5[%mul3A_0, %dma_start3A_41] : memref<10112x64xbf16, #tpu.memory_space<hbm>> -> memref<632x64xbf16, #tpu.memory_space<hbm>>
      tpu.enqueue_dma source(%dma_start3A_42 : memref<632x64xbf16, #tpu.memory_space<hbm>>) target(%dma_start3A_40 : memref<632x64xbf16, #tpu.memory_space<vmem_shared>>) target_semaphore(%run_scoped3A : memref<!tpu.dma_semaphore, #tpu.memory_space<semaphore_mem>>)
      %dma_wait3A = arith.constant 0 : i32
      %dma_wait3A_43 = tpu.memref_slice %arg11[%mul3A_2, %dma_wait3A] : memref<10112x64xbf16, #tpu.memory_space<vmem_shared>> -> memref<632x64xbf16, #tpu.memory_space<vmem_shared>>
      %dma_wait3A_44 = arith.constant 0 : i32
      %dma_wait3A_45 = tpu.memref_slice %arg5[%mul3A_0, %dma_wait3A_44] : memref<10112x64xbf16, #tpu.memory_space<hbm>> -> memref<632x64xbf16, #tpu.memory_space<hbm>>
      tpu.wait_dma2 semaphore(%run_scoped3A : memref<!tpu.dma_semaphore, #tpu.memory_space<semaphore_mem>>) src(%dma_wait3A_45 : memref<632x64xbf16, #tpu.memory_space<hbm>>) dst(%dma_wait3A_43 : memref<632x64xbf16, #tpu.memory_space<vmem_shared>>)
      tpu.yield
    }) : () -> ()
    %lt3A = arith.constant 15 : i32
    %lt3A_3 = arith.cmpi slt, %arg1, %lt3A : i32
    %convert_element_type3A = arith.extui %lt3A_3 : i1 to i32
    %cond3A = arith.constant 0 : i32
    %cond3A_4 = arith.cmpi ne, %convert_element_type3A, %cond3A : i32
    scf.if %cond3A_4 {
      %mul3A_40 = arith.constant 632 : i32
      %mul3A_41 = arith.muli %arg1, %mul3A_40 : i32
      %mul3A_42 = arith.constant 632 : i32
      %mul3A_43 = arith.muli %arg1, %mul3A_42 : i32
      "tpu.region"() ({
        %run_scoped3A = tpu.sem_alloc : memref<!tpu.dma_semaphore, #tpu.memory_space<semaphore_mem>>
        %dma_start3A = arith.constant 0 : i32
        %dma_start3A_44 = tpu.memref_slice %arg12[%mul3A_43, %dma_start3A] : memref<10000x64xbf16, #tpu.memory_space<vmem_shared>> -> memref<632x64xbf16, #tpu.memory_space<vmem_shared>>
        %dma_start3A_45 = arith.constant 0 : i32
        %dma_start3A_46 = tpu.memref_slice %arg2[%mul3A_41, %dma_start3A_45] : memref<10000x64xbf16, #tpu.memory_space<hbm>> -> memref<632x64xbf16, #tpu.memory_space<hbm>>
        tpu.enqueue_dma source(%dma_start3A_46 : memref<632x64xbf16, #tpu.memory_space<hbm>>) target(%dma_start3A_44 : memref<632x64xbf16, #tpu.memory_space<vmem_shared>>) target_semaphore(%run_scoped3A : memref<!tpu.dma_semaphore, #tpu.memory_space<semaphore_mem>>)
        %dma_wait3A = arith.constant 0 : i32
        %dma_wait3A_47 = tpu.memref_slice %arg12[%mul3A_43, %dma_wait3A] : memref<10000x64xbf16, #tpu.memory_space<vmem_shared>> -> memref<632x64xbf16, #tpu.memory_space<vmem_shared>>
        %dma_wait3A_48 = arith.constant 0 : i32
        %dma_wait3A_49 = tpu.memref_slice %arg2[%mul3A_41, %dma_wait3A_48] : memref<10000x64xbf16, #tpu.memory_space<hbm>> -> memref<632x64xbf16, #tpu.memory_space<hbm>>
        tpu.wait_dma2 semaphore(%run_scoped3A : memref<!tpu.dma_semaphore, #tpu.memory_space<semaphore_mem>>) src(%dma_wait3A_49 : memref<632x64xbf16, #tpu.memory_space<hbm>>) dst(%dma_wait3A_47 : memref<632x64xbf16, #tpu.memory_space<vmem_shared>>)
        tpu.yield
      }) : () -> ()
    } else {
    }
    %eq3A = arith.constant 15 : i32
    %eq3A_5 = arith.cmpi eq, %arg1, %eq3A : i32
    %convert_element_type3A_6 = arith.extui %eq3A_5 : i1 to i32
    %cond3A_7 = arith.constant 0 : i32
    %cond3A_8 = arith.cmpi ne, %convert_element_type3A_6, %cond3A_7 : i32
    scf.if %cond3A_8 {
      "tpu.region"() ({
        %run_scoped3A = tpu.sem_alloc : memref<!tpu.dma_semaphore, #tpu.memory_space<semaphore_mem>>
        %dma_start3A = arith.constant 9480 : i32
        %dma_start3A_40 = arith.constant 0 : i32
        %dma_start3A_41 = tpu.memref_slice %arg12[%dma_start3A, %dma_start3A_40] : memref<10000x64xbf16, #tpu.memory_space<vmem_shared>> -> memref<520x64xbf16, #tpu.memory_space<vmem_shared>>
        %dma_start3A_42 = arith.constant 9480 : i32
        %dma_start3A_43 = arith.constant 0 : i32
        %dma_start3A_44 = tpu.memref_slice %arg2[%dma_start3A_42, %dma_start3A_43] : memref<10000x64xbf16, #tpu.memory_space<hbm>> -> memref<520x64xbf16, #tpu.memory_space<hbm>>
        tpu.enqueue_dma source(%dma_start3A_44 : memref<520x64xbf16, #tpu.memory_space<hbm>>) target(%dma_start3A_41 : memref<520x64xbf16, #tpu.memory_space<vmem_shared>>) target_semaphore(%run_scoped3A : memref<!tpu.dma_semaphore, #tpu.memory_space<semaphore_mem>>)
        %dma_wait3A = arith.constant 9480 : i32
        %dma_wait3A_45 = arith.constant 0 : i32
        %dma_wait3A_46 = tpu.memref_slice %arg12[%dma_wait3A, %dma_wait3A_45] : memref<10000x64xbf16, #tpu.memory_space<vmem_shared>> -> memref<520x64xbf16, #tpu.memory_space<vmem_shared>>
        %dma_wait3A_47 = arith.constant 9480 : i32
        %dma_wait3A_48 = arith.constant 0 : i32
        %dma_wait3A_49 = tpu.memref_slice %arg2[%dma_wait3A_47, %dma_wait3A_48] : memref<10000x64xbf16, #tpu.memory_space<hbm>> -> memref<520x64xbf16, #tpu.memory_space<hbm>>
        tpu.wait_dma2 semaphore(%run_scoped3A : memref<!tpu.dma_semaphore, #tpu.memory_space<semaphore_mem>>) src(%dma_wait3A_49 : memref<520x64xbf16, #tpu.memory_space<hbm>>) dst(%dma_wait3A_46 : memref<520x64xbf16, #tpu.memory_space<vmem_shared>>)
        tpu.yield
      }) : () -> ()
    } else {
    }
    %eq3A_9 = arith.constant 0 : i32
    %eq3A_10 = arith.cmpi eq, %arg0, %eq3A_9 : i32
    %convert_element_type3A_11 = arith.extui %eq3A_10 : i1 to i32
    %cond3A_12 = arith.constant 0 : i32
    %cond3A_13 = arith.cmpi ne, %convert_element_type3A_11, %cond3A_12 : i32
    scf.if %cond3A_13 {
      %mul3A_40 = arith.constant 40 : i32
      %mul3A_41 = arith.muli %arg1, %mul3A_40 : i32
      "tpu.region"() ({
        %run_scoped3A = tpu.sem_alloc : memref<!tpu.dma_semaphore, #tpu.memory_space<semaphore_mem>>
        %dma_start3A = arith.constant 0 : i32
        %dma_start3A_42 = arith.constant 0 : i32
        %dma_start3A_43 = tpu.memref_slice %arg7[%dma_start3A, %dma_start3A_42] : memref<40x128xi32, #tpu.memory_space<vmem>> -> memref<40x128xi32, #tpu.memory_space<vmem>>
        %dma_start3A_44 = arith.constant 0 : i32
        %dma_start3A_45 = tpu.memref_slice %arg3[%mul3A_41, %dma_start3A_44] : memref<1280x128xi32, #tpu.memory_space<hbm>> -> memref<40x128xi32, #tpu.memory_space<hbm>>
        %dma_start3A_46 = arith.constant 0 : i32
        %dma_start3A_47 = arith.constant 0 : i32
        %dma_start3A_48 = tpu.memref_slice %arg7[%dma_start3A_46, %dma_start3A_47] : memref<40x128xi32, #tpu.memory_space<vmem>> -> memref<40x128xi32, #tpu.memory_space<vmem>>
        %dma_start3A_49 = arith.constant 0 : i32
        %dma_start3A_50 = tpu.memref_slice %arg3[%mul3A_41, %dma_start3A_49] : memref<1280x128xi32, #tpu.memory_space<hbm>> -> memref<40x128xi32, #tpu.memory_space<hbm>>
        tpu.enqueue_dma source(%dma_start3A_50 : memref<40x128xi32, #tpu.memory_space<hbm>>) target(%dma_start3A_48 : memref<40x128xi32, #tpu.memory_space<vmem>>) target_semaphore(%run_scoped3A : memref<!tpu.dma_semaphore, #tpu.memory_space<semaphore_mem>>)
        %dma_wait3A = arith.constant 0 : i32
        %dma_wait3A_51 = arith.constant 0 : i32
        %dma_wait3A_52 = tpu.memref_slice %arg7[%dma_wait3A, %dma_wait3A_51] : memref<40x128xi32, #tpu.memory_space<vmem>> -> memref<40x128xi32, #tpu.memory_space<vmem>>
        %dma_wait3A_53 = arith.constant 0 : i32
        %dma_wait3A_54 = tpu.memref_slice %arg3[%mul3A_41, %dma_wait3A_53] : memref<1280x128xi32, #tpu.memory_space<hbm>> -> memref<40x128xi32, #tpu.memory_space<hbm>>
        %dma_wait3A_55 = arith.constant 0 : i32
        %dma_wait3A_56 = arith.constant 0 : i32
        %dma_wait3A_57 = tpu.memref_slice %arg7[%dma_wait3A_55, %dma_wait3A_56] : memref<40x128xi32, #tpu.memory_space<vmem>> -> memref<40x128xi32, #tpu.memory_space<vmem>>
        %dma_wait3A_58 = arith.constant 0 : i32
        %dma_wait3A_59 = tpu.memref_slice %arg3[%mul3A_41, %dma_wait3A_58] : memref<1280x128xi32, #tpu.memory_space<hbm>> -> memref<40x128xi32, #tpu.memory_space<hbm>>
        tpu.wait_dma2 semaphore(%run_scoped3A : memref<!tpu.dma_semaphore, #tpu.memory_space<semaphore_mem>>) src(%dma_wait3A_59 : memref<40x128xi32, #tpu.memory_space<hbm>>) dst(%dma_wait3A_57 : memref<40x128xi32, #tpu.memory_space<vmem>>)
        tpu.yield
      }) : () -> ()
      "tpu.region"() ({
        %run_scoped3A = tpu.sem_alloc : memref<!tpu.dma_semaphore, #tpu.memory_space<semaphore_mem>>
        %dma_start3A = arith.constant 0 : i32
        %dma_start3A_42 = arith.constant 0 : i32
        %dma_start3A_43 = tpu.memref_slice %arg8[%dma_start3A, %dma_start3A_42] : memref<40x128xi32, #tpu.memory_space<vmem>> -> memref<40x128xi32, #tpu.memory_space<vmem>>
        %dma_start3A_44 = arith.constant 0 : i32
        %dma_start3A_45 = tpu.memref_slice %arg4[%mul3A_41, %dma_start3A_44] : memref<1280x128xi32, #tpu.memory_space<hbm>> -> memref<40x128xi32, #tpu.memory_space<hbm>>
        %dma_start3A_46 = arith.constant 0 : i32
        %dma_start3A_47 = arith.constant 0 : i32
        %dma_start3A_48 = tpu.memref_slice %arg8[%dma_start3A_46, %dma_start3A_47] : memref<40x128xi32, #tpu.memory_space<vmem>> -> memref<40x128xi32, #tpu.memory_space<vmem>>
        %dma_start3A_49 = arith.constant 0 : i32
        %dma_start3A_50 = tpu.memref_slice %arg4[%mul3A_41, %dma_start3A_49] : memref<1280x128xi32, #tpu.memory_space<hbm>> -> memref<40x128xi32, #tpu.memory_space<hbm>>
        tpu.enqueue_dma source(%dma_start3A_50 : memref<40x128xi32, #tpu.memory_space<hbm>>) target(%dma_start3A_48 : memref<40x128xi32, #tpu.memory_space<vmem>>) target_semaphore(%run_scoped3A : memref<!tpu.dma_semaphore, #tpu.memory_space<semaphore_mem>>)
        %dma_wait3A = arith.constant 0 : i32
        %dma_wait3A_51 = arith.constant 0 : i32
        %dma_wait3A_52 = tpu.memref_slice %arg8[%dma_wait3A, %dma_wait3A_51] : memref<40x128xi32, #tpu.memory_space<vmem>> -> memref<40x128xi32, #tpu.memory_space<vmem>>
        %dma_wait3A_53 = arith.constant 0 : i32
        %dma_wait3A_54 = tpu.memref_slice %arg4[%mul3A_41, %dma_wait3A_53] : memref<1280x128xi32, #tpu.memory_space<hbm>> -> memref<40x128xi32, #tpu.memory_space<hbm>>
        %dma_wait3A_55 = arith.constant 0 : i32
        %dma_wait3A_56 = arith.constant 0 : i32
        %dma_wait3A_57 = tpu.memref_slice %arg8[%dma_wait3A_55, %dma_wait3A_56] : memref<40x128xi32, #tpu.memory_space<vmem>> -> memref<40x128xi32, #tpu.memory_space<vmem>>
        %dma_wait3A_58 = arith.constant 0 : i32
        %dma_wait3A_59 = tpu.memref_slice %arg4[%mul3A_41, %dma_wait3A_58] : memref<1280x128xi32, #tpu.memory_space<hbm>> -> memref<40x128xi32, #tpu.memory_space<hbm>>
        tpu.wait_dma2 semaphore(%run_scoped3A : memref<!tpu.dma_semaphore, #tpu.memory_space<semaphore_mem>>) src(%dma_wait3A_59 : memref<40x128xi32, #tpu.memory_space<hbm>>) dst(%dma_wait3A_57 : memref<40x128xi32, #tpu.memory_space<vmem>>)
        tpu.yield
      }) : () -> ()
    } else {
    }
    %eq3A_14 = arith.constant 1 : i32
    %eq3A_15 = arith.cmpi eq, %arg0, %eq3A_14 : i32
    %convert_element_type3A_16 = arith.extui %eq3A_15 : i1 to i32
    %cond3A_17 = arith.constant 0 : i32
    %cond3A_18 = arith.cmpi ne, %convert_element_type3A_16, %cond3A_17 : i32
    scf.if %cond3A_18 {
      %mul3A_40 = arith.constant 40 : i32
      %mul3A_41 = arith.muli %arg1, %mul3A_40 : i32
      %add3A = arith.constant 640 : i32
      %add3A_42 = arith.addi %add3A, %mul3A_41 : i32
      "tpu.region"() ({
        %run_scoped3A = tpu.sem_alloc : memref<!tpu.dma_semaphore, #tpu.memory_space<semaphore_mem>>
        %dma_start3A = arith.constant 0 : i32
        %dma_start3A_43 = arith.constant 0 : i32
        %dma_start3A_44 = tpu.memref_slice %arg7[%dma_start3A, %dma_start3A_43] : memref<40x128xi32, #tpu.memory_space<vmem>> -> memref<40x128xi32, #tpu.memory_space<vmem>>
        %dma_start3A_45 = arith.constant 0 : i32
        %dma_start3A_46 = tpu.memref_slice %arg3[%add3A_42, %dma_start3A_45] : memref<1280x128xi32, #tpu.memory_space<hbm>> -> memref<40x128xi32, #tpu.memory_space<hbm>>
        %dma_start3A_47 = arith.constant 0 : i32
        %dma_start3A_48 = arith.constant 0 : i32
        %dma_start3A_49 = tpu.memref_slice %arg7[%dma_start3A_47, %dma_start3A_48] : memref<40x128xi32, #tpu.memory_space<vmem>> -> memref<40x128xi32, #tpu.memory_space<vmem>>
        %dma_start3A_50 = arith.constant 0 : i32
        %dma_start3A_51 = tpu.memref_slice %arg3[%add3A_42, %dma_start3A_50] : memref<1280x128xi32, #tpu.memory_space<hbm>> -> memref<40x128xi32, #tpu.memory_space<hbm>>
        tpu.enqueue_dma source(%dma_start3A_51 : memref<40x128xi32, #tpu.memory_space<hbm>>) target(%dma_start3A_49 : memref<40x128xi32, #tpu.memory_space<vmem>>) target_semaphore(%run_scoped3A : memref<!tpu.dma_semaphore, #tpu.memory_space<semaphore_mem>>)
        %dma_wait3A = arith.constant 0 : i32
        %dma_wait3A_52 = arith.constant 0 : i32
        %dma_wait3A_53 = tpu.memref_slice %arg7[%dma_wait3A, %dma_wait3A_52] : memref<40x128xi32, #tpu.memory_space<vmem>> -> memref<40x128xi32, #tpu.memory_space<vmem>>
        %dma_wait3A_54 = arith.constant 0 : i32
        %dma_wait3A_55 = tpu.memref_slice %arg3[%add3A_42, %dma_wait3A_54] : memref<1280x128xi32, #tpu.memory_space<hbm>> -> memref<40x128xi32, #tpu.memory_space<hbm>>
        %dma_wait3A_56 = arith.constant 0 : i32
        %dma_wait3A_57 = arith.constant 0 : i32
        %dma_wait3A_58 = tpu.memref_slice %arg7[%dma_wait3A_56, %dma_wait3A_57] : memref<40x128xi32, #tpu.memory_space<vmem>> -> memref<40x128xi32, #tpu.memory_space<vmem>>
        %dma_wait3A_59 = arith.constant 0 : i32
        %dma_wait3A_60 = tpu.memref_slice %arg3[%add3A_42, %dma_wait3A_59] : memref<1280x128xi32, #tpu.memory_space<hbm>> -> memref<40x128xi32, #tpu.memory_space<hbm>>
        tpu.wait_dma2 semaphore(%run_scoped3A : memref<!tpu.dma_semaphore, #tpu.memory_space<semaphore_mem>>) src(%dma_wait3A_60 : memref<40x128xi32, #tpu.memory_space<hbm>>) dst(%dma_wait3A_58 : memref<40x128xi32, #tpu.memory_space<vmem>>)
        tpu.yield
      }) : () -> ()
      "tpu.region"() ({
        %run_scoped3A = tpu.sem_alloc : memref<!tpu.dma_semaphore, #tpu.memory_space<semaphore_mem>>
        %dma_start3A = arith.constant 0 : i32
        %dma_start3A_43 = arith.constant 0 : i32
        %dma_start3A_44 = tpu.memref_slice %arg8[%dma_start3A, %dma_start3A_43] : memref<40x128xi32, #tpu.memory_space<vmem>> -> memref<40x128xi32, #tpu.memory_space<vmem>>
        %dma_start3A_45 = arith.constant 0 : i32
        %dma_start3A_46 = tpu.memref_slice %arg4[%add3A_42, %dma_start3A_45] : memref<1280x128xi32, #tpu.memory_space<hbm>> -> memref<40x128xi32, #tpu.memory_space<hbm>>
        %dma_start3A_47 = arith.constant 0 : i32
        %dma_start3A_48 = arith.constant 0 : i32
        %dma_start3A_49 = tpu.memref_slice %arg8[%dma_start3A_47, %dma_start3A_48] : memref<40x128xi32, #tpu.memory_space<vmem>> -> memref<40x128xi32, #tpu.memory_space<vmem>>
        %dma_start3A_50 = arith.constant 0 : i32
        %dma_start3A_51 = tpu.memref_slice %arg4[%add3A_42, %dma_start3A_50] : memref<1280x128xi32, #tpu.memory_space<hbm>> -> memref<40x128xi32, #tpu.memory_space<hbm>>
        tpu.enqueue_dma source(%dma_start3A_51 : memref<40x128xi32, #tpu.memory_space<hbm>>) target(%dma_start3A_49 : memref<40x128xi32, #tpu.memory_space<vmem>>) target_semaphore(%run_scoped3A : memref<!tpu.dma_semaphore, #tpu.memory_space<semaphore_mem>>)
        %dma_wait3A = arith.constant 0 : i32
        %dma_wait3A_52 = arith.constant 0 : i32
        %dma_wait3A_53 = tpu.memref_slice %arg8[%dma_wait3A, %dma_wait3A_52] : memref<40x128xi32, #tpu.memory_space<vmem>> -> memref<40x128xi32, #tpu.memory_space<vmem>>
        %dma_wait3A_54 = arith.constant 0 : i32
        %dma_wait3A_55 = tpu.memref_slice %arg4[%add3A_42, %dma_wait3A_54] : memref<1280x128xi32, #tpu.memory_space<hbm>> -> memref<40x128xi32, #tpu.memory_space<hbm>>
        %dma_wait3A_56 = arith.constant 0 : i32
        %dma_wait3A_57 = arith.constant 0 : i32
        %dma_wait3A_58 = tpu.memref_slice %arg8[%dma_wait3A_56, %dma_wait3A_57] : memref<40x128xi32, #tpu.memory_space<vmem>> -> memref<40x128xi32, #tpu.memory_space<vmem>>
        %dma_wait3A_59 = arith.constant 0 : i32
        %dma_wait3A_60 = tpu.memref_slice %arg4[%add3A_42, %dma_wait3A_59] : memref<1280x128xi32, #tpu.memory_space<hbm>> -> memref<40x128xi32, #tpu.memory_space<hbm>>
        tpu.wait_dma2 semaphore(%run_scoped3A : memref<!tpu.dma_semaphore, #tpu.memory_space<semaphore_mem>>) src(%dma_wait3A_60 : memref<40x128xi32, #tpu.memory_space<hbm>>) dst(%dma_wait3A_58 : memref<40x128xi32, #tpu.memory_space<vmem>>)
        tpu.yield
      }) : () -> ()
    } else {
    }
    %barrier3A = arith.constant 0 : index
    tpu.barrier barrier_id(%barrier3A)
    %eq3A_19 = arith.constant 0 : i32
    %eq3A_20 = arith.cmpi eq, %arg0, %eq3A_19 : i32
    %convert_element_type3A_21 = arith.extui %eq3A_20 : i1 to i32
    %cond3A_22 = arith.constant 0 : i32
    %cond3A_23 = arith.cmpi ne, %convert_element_type3A_21, %cond3A_22 : i32
    scf.if %cond3A_23 {
      %dma_start3A = arith.constant 0 : i32
      %dma_start3A_40 = arith.constant 0 : i32
      %dma_start3A_41 = tpu.memref_slice %arg7[%dma_start3A, %dma_start3A_40] : memref<40x128xi32, #tpu.memory_space<vmem>> -> memref<1x128xi32, #tpu.memory_space<vmem>>
      %dma_start3A_42 = tpu.memref_squeeze %dma_start3A_41 : memref<1x128xi32, #tpu.memory_space<vmem>> -> memref<128xi32, #tpu.memory_space<vmem>>
      %dma_start3A_43 = arith.constant 0 : i32
      %dma_start3A_44 = arith.constant 0 : i32
      %dma_start3A_45 = tpu.memref_slice %arg12[%dma_start3A_43, %dma_start3A_44] : memref<10000x64xbf16, #tpu.memory_space<vmem_shared>> -> memref<10000x64xbf16, #tpu.memory_space<vmem_shared>>
      tpu.enqueue_indirect_dma source(%dma_start3A_45 : memref<10000x64xbf16, #tpu.memory_space<vmem_shared>>) target(%arg9 : memref<128x64xbf16, #tpu.memory_space<vmem>>) offsets(%dma_start3A_42 : memref<128xi32, #tpu.memory_space<vmem>>) semaphore(%arg13 : memref<!tpu.dma_semaphore, #tpu.memory_space<semaphore_mem>>)
      %scan3A = arith.constant 0 : i32
      %scan3A_46 = arith.constant 0 : i32
      %scan3A_47 = arith.constant 20 : i32
      %scan3A_48 = arith.addi %scan3A_46, %scan3A_47 : i32
      %scan3A_49 = arith.constant 1 : i32
      scf.for %scan3A_51 = %scan3A_46 to %scan3A_48 step %scan3A_49  : i32 {
        %mul3A_52 = arith.constant 2 : i32
        %mul3A_53 = arith.muli %mul3A_52, %scan3A_51 : i32
        %mul3A_54 = arith.constant 2 : i32
        %mul3A_55 = arith.muli %mul3A_54, %scan3A_51 : i32
        %add3A = arith.constant 1 : i32
        %add3A_56 = arith.addi %mul3A_55, %add3A : i32
        %dma_start3A_57 = arith.constant 0 : i32
        %dma_start3A_58 = tpu.memref_slice %arg7[%add3A_56, %dma_start3A_57] : memref<40x128xi32, #tpu.memory_space<vmem>> -> memref<1x128xi32, #tpu.memory_space<vmem>>
        %dma_start3A_59 = tpu.memref_squeeze %dma_start3A_58 : memref<1x128xi32, #tpu.memory_space<vmem>> -> memref<128xi32, #tpu.memory_space<vmem>>
        %dma_start3A_60 = arith.constant 0 : i32
        %dma_start3A_61 = arith.constant 0 : i32
        %dma_start3A_62 = tpu.memref_slice %arg12[%dma_start3A_60, %dma_start3A_61] : memref<10000x64xbf16, #tpu.memory_space<vmem_shared>> -> memref<10000x64xbf16, #tpu.memory_space<vmem_shared>>
        tpu.enqueue_indirect_dma source(%dma_start3A_62 : memref<10000x64xbf16, #tpu.memory_space<vmem_shared>>) target(%arg10 : memref<128x64xbf16, #tpu.memory_space<vmem>>) offsets(%dma_start3A_59 : memref<128xi32, #tpu.memory_space<vmem>>) semaphore(%arg14 : memref<!tpu.dma_semaphore, #tpu.memory_space<semaphore_mem>>)
        %dma_wait3A = arith.constant 0 : i32
        %dma_wait3A_63 = tpu.memref_slice %arg7[%mul3A_53, %dma_wait3A] : memref<40x128xi32, #tpu.memory_space<vmem>> -> memref<1x128xi32, #tpu.memory_space<vmem>>
        %dma_wait3A_64 = tpu.memref_squeeze %dma_wait3A_63 : memref<1x128xi32, #tpu.memory_space<vmem>> -> memref<128xi32, #tpu.memory_space<vmem>>
        %dma_wait3A_65 = arith.constant 0 : i32
        %dma_wait3A_66 = arith.constant 0 : i32
        %dma_wait3A_67 = tpu.memref_slice %arg12[%dma_wait3A_65, %dma_wait3A_66] : memref<10000x64xbf16, #tpu.memory_space<vmem_shared>> -> memref<10000x64xbf16, #tpu.memory_space<vmem_shared>>
        tpu.wait_indirect_dma semaphore(%arg13 : memref<!tpu.dma_semaphore, #tpu.memory_space<semaphore_mem>>) src(%dma_wait3A_67 : memref<10000x64xbf16, #tpu.memory_space<vmem_shared>>) dst(%arg9 : memref<128x64xbf16, #tpu.memory_space<vmem>>)
        "tpu.region"() ({
          %run_scoped3A = tpu.sem_alloc : memref<!tpu.dma_semaphore, #tpu.memory_space<semaphore_mem>>
          %dma_start3A_79 = arith.constant 0 : i32
          %dma_start3A_80 = tpu.memref_slice %arg8[%mul3A_53, %dma_start3A_79] : memref<40x128xi32, #tpu.memory_space<vmem>> -> memref<1x128xi32, #tpu.memory_space<vmem>>
          %dma_start3A_81 = tpu.memref_squeeze %dma_start3A_80 : memref<1x128xi32, #tpu.memory_space<vmem>> -> memref<128xi32, #tpu.memory_space<vmem>>
          %dma_start3A_82 = arith.constant 0 : i32
          %dma_start3A_83 = arith.constant 0 : i32
          %dma_start3A_84 = tpu.memref_slice %arg11[%dma_start3A_82, %dma_start3A_83] : memref<10112x64xbf16, #tpu.memory_space<vmem_shared>> -> memref<10112x64xbf16, #tpu.memory_space<vmem_shared>>
          tpu.enqueue_indirect_dma source(%arg9 : memref<128x64xbf16, #tpu.memory_space<vmem>>) target(%dma_start3A_84 : memref<10112x64xbf16, #tpu.memory_space<vmem_shared>>) offsets(%dma_start3A_81 : memref<128xi32, #tpu.memory_space<vmem>>) semaphore(%run_scoped3A : memref<!tpu.dma_semaphore, #tpu.memory_space<semaphore_mem>>) {add = true}
          %dma_wait3A_85 = arith.constant 0 : i32
          %dma_wait3A_86 = tpu.memref_slice %arg8[%mul3A_53, %dma_wait3A_85] : memref<40x128xi32, #tpu.memory_space<vmem>> -> memref<1x128xi32, #tpu.memory_space<vmem>>
          %dma_wait3A_87 = tpu.memref_squeeze %dma_wait3A_86 : memref<1x128xi32, #tpu.memory_space<vmem>> -> memref<128xi32, #tpu.memory_space<vmem>>
          %dma_wait3A_88 = arith.constant 0 : i32
          %dma_wait3A_89 = arith.constant 0 : i32
          %dma_wait3A_90 = tpu.memref_slice %arg11[%dma_wait3A_88, %dma_wait3A_89] : memref<10112x64xbf16, #tpu.memory_space<vmem_shared>> -> memref<10112x64xbf16, #tpu.memory_space<vmem_shared>>
          tpu.wait_indirect_dma semaphore(%run_scoped3A : memref<!tpu.dma_semaphore, #tpu.memory_space<semaphore_mem>>) src(%arg9 : memref<128x64xbf16, #tpu.memory_space<vmem>>) dst(%dma_wait3A_90 : memref<10112x64xbf16, #tpu.memory_space<vmem_shared>>)
          tpu.yield
        }) : () -> ()
        %lt3A_68 = arith.constant 19 : i32
        %lt3A_69 = arith.cmpi slt, %scan3A_51, %lt3A_68 : i32
        %convert_element_type3A_70 = arith.extui %lt3A_69 : i1 to i32
        %cond3A_71 = arith.constant 0 : i32
        %cond3A_72 = arith.cmpi ne, %convert_element_type3A_70, %cond3A_71 : i32
        scf.if %cond3A_72 {
          %add3A_79 = arith.constant 2 : i32
          %add3A_80 = arith.addi %mul3A_53, %add3A_79 : i32
          %dma_start3A_81 = arith.constant 0 : i32
          %dma_start3A_82 = tpu.memref_slice %arg7[%add3A_80, %dma_start3A_81] : memref<40x128xi32, #tpu.memory_space<vmem>> -> memref<1x128xi32, #tpu.memory_space<vmem>>
          %dma_start3A_83 = tpu.memref_squeeze %dma_start3A_82 : memref<1x128xi32, #tpu.memory_space<vmem>> -> memref<128xi32, #tpu.memory_space<vmem>>
          %dma_start3A_84 = arith.constant 0 : i32
          %dma_start3A_85 = arith.constant 0 : i32
          %dma_start3A_86 = tpu.memref_slice %arg12[%dma_start3A_84, %dma_start3A_85] : memref<10000x64xbf16, #tpu.memory_space<vmem_shared>> -> memref<10000x64xbf16, #tpu.memory_space<vmem_shared>>
          tpu.enqueue_indirect_dma source(%dma_start3A_86 : memref<10000x64xbf16, #tpu.memory_space<vmem_shared>>) target(%arg9 : memref<128x64xbf16, #tpu.memory_space<vmem>>) offsets(%dma_start3A_83 : memref<128xi32, #tpu.memory_space<vmem>>) semaphore(%arg13 : memref<!tpu.dma_semaphore, #tpu.memory_space<semaphore_mem>>)
        } else {
        }
        %dma_wait3A_73 = arith.constant 0 : i32
        %dma_wait3A_74 = tpu.memref_slice %arg7[%add3A_56, %dma_wait3A_73] : memref<40x128xi32, #tpu.memory_space<vmem>> -> memref<1x128xi32, #tpu.memory_space<vmem>>
        %dma_wait3A_75 = tpu.memref_squeeze %dma_wait3A_74 : memref<1x128xi32, #tpu.memory_space<vmem>> -> memref<128xi32, #tpu.memory_space<vmem>>
        %dma_wait3A_76 = arith.constant 0 : i32
        %dma_wait3A_77 = arith.constant 0 : i32
        %dma_wait3A_78 = tpu.memref_slice %arg12[%dma_wait3A_76, %dma_wait3A_77] : memref<10000x64xbf16, #tpu.memory_space<vmem_shared>> -> memref<10000x64xbf16, #tpu.memory_space<vmem_shared>>
        tpu.wait_indirect_dma semaphore(%arg14 : memref<!tpu.dma_semaphore, #tpu.memory_space<semaphore_mem>>) src(%dma_wait3A_78 : memref<10000x64xbf16, #tpu.memory_space<vmem_shared>>) dst(%arg10 : memref<128x64xbf16, #tpu.memory_space<vmem>>)
        "tpu.region"() ({
          %run_scoped3A = tpu.sem_alloc : memref<!tpu.dma_semaphore, #tpu.memory_space<semaphore_mem>>
          %dma_start3A_79 = arith.constant 0 : i32
          %dma_start3A_80 = tpu.memref_slice %arg8[%add3A_56, %dma_start3A_79] : memref<40x128xi32, #tpu.memory_space<vmem>> -> memref<1x128xi32, #tpu.memory_space<vmem>>
          %dma_start3A_81 = tpu.memref_squeeze %dma_start3A_80 : memref<1x128xi32, #tpu.memory_space<vmem>> -> memref<128xi32, #tpu.memory_space<vmem>>
          %dma_start3A_82 = arith.constant 0 : i32
          %dma_start3A_83 = arith.constant 0 : i32
          %dma_start3A_84 = tpu.memref_slice %arg11[%dma_start3A_82, %dma_start3A_83] : memref<10112x64xbf16, #tpu.memory_space<vmem_shared>> -> memref<10112x64xbf16, #tpu.memory_space<vmem_shared>>
          tpu.enqueue_indirect_dma source(%arg10 : memref<128x64xbf16, #tpu.memory_space<vmem>>) target(%dma_start3A_84 : memref<10112x64xbf16, #tpu.memory_space<vmem_shared>>) offsets(%dma_start3A_81 : memref<128xi32, #tpu.memory_space<vmem>>) semaphore(%run_scoped3A : memref<!tpu.dma_semaphore, #tpu.memory_space<semaphore_mem>>) {add = true}
          %dma_wait3A_85 = arith.constant 0 : i32
          %dma_wait3A_86 = tpu.memref_slice %arg8[%add3A_56, %dma_wait3A_85] : memref<40x128xi32, #tpu.memory_space<vmem>> -> memref<1x128xi32, #tpu.memory_space<vmem>>
          %dma_wait3A_87 = tpu.memref_squeeze %dma_wait3A_86 : memref<1x128xi32, #tpu.memory_space<vmem>> -> memref<128xi32, #tpu.memory_space<vmem>>
          %dma_wait3A_88 = arith.constant 0 : i32
          %dma_wait3A_89 = arith.constant 0 : i32
          %dma_wait3A_90 = tpu.memref_slice %arg11[%dma_wait3A_88, %dma_wait3A_89] : memref<10112x64xbf16, #tpu.memory_space<vmem_shared>> -> memref<10112x64xbf16, #tpu.memory_space<vmem_shared>>
          tpu.wait_indirect_dma semaphore(%run_scoped3A : memref<!tpu.dma_semaphore, #tpu.memory_space<semaphore_mem>>) src(%arg10 : memref<128x64xbf16, #tpu.memory_space<vmem>>) dst(%dma_wait3A_90 : memref<10112x64xbf16, #tpu.memory_space<vmem_shared>>)
          tpu.yield
        }) : () -> ()
      }
      %scan3A_50 = arith.constant 20 : i32
    } else {
    }
    %eq3A_24 = arith.constant 1 : i32
    %eq3A_25 = arith.cmpi eq, %arg0, %eq3A_24 : i32
    %convert_element_type3A_26 = arith.extui %eq3A_25 : i1 to i32
    %cond3A_27 = arith.constant 0 : i32
    %cond3A_28 = arith.cmpi ne, %convert_element_type3A_26, %cond3A_27 : i32
    scf.if %cond3A_28 {
      %dma_start3A = arith.constant 0 : i32
      %dma_start3A_40 = arith.constant 0 : i32
      %dma_start3A_41 = tpu.memref_slice %arg7[%dma_start3A, %dma_start3A_40] : memref<40x128xi32, #tpu.memory_space<vmem>> -> memref<1x128xi32, #tpu.memory_space<vmem>>
      %dma_start3A_42 = tpu.memref_squeeze %dma_start3A_41 : memref<1x128xi32, #tpu.memory_space<vmem>> -> memref<128xi32, #tpu.memory_space<vmem>>
      %dma_start3A_43 = arith.constant 0 : i32
      %dma_start3A_44 = arith.constant 0 : i32
      %dma_start3A_45 = tpu.memref_slice %arg12[%dma_start3A_43, %dma_start3A_44] : memref<10000x64xbf16, #tpu.memory_space<vmem_shared>> -> memref<10000x64xbf16, #tpu.memory_space<vmem_shared>>
      tpu.enqueue_indirect_dma source(%dma_start3A_45 : memref<10000x64xbf16, #tpu.memory_space<vmem_shared>>) target(%arg9 : memref<128x64xbf16, #tpu.memory_space<vmem>>) offsets(%dma_start3A_42 : memref<128xi32, #tpu.memory_space<vmem>>) semaphore(%arg13 : memref<!tpu.dma_semaphore, #tpu.memory_space<semaphore_mem>>)
      %scan3A = arith.constant 0 : i32
      %scan3A_46 = arith.constant 0 : i32
      %scan3A_47 = arith.constant 20 : i32
      %scan3A_48 = arith.addi %scan3A_46, %scan3A_47 : i32
      %scan3A_49 = arith.constant 1 : i32
      scf.for %scan3A_51 = %scan3A_46 to %scan3A_48 step %scan3A_49  : i32 {
        %mul3A_52 = arith.constant 2 : i32
        %mul3A_53 = arith.muli %mul3A_52, %scan3A_51 : i32
        %mul3A_54 = arith.constant 2 : i32
        %mul3A_55 = arith.muli %mul3A_54, %scan3A_51 : i32
        %add3A = arith.constant 1 : i32
        %add3A_56 = arith.addi %mul3A_55, %add3A : i32
        %dma_start3A_57 = arith.constant 0 : i32
        %dma_start3A_58 = tpu.memref_slice %arg7[%add3A_56, %dma_start3A_57] : memref<40x128xi32, #tpu.memory_space<vmem>> -> memref<1x128xi32, #tpu.memory_space<vmem>>
        %dma_start3A_59 = tpu.memref_squeeze %dma_start3A_58 : memref<1x128xi32, #tpu.memory_space<vmem>> -> memref<128xi32, #tpu.memory_space<vmem>>
        %dma_start3A_60 = arith.constant 0 : i32
        %dma_start3A_61 = arith.constant 0 : i32
        %dma_start3A_62 = tpu.memref_slice %arg12[%dma_start3A_60, %dma_start3A_61] : memref<10000x64xbf16, #tpu.memory_space<vmem_shared>> -> memref<10000x64xbf16, #tpu.memory_space<vmem_shared>>
        tpu.enqueue_indirect_dma source(%dma_start3A_62 : memref<10000x64xbf16, #tpu.memory_space<vmem_shared>>) target(%arg10 : memref<128x64xbf16, #tpu.memory_space<vmem>>) offsets(%dma_start3A_59 : memref<128xi32, #tpu.memory_space<vmem>>) semaphore(%arg14 : memref<!tpu.dma_semaphore, #tpu.memory_space<semaphore_mem>>)
        %dma_wait3A = arith.constant 0 : i32
        %dma_wait3A_63 = tpu.memref_slice %arg7[%mul3A_53, %dma_wait3A] : memref<40x128xi32, #tpu.memory_space<vmem>> -> memref<1x128xi32, #tpu.memory_space<vmem>>
        %dma_wait3A_64 = tpu.memref_squeeze %dma_wait3A_63 : memref<1x128xi32, #tpu.memory_space<vmem>> -> memref<128xi32, #tpu.memory_space<vmem>>
        %dma_wait3A_65 = arith.constant 0 : i32
        %dma_wait3A_66 = arith.constant 0 : i32
        %dma_wait3A_67 = tpu.memref_slice %arg12[%dma_wait3A_65, %dma_wait3A_66] : memref<10000x64xbf16, #tpu.memory_space<vmem_shared>> -> memref<10000x64xbf16, #tpu.memory_space<vmem_shared>>
        tpu.wait_indirect_dma semaphore(%arg13 : memref<!tpu.dma_semaphore, #tpu.memory_space<semaphore_mem>>) src(%dma_wait3A_67 : memref<10000x64xbf16, #tpu.memory_space<vmem_shared>>) dst(%arg9 : memref<128x64xbf16, #tpu.memory_space<vmem>>)
        "tpu.region"() ({
          %run_scoped3A = tpu.sem_alloc : memref<!tpu.dma_semaphore, #tpu.memory_space<semaphore_mem>>
          %dma_start3A_79 = arith.constant 0 : i32
          %dma_start3A_80 = tpu.memref_slice %arg8[%mul3A_53, %dma_start3A_79] : memref<40x128xi32, #tpu.memory_space<vmem>> -> memref<1x128xi32, #tpu.memory_space<vmem>>
          %dma_start3A_81 = tpu.memref_squeeze %dma_start3A_80 : memref<1x128xi32, #tpu.memory_space<vmem>> -> memref<128xi32, #tpu.memory_space<vmem>>
          %dma_start3A_82 = arith.constant 0 : i32
          %dma_start3A_83 = arith.constant 0 : i32
          %dma_start3A_84 = tpu.memref_slice %arg11[%dma_start3A_82, %dma_start3A_83] : memref<10112x64xbf16, #tpu.memory_space<vmem_shared>> -> memref<10112x64xbf16, #tpu.memory_space<vmem_shared>>
          tpu.enqueue_indirect_dma source(%arg9 : memref<128x64xbf16, #tpu.memory_space<vmem>>) target(%dma_start3A_84 : memref<10112x64xbf16, #tpu.memory_space<vmem_shared>>) offsets(%dma_start3A_81 : memref<128xi32, #tpu.memory_space<vmem>>) semaphore(%run_scoped3A : memref<!tpu.dma_semaphore, #tpu.memory_space<semaphore_mem>>) {add = true}
          %dma_wait3A_85 = arith.constant 0 : i32
          %dma_wait3A_86 = tpu.memref_slice %arg8[%mul3A_53, %dma_wait3A_85] : memref<40x128xi32, #tpu.memory_space<vmem>> -> memref<1x128xi32, #tpu.memory_space<vmem>>
          %dma_wait3A_87 = tpu.memref_squeeze %dma_wait3A_86 : memref<1x128xi32, #tpu.memory_space<vmem>> -> memref<128xi32, #tpu.memory_space<vmem>>
          %dma_wait3A_88 = arith.constant 0 : i32
          %dma_wait3A_89 = arith.constant 0 : i32
          %dma_wait3A_90 = tpu.memref_slice %arg11[%dma_wait3A_88, %dma_wait3A_89] : memref<10112x64xbf16, #tpu.memory_space<vmem_shared>> -> memref<10112x64xbf16, #tpu.memory_space<vmem_shared>>
          tpu.wait_indirect_dma semaphore(%run_scoped3A : memref<!tpu.dma_semaphore, #tpu.memory_space<semaphore_mem>>) src(%arg9 : memref<128x64xbf16, #tpu.memory_space<vmem>>) dst(%dma_wait3A_90 : memref<10112x64xbf16, #tpu.memory_space<vmem_shared>>)
          tpu.yield
        }) : () -> ()
        %lt3A_68 = arith.constant 19 : i32
        %lt3A_69 = arith.cmpi slt, %scan3A_51, %lt3A_68 : i32
        %convert_element_type3A_70 = arith.extui %lt3A_69 : i1 to i32
        %cond3A_71 = arith.constant 0 : i32
        %cond3A_72 = arith.cmpi ne, %convert_element_type3A_70, %cond3A_71 : i32
        scf.if %cond3A_72 {
          %add3A_79 = arith.constant 2 : i32
          %add3A_80 = arith.addi %mul3A_53, %add3A_79 : i32
          %dma_start3A_81 = arith.constant 0 : i32
          %dma_start3A_82 = tpu.memref_slice %arg7[%add3A_80, %dma_start3A_81] : memref<40x128xi32, #tpu.memory_space<vmem>> -> memref<1x128xi32, #tpu.memory_space<vmem>>
          %dma_start3A_83 = tpu.memref_squeeze %dma_start3A_82 : memref<1x128xi32, #tpu.memory_space<vmem>> -> memref<128xi32, #tpu.memory_space<vmem>>
          %dma_start3A_84 = arith.constant 0 : i32
          %dma_start3A_85 = arith.constant 0 : i32
          %dma_start3A_86 = tpu.memref_slice %arg12[%dma_start3A_84, %dma_start3A_85] : memref<10000x64xbf16, #tpu.memory_space<vmem_shared>> -> memref<10000x64xbf16, #tpu.memory_space<vmem_shared>>
          tpu.enqueue_indirect_dma source(%dma_start3A_86 : memref<10000x64xbf16, #tpu.memory_space<vmem_shared>>) target(%arg9 : memref<128x64xbf16, #tpu.memory_space<vmem>>) offsets(%dma_start3A_83 : memref<128xi32, #tpu.memory_space<vmem>>) semaphore(%arg13 : memref<!tpu.dma_semaphore, #tpu.memory_space<semaphore_mem>>)
        } else {
        }
        %dma_wait3A_73 = arith.constant 0 : i32
        %dma_wait3A_74 = tpu.memref_slice %arg7[%add3A_56, %dma_wait3A_73] : memref<40x128xi32, #tpu.memory_space<vmem>> -> memref<1x128xi32, #tpu.memory_space<vmem>>
        %dma_wait3A_75 = tpu.memref_squeeze %dma_wait3A_74 : memref<1x128xi32, #tpu.memory_space<vmem>> -> memref<128xi32, #tpu.memory_space<vmem>>
        %dma_wait3A_76 = arith.constant 0 : i32
        %dma_wait3A_77 = arith.constant 0 : i32
        %dma_wait3A_78 = tpu.memref_slice %arg12[%dma_wait3A_76, %dma_wait3A_77] : memref<10000x64xbf16, #tpu.memory_space<vmem_shared>> -> memref<10000x64xbf16, #tpu.memory_space<vmem_shared>>
        tpu.wait_indirect_dma semaphore(%arg14 : memref<!tpu.dma_semaphore, #tpu.memory_space<semaphore_mem>>) src(%dma_wait3A_78 : memref<10000x64xbf16, #tpu.memory_space<vmem_shared>>) dst(%arg10 : memref<128x64xbf16, #tpu.memory_space<vmem>>)
        "tpu.region"() ({
          %run_scoped3A = tpu.sem_alloc : memref<!tpu.dma_semaphore, #tpu.memory_space<semaphore_mem>>
          %dma_start3A_79 = arith.constant 0 : i32
          %dma_start3A_80 = tpu.memref_slice %arg8[%add3A_56, %dma_start3A_79] : memref<40x128xi32, #tpu.memory_space<vmem>> -> memref<1x128xi32, #tpu.memory_space<vmem>>
          %dma_start3A_81 = tpu.memref_squeeze %dma_start3A_80 : memref<1x128xi32, #tpu.memory_space<vmem>> -> memref<128xi32, #tpu.memory_space<vmem>>
          %dma_start3A_82 = arith.constant 0 : i32
          %dma_start3A_83 = arith.constant 0 : i32
          %dma_start3A_84 = tpu.memref_slice %arg11[%dma_start3A_82, %dma_start3A_83] : memref<10112x64xbf16, #tpu.memory_space<vmem_shared>> -> memref<10112x64xbf16, #tpu.memory_space<vmem_shared>>
          tpu.enqueue_indirect_dma source(%arg10 : memref<128x64xbf16, #tpu.memory_space<vmem>>) target(%dma_start3A_84 : memref<10112x64xbf16, #tpu.memory_space<vmem_shared>>) offsets(%dma_start3A_81 : memref<128xi32, #tpu.memory_space<vmem>>) semaphore(%run_scoped3A : memref<!tpu.dma_semaphore, #tpu.memory_space<semaphore_mem>>) {add = true}
          %dma_wait3A_85 = arith.constant 0 : i32
          %dma_wait3A_86 = tpu.memref_slice %arg8[%add3A_56, %dma_wait3A_85] : memref<40x128xi32, #tpu.memory_space<vmem>> -> memref<1x128xi32, #tpu.memory_space<vmem>>
          %dma_wait3A_87 = tpu.memref_squeeze %dma_wait3A_86 : memref<1x128xi32, #tpu.memory_space<vmem>> -> memref<128xi32, #tpu.memory_space<vmem>>
          %dma_wait3A_88 = arith.constant 0 : i32
          %dma_wait3A_89 = arith.constant 0 : i32
          %dma_wait3A_90 = tpu.memref_slice %arg11[%dma_wait3A_88, %dma_wait3A_89] : memref<10112x64xbf16, #tpu.memory_space<vmem_shared>> -> memref<10112x64xbf16, #tpu.memory_space<vmem_shared>>
          tpu.wait_indirect_dma semaphore(%run_scoped3A : memref<!tpu.dma_semaphore, #tpu.memory_space<semaphore_mem>>) src(%arg10 : memref<128x64xbf16, #tpu.memory_space<vmem>>) dst(%dma_wait3A_90 : memref<10112x64xbf16, #tpu.memory_space<vmem_shared>>)
          tpu.yield
        }) : () -> ()
      }
      %scan3A_50 = arith.constant 20 : i32
    } else {
    }
    %barrier3A_29 = arith.constant 0 : index
    tpu.barrier barrier_id(%barrier3A_29)
    %lt3A_30 = arith.constant 15 : i32
    %lt3A_31 = arith.cmpi slt, %arg1, %lt3A_30 : i32
    %convert_element_type3A_32 = arith.extui %lt3A_31 : i1 to i32
    %cond3A_33 = arith.constant 0 : i32
    %cond3A_34 = arith.cmpi ne, %convert_element_type3A_32, %cond3A_33 : i32
    scf.if %cond3A_34 {
      %mul3A_40 = arith.constant 632 : i32
      %mul3A_41 = arith.muli %arg1, %mul3A_40 : i32
      %mul3A_42 = arith.constant 632 : i32
      %mul3A_43 = arith.muli %arg1, %mul3A_42 : i32
      "tpu.region"() ({
        %run_scoped3A = tpu.sem_alloc : memref<!tpu.dma_semaphore, #tpu.memory_space<semaphore_mem>>
        %dma_start3A = arith.constant 0 : i32
        %dma_start3A_44 = tpu.memref_slice %arg6[%arg0, %mul3A_43, %dma_start3A] : memref<2x10000x64xbf16, #tpu.memory_space<hbm>> -> memref<1x632x64xbf16, #tpu.memory_space<hbm>>
        %dma_start3A_45 = tpu.memref_squeeze %dma_start3A_44 : memref<1x632x64xbf16, #tpu.memory_space<hbm>> -> memref<632x64xbf16, #tpu.memory_space<hbm>>
        %dma_start3A_46 = arith.constant 0 : i32
        %dma_start3A_47 = tpu.memref_slice %arg11[%mul3A_41, %dma_start3A_46] : memref<10112x64xbf16, #tpu.memory_space<vmem_shared>> -> memref<632x64xbf16, #tpu.memory_space<vmem_shared>>
        tpu.enqueue_dma source(%dma_start3A_47 : memref<632x64xbf16, #tpu.memory_space<vmem_shared>>) target(%dma_start3A_45 : memref<632x64xbf16, #tpu.memory_space<hbm>>) target_semaphore(%run_scoped3A : memref<!tpu.dma_semaphore, #tpu.memory_space<semaphore_mem>>)
        %dma_wait3A = arith.constant 0 : i32
        %dma_wait3A_48 = tpu.memref_slice %arg6[%arg0, %mul3A_43, %dma_wait3A] : memref<2x10000x64xbf16, #tpu.memory_space<hbm>> -> memref<1x632x64xbf16, #tpu.memory_space<hbm>>
        %dma_wait3A_49 = tpu.memref_squeeze %dma_wait3A_48 : memref<1x632x64xbf16, #tpu.memory_space<hbm>> -> memref<632x64xbf16, #tpu.memory_space<hbm>>
        %dma_wait3A_50 = arith.constant 0 : i32
        %dma_wait3A_51 = tpu.memref_slice %arg11[%mul3A_41, %dma_wait3A_50] : memref<10112x64xbf16, #tpu.memory_space<vmem_shared>> -> memref<632x64xbf16, #tpu.memory_space<vmem_shared>>
        tpu.wait_dma2 semaphore(%run_scoped3A : memref<!tpu.dma_semaphore, #tpu.memory_space<semaphore_mem>>) src(%dma_wait3A_51 : memref<632x64xbf16, #tpu.memory_space<vmem_shared>>) dst(%dma_wait3A_49 : memref<632x64xbf16, #tpu.memory_space<hbm>>)
        tpu.yield
      }) : () -> ()
    } else {
    }
    %eq3A_35 = arith.constant 15 : i32
    %eq3A_36 = arith.cmpi eq, %arg1, %eq3A_35 : i32
    %convert_element_type3A_37 = arith.extui %eq3A_36 : i1 to i32
    %cond3A_38 = arith.constant 0 : i32
    %cond3A_39 = arith.cmpi ne, %convert_element_type3A_37, %cond3A_38 : i32
    scf.if %cond3A_39 {
      "tpu.region"() ({
        %run_scoped3A = tpu.sem_alloc : memref<!tpu.dma_semaphore, #tpu.memory_space<semaphore_mem>>
        %dma_start3A = arith.constant 9480 : i32
        %dma_start3A_40 = arith.constant 0 : i32
        %dma_start3A_41 = tpu.memref_slice %arg6[%arg0, %dma_start3A, %dma_start3A_40] : memref<2x10000x64xbf16, #tpu.memory_space<hbm>> -> memref<1x520x64xbf16, #tpu.memory_space<hbm>>
        %dma_start3A_42 = tpu.memref_squeeze %dma_start3A_41 : memref<1x520x64xbf16, #tpu.memory_space<hbm>> -> memref<520x64xbf16, #tpu.memory_space<hbm>>
        %dma_start3A_43 = arith.constant 9480 : i32
        %dma_start3A_44 = arith.constant 0 : i32
        %dma_start3A_45 = tpu.memref_slice %arg11[%dma_start3A_43, %dma_start3A_44] : memref<10112x64xbf16, #tpu.memory_space<vmem_shared>> -> memref<520x64xbf16, #tpu.memory_space<vmem_shared>>
        tpu.enqueue_dma source(%dma_start3A_45 : memref<520x64xbf16, #tpu.memory_space<vmem_shared>>) target(%dma_start3A_42 : memref<520x64xbf16, #tpu.memory_space<hbm>>) target_semaphore(%run_scoped3A : memref<!tpu.dma_semaphore, #tpu.memory_space<semaphore_mem>>)
        %dma_wait3A = arith.constant 9480 : i32
        %dma_wait3A_46 = arith.constant 0 : i32
        %dma_wait3A_47 = tpu.memref_slice %arg6[%arg0, %dma_wait3A, %dma_wait3A_46] : memref<2x10000x64xbf16, #tpu.memory_space<hbm>> -> memref<1x520x64xbf16, #tpu.memory_space<hbm>>
        %dma_wait3A_48 = tpu.memref_squeeze %dma_wait3A_47 : memref<1x520x64xbf16, #tpu.memory_space<hbm>> -> memref<520x64xbf16, #tpu.memory_space<hbm>>
        %dma_wait3A_49 = arith.constant 9480 : i32
        %dma_wait3A_50 = arith.constant 0 : i32
        %dma_wait3A_51 = tpu.memref_slice %arg11[%dma_wait3A_49, %dma_wait3A_50] : memref<10112x64xbf16, #tpu.memory_space<vmem_shared>> -> memref<520x64xbf16, #tpu.memory_space<vmem_shared>>
        tpu.wait_dma2 semaphore(%run_scoped3A : memref<!tpu.dma_semaphore, #tpu.memory_space<semaphore_mem>>) src(%dma_wait3A_51 : memref<520x64xbf16, #tpu.memory_space<vmem_shared>>) dst(%dma_wait3A_48 : memref<520x64xbf16, #tpu.memory_space<hbm>>)
        tpu.yield
      }) : () -> ()
    } else {
    }
    return
  }
}

module attributes {stable_mosaic.version = 14 : i64} {
  func.func @_matmul_body(%arg0: i32, %arg1: memref<1000x256xf32, #tpu.memory_space<vmem>>, %arg2: memref<256x64xf32, #tpu.memory_space<vmem>>, %arg3: memref<1000x64xf32, #tpu.memory_space<vmem>>) attributes {dimension_semantics = [#tpu.dimension_semantics<arbitrary>], iteration_bounds = array<i64: 10>, scalar_prefetch = 0 : i64, scratch_operands = 0 : i64, tpu.core_type = #tpu.core_type<tc>, window_params = [{transform_indices = @transform_0, window_bounds = array<i64: 1000, 256>}, {pipeline_mode = #tpu.pipeline_mode<synchronous>, transform_indices = @transform_1, window_bounds = array<i64: 256, 64>}, {transform_indices = @transform_2, window_bounds = array<i64: 1000, 64>}]} {
    %get3A = arith.constant 0 : index
    %get3A_0 = arith.constant 0 : index
    %get3A_1 = vector.load %arg1[%get3A, %get3A_0] : memref<1000x256xf32, #tpu.memory_space<vmem>>, vector<1000x256xf32>
    %get3A_2 = arith.constant 0 : index
    %get3A_3 = arith.constant 0 : index
    %get3A_4 = vector.load %arg2[%get3A_2, %get3A_3] : memref<256x64xf32, #tpu.memory_space<vmem>>, vector<256x64xf32>
    %dot_general3A = arith.constant dense<0.000000e+00> : vector<1000x64xf32>
    %dot_general3A_5 = tpu.matmul %get3A_1, %get3A_4, %dot_general3A {dimension_numbers = #tpu.dot_dimension_numbers<[1], [0], [0], [1], [0, 0, 1, 1], [], []>, transpose_lhs_hint = false} : vector<1000x256xf32>, vector<256x64xf32>, vector<1000x64xf32> -> vector<1000x64xf32>
    %swap3A = arith.constant 0 : index
    %swap3A_6 = arith.constant 0 : index
    %swap3A_7 = vector.load %arg3[%swap3A, %swap3A_6] : memref<1000x64xf32, #tpu.memory_space<vmem>>, vector<1000x64xf32>
    tpu.vector_store %arg3[%swap3A, %swap3A_6], %dot_general3A_5 {strides = array<i32>} : memref<1000x64xf32, #tpu.memory_space<vmem>>, vector<1000x64xf32>,
    return
  }
  func.func @transform_0(%arg0: i32) -> (i32, i32) {
    %c0_i32 = arith.constant 0 : i32
    %c0_i32_0 = arith.constant 0 : i32
    return %arg0, %c0_i32 : i32, i32
  }
  func.func @transform_1(%arg0: i32) -> (i32, i32) {
    %c0_i32 = arith.constant 0 : i32
    %c0_i32_0 = arith.constant 0 : i32
    %c0_i32_1 = arith.constant 0 : i32
    return %c0_i32, %c0_i32_0 : i32, i32
  }
  func.func @transform_2(%arg0: i32) -> (i32, i32) {
    %c0_i32 = arith.constant 0 : i32
    %c0_i32_0 = arith.constant 0 : i32
    return %arg0, %c0_i32 : i32, i32
  }
}

module attributes {stable_mosaic.version = 14 : i64} {
  func.func @_scale_body(%arg0: i32, %arg1: memref<1000x64xf32, #tpu.memory_space<vmem>>, %arg2: memref<2x2x1000x16xf32, #tpu.memory_space<vmem>>, %arg3: memref<1000x64xbf16, #tpu.memory_space<vmem>>, %arg4: memref<1000x4xf32, #tpu.memory_space<vmem>>) attributes {dimension_semantics = [#tpu.dimension_semantics<arbitrary>], iteration_bounds = array<i64: 10>, scalar_prefetch = 0 : i64, scratch_operands = 0 : i64, tpu.core_type = #tpu.core_type<tc>, window_params = [{transform_indices = @transform_0, window_bounds = array<i64: 1000, 64>}, {transform_indices = @transform_1, window_bounds = array<i64: 2, 2, 1000, 16>}, {transform_indices = @transform_2, window_bounds = array<i64: 1000, 64>}, {transform_indices = @transform_3, window_bounds = array<i64: 1000, 4>}]} {
    %get3A = arith.constant 0 : index
    %get3A_0 = arith.constant 0 : index
    %get3A_1 = arith.constant 0 : index
    %get3A_2 = arith.constant 0 : index
    %get3A_3 = vector.load %arg2[%get3A, %get3A_0, %get3A_1, %get3A_2] : memref<2x2x1000x16xf32, #tpu.memory_space<vmem>>, vector<2x2x1000x16xf32>
    %slice3A = vector.extract_strided_slice %get3A_3 {offsets = [0, 0, 0, 0], sizes = [1, 1, 1000, 1], strides = [1, 1, 1, 1]} : vector<2x2x1000x16xf32> to vector<1x1x1000x1xf32>
    %squeeze3A = vector.shape_cast %slice3A : vector<1x1x1000x1xf32> to vector<1000xf32>
    %slice3A_4 = vector.extract_strided_slice %get3A_3 {offsets = [1, 0, 0, 0], sizes = [1, 1, 1000, 1], strides = [1, 1, 1, 1]} : vector<2x2x1000x16xf32> to vector<1x1x1000x1xf32>
    %squeeze3A_5 = vector.shape_cast %slice3A_4 : vector<1x1x1000x1xf32> to vector<1000xf32>
    %add3A = arith.addf %squeeze3A, %squeeze3A_5 : vector<1000xf32>
    %slice3A_6 = vector.extract_strided_slice %get3A_3 {offsets = [0, 1, 0, 0], sizes = [1, 1, 1000, 1], strides = [1, 1, 1, 1]} : vector<2x2x1000x16xf32> to vector<1x1x1000x1xf32>
    %squeeze3A_7 = vector.shape_cast %slice3A_6 : vector<1x1x1000x1xf32> to vector<1000xf32>
    %slice3A_8 = vector.extract_strided_slice %get3A_3 {offsets = [1, 1, 0, 0], sizes = [1, 1, 1000, 1], strides = [1, 1, 1, 1]} : vector<2x2x1000x16xf32> to vector<1x1x1000x1xf32>
    %squeeze3A_9 = vector.shape_cast %slice3A_8 : vector<1x1x1000x1xf32> to vector<1000xf32>
    %add3A_10 = arith.addf %squeeze3A_7, %squeeze3A_9 : vector<1000xf32>
    %max3A = arith.constant 1.000000e+00 : f32
    %max3A_11 = vector.broadcast %max3A : f32 to vector<1000xf32>
    %max3A_12 = arith.maximumf %add3A, %max3A_11 : vector<1000xf32>
    %rsqrt3A = math.rsqrt %max3A_12 : vector<1000xf32>
    %max3A_13 = arith.constant 1.000000e+00 : f32
    %max3A_14 = vector.broadcast %max3A_13 : f32 to vector<1000xf32>
    %max3A_15 = arith.maximumf %add3A_10, %max3A_14 : vector<1000xf32>
    %rsqrt3A_16 = math.rsqrt %max3A_15 : vector<1000xf32>
    %mul3A = arith.mulf %rsqrt3A_16, %rsqrt3A : vector<1000xf32>
    %stack3A = vector.shape_cast %rsqrt3A : vector<1000xf32> to vector<1000x1xf32>
    %stack3A_17 = vector.shape_cast %rsqrt3A_16 : vector<1000xf32> to vector<1000x1xf32>
    %stack3A_18 = vector.shape_cast %mul3A : vector<1000xf32> to vector<1000x1xf32>
    %stack3A_19 = vector.shape_cast %rsqrt3A_16 : vector<1000xf32> to vector<1000x1xf32>
    %stack3A_20 = tpu.concatenate %stack3A, %stack3A_17, %stack3A_18, %stack3A_19 in 1 : vector<1000x1xf32>, vector<1000x1xf32>, vector<1000x1xf32>, vector<1000x1xf32> -> vector<1000x4xf32>
    %swap3A = arith.constant 0 : index
    %swap3A_21 = arith.constant 0 : index
    %swap3A_22 = vector.load %arg4[%swap3A, %swap3A_21] : memref<1000x4xf32, #tpu.memory_space<vmem>>, vector<1000x4xf32>
    tpu.vector_store %arg4[%swap3A, %swap3A_21], %stack3A_20 {strides = array<i32>} : memref<1000x4xf32, #tpu.memory_space<vmem>>, vector<1000x4xf32>,
    %get3A_23 = arith.constant 0 : index
    %get3A_24 = arith.constant 0 : index
    %get3A_25 = vector.load %arg1[%get3A_23, %get3A_24] : memref<1000x64xf32, #tpu.memory_space<vmem>>, vector<1000x64xf32>
    %broadcast_in_dim3A = vector.shape_cast %rsqrt3A_16 : vector<1000xf32> to vector<1000x1xf32>
    %mul3A_26 = vector.broadcast %broadcast_in_dim3A : vector<1000x1xf32> to vector<1000x64xf32>
    %mul3A_27 = arith.mulf %get3A_25, %mul3A_26 : vector<1000x64xf32>
    %convert_element_type3A = arith.truncf %mul3A_27 : vector<1000x64xf32> to vector<1000x64xbf16>
    %swap3A_28 = arith.constant 0 : index
    %swap3A_29 = arith.constant 0 : index
    %swap3A_30 = vector.load %arg3[%swap3A_28, %swap3A_29] : memref<1000x64xbf16, #tpu.memory_space<vmem>>, vector<1000x64xbf16>
    tpu.vector_store %arg3[%swap3A_28, %swap3A_29], %convert_element_type3A {strides = array<i32>} : memref<1000x64xbf16, #tpu.memory_space<vmem>>, vector<1000x64xbf16>,
    return
  }
  func.func @transform_0(%arg0: i32) -> (i32, i32) {
    %c0_i32 = arith.constant 0 : i32
    %c0_i32_0 = arith.constant 0 : i32
    return %arg0, %c0_i32 : i32, i32
  }
  func.func @transform_1(%arg0: i32) -> (i32, i32, i32, i32) {
    %c0_i32 = arith.constant 0 : i32
    %c0_i32_0 = arith.constant 0 : i32
    %c0_i32_1 = arith.constant 0 : i32
    %c0_i32_2 = arith.constant 0 : i32
    return %c0_i32, %c0_i32_0, %arg0, %c0_i32_1 : i32, i32, i32, i32
  }
  func.func @transform_2(%arg0: i32) -> (i32, i32) {
    %c0_i32 = arith.constant 0 : i32
    %c0_i32_0 = arith.constant 0 : i32
    return %arg0, %c0_i32 : i32, i32
  }
  func.func @transform_3(%arg0: i32) -> (i32, i32) {
    %c0_i32 = arith.constant 0 : i32
    %c0_i32_0 = arith.constant 0 : i32
    return %arg0, %c0_i32 : i32, i32
  }
}

module attributes {stable_mosaic.version = 14 : i64} {
  func.func @_mid_body(%arg0: i32, %arg1: memref<2x1000x64xbf16, #tpu.memory_space<vmem>>, %arg2: memref<1000x4xf32, #tpu.memory_space<vmem>>, %arg3: memref<1000x64xbf16, #tpu.memory_space<vmem>>) attributes {dimension_semantics = [#tpu.dimension_semantics<arbitrary>], iteration_bounds = array<i64: 10>, scalar_prefetch = 0 : i64, scratch_operands = 0 : i64, tpu.core_type = #tpu.core_type<tc>, window_params = [{transform_indices = @transform_0, window_bounds = array<i64: 2, 1000, 64>}, {transform_indices = @transform_1, window_bounds = array<i64: 1000, 4>}, {transform_indices = @transform_2, window_bounds = array<i64: 1000, 64>}]} {
    %get3A = arith.constant 0 : index
    %get3A_0 = arith.constant 2 : index
    %get3A_1 = vector.load %arg2[%get3A, %get3A_0] : memref<1000x4xf32, #tpu.memory_space<vmem>>, vector<1000x1xf32>
    %get3A_2 = vector.shape_cast %get3A_1 : vector<1000x1xf32> to vector<1000xf32>
    %get3A_3 = arith.constant 0 : index
    %get3A_4 = arith.constant 0 : index
    %get3A_5 = arith.constant 0 : index
    %get3A_6 = vector.load %arg1[%get3A_3, %get3A_4, %get3A_5] : memref<2x1000x64xbf16, #tpu.memory_space<vmem>>, vector<1x1000x64xbf16>
    %get3A_7 = vector.shape_cast %get3A_6 : vector<1x1000x64xbf16> to vector<1000x64xbf16>
    %convert_element_type3A = arith.extf %get3A_7 : vector<1000x64xbf16> to vector<1000x64xf32>
    %get3A_8 = arith.constant 1 : index
    %get3A_9 = arith.constant 0 : index
    %get3A_10 = arith.constant 0 : index
    %get3A_11 = vector.load %arg1[%get3A_8, %get3A_9, %get3A_10] : memref<2x1000x64xbf16, #tpu.memory_space<vmem>>, vector<1x1000x64xbf16>
    %get3A_12 = vector.shape_cast %get3A_11 : vector<1x1000x64xbf16> to vector<1000x64xbf16>
    %convert_element_type3A_13 = arith.extf %get3A_12 : vector<1000x64xbf16> to vector<1000x64xf32>
    %add3A = arith.addf %convert_element_type3A, %convert_element_type3A_13 : vector<1000x64xf32>
    %broadcast_in_dim3A = vector.shape_cast %get3A_2 : vector<1000xf32> to vector<1000x1xf32>
    %mul3A = vector.broadcast %broadcast_in_dim3A : vector<1000x1xf32> to vector<1000x64xf32>
    %mul3A_14 = arith.mulf %add3A, %mul3A : vector<1000x64xf32>
    %convert_element_type3A_15 = arith.truncf %mul3A_14 : vector<1000x64xf32> to vector<1000x64xbf16>
    %swap3A = arith.constant 0 : index
    %swap3A_16 = arith.constant 0 : index
    %swap3A_17 = vector.load %arg3[%swap3A, %swap3A_16] : memref<1000x64xbf16, #tpu.memory_space<vmem>>, vector<1000x64xbf16>
    tpu.vector_store %arg3[%swap3A, %swap3A_16], %convert_element_type3A_15 {strides = array<i32>} : memref<1000x64xbf16, #tpu.memory_space<vmem>>, vector<1000x64xbf16>,
    return
  }
  func.func @transform_0(%arg0: i32) -> (i32, i32, i32) {
    %c0_i32 = arith.constant 0 : i32
    %c0_i32_0 = arith.constant 0 : i32
    %c0_i32_1 = arith.constant 0 : i32
    return %c0_i32, %arg0, %c0_i32_0 : i32, i32, i32
  }
  func.func @transform_1(%arg0: i32) -> (i32, i32) {
    %c0_i32 = arith.constant 0 : i32
    %c0_i32_0 = arith.constant 0 : i32
    return %arg0, %c0_i32 : i32, i32
  }
  func.func @transform_2(%arg0: i32) -> (i32, i32) {
    %c0_i32 = arith.constant 0 : i32
    %c0_i32_0 = arith.constant 0 : i32
    return %arg0, %c0_i32 : i32, i32
  }
}

module attributes {stable_mosaic.version = 14 : i64} {
  func.func @_fin_body(%arg0: i32, %arg1: memref<2x1000x64xbf16, #tpu.memory_space<vmem>>, %arg2: memref<1000x4xf32, #tpu.memory_space<vmem>>, %arg3: memref<1000x64xf32, #tpu.memory_space<vmem>>, %arg4: memref<1000x64xf32, #tpu.memory_space<vmem>>, %arg5: memref<1x1xf32, #tpu.memory_space<vmem>>) attributes {dimension_semantics = [#tpu.dimension_semantics<arbitrary>], iteration_bounds = array<i64: 10>, scalar_prefetch = 0 : i64, scratch_operands = 0 : i64, tpu.core_type = #tpu.core_type<tc>, window_params = [{transform_indices = @transform_0, window_bounds = array<i64: 2, 1000, 64>}, {transform_indices = @transform_1, window_bounds = array<i64: 1000, 4>}, {transform_indices = @transform_2, window_bounds = array<i64: 1000, 64>}, {transform_indices = @transform_3, window_bounds = array<i64: 1000, 64>}, {pipeline_mode = #tpu.pipeline_mode<synchronous>, transform_indices = @transform_4, window_bounds = array<i64: 1, 1>}]} {
    %get3A = arith.constant 0 : index
    %get3A_0 = arith.constant 0 : index
    %get3A_1 = vector.load %arg2[%get3A, %get3A_0] : memref<1000x4xf32, #tpu.memory_space<vmem>>, vector<1000x1xf32>
    %get3A_2 = vector.shape_cast %get3A_1 : vector<1000x1xf32> to vector<1000xf32>
    %get3A_3 = arith.constant 0 : index
    %get3A_4 = arith.constant 0 : index
    %get3A_5 = arith.constant 0 : index
    %get3A_6 = vector.load %arg1[%get3A_3, %get3A_4, %get3A_5] : memref<2x1000x64xbf16, #tpu.memory_space<vmem>>, vector<1x1000x64xbf16>
    %get3A_7 = vector.shape_cast %get3A_6 : vector<1x1000x64xbf16> to vector<1000x64xbf16>
    %convert_element_type3A = arith.extf %get3A_7 : vector<1000x64xbf16> to vector<1000x64xf32>
    %get3A_8 = arith.constant 1 : index
    %get3A_9 = arith.constant 0 : index
    %get3A_10 = arith.constant 0 : index
    %get3A_11 = vector.load %arg1[%get3A_8, %get3A_9, %get3A_10] : memref<2x1000x64xbf16, #tpu.memory_space<vmem>>, vector<1x1000x64xbf16>
    %get3A_12 = vector.shape_cast %get3A_11 : vector<1x1000x64xbf16> to vector<1000x64xbf16>
    %convert_element_type3A_13 = arith.extf %get3A_12 : vector<1000x64xbf16> to vector<1000x64xf32>
    %add3A = arith.addf %convert_element_type3A, %convert_element_type3A_13 : vector<1000x64xf32>
    %broadcast_in_dim3A = vector.shape_cast %get3A_2 : vector<1000xf32> to vector<1000x1xf32>
    %mul3A = vector.broadcast %broadcast_in_dim3A : vector<1000x1xf32> to vector<1000x64xf32>
    %mul3A_14 = arith.mulf %add3A, %mul3A : vector<1000x64xf32>
    %reduce_max3A = arith.constant dense<0xFF800000> : vector<1000xf32>
    %reduce_max3A_15 = vector.multi_reduction <maximumf>, %mul3A_14, %reduce_max3A [1] : vector<1000x64xf32> to vector<1000xf32>
    %broadcast_in_dim3A_16 = vector.shape_cast %reduce_max3A_15 : vector<1000xf32> to vector<1000x1xf32>
    %sub3A = vector.broadcast %broadcast_in_dim3A_16 : vector<1000x1xf32> to vector<1000x64xf32>
    %sub3A_17 = arith.subf %mul3A_14, %sub3A : vector<1000x64xf32>
    %exp3A = math.exp %sub3A_17 : vector<1000x64xf32>
    %reduce_sum3A = arith.constant dense<0.000000e+00> : vector<1000xf32>
    %reduce_sum3A_18 = vector.multi_reduction <add>, %exp3A, %reduce_sum3A [1] : vector<1000x64xf32> to vector<1000xf32>
    %broadcast_in_dim3A_19 = vector.shape_cast %reduce_sum3A_18 : vector<1000xf32> to vector<1000x1xf32>
    %div3A = vector.broadcast %broadcast_in_dim3A_19 : vector<1000x1xf32> to vector<1000x64xf32>
    %div3A_20 = arith.divf %exp3A, %div3A : vector<1000x64xf32>
    %swap3A = arith.constant 0 : index
    %swap3A_21 = arith.constant 0 : index
    %swap3A_22 = vector.load %arg4[%swap3A, %swap3A_21] : memref<1000x64xf32, #tpu.memory_space<vmem>>, vector<1000x64xf32>
    tpu.vector_store %arg4[%swap3A, %swap3A_21], %mul3A_14 {strides = array<i32>} : memref<1000x64xf32, #tpu.memory_space<vmem>>, vector<1000x64xf32>,
    %swap3A_23 = arith.constant 0 : index
    %swap3A_24 = arith.constant 0 : index
    %swap3A_25 = vector.load %arg3[%swap3A_23, %swap3A_24] : memref<1000x64xf32, #tpu.memory_space<vmem>>, vector<1000x64xf32>
    tpu.vector_store %arg3[%swap3A_23, %swap3A_24], %div3A_20 {strides = array<i32>} : memref<1000x64xf32, #tpu.memory_space<vmem>>, vector<1000x64xf32>,
    %add3A_26 = arith.constant 9.99999996E-13 : f32
    %add3A_27 = vector.broadcast %add3A_26 : f32 to vector<1000x64xf32>
    %add3A_28 = arith.addf %div3A_20, %add3A_27 : vector<1000x64xf32>
    %log3A = math.log %add3A_28 : vector<1000x64xf32>
    %mul3A_29 = arith.mulf %div3A_20, %log3A : vector<1000x64xf32>
    %reduce_sum3A_30 = vector.shape_cast %mul3A_29 : vector<1000x64xf32> to vector<1x1000x64xf32>
    %reduce_sum3A_31 = arith.constant dense<0.000000e+00> : vector<1xf32>
    %reduce_sum3A_32 = vector.multi_reduction <add>, %reduce_sum3A_30, %reduce_sum3A_31 [1, 2] : vector<1x1000x64xf32> to vector<1xf32>
    %reduce_sum3A_33 = vector.shape_cast %reduce_sum3A_32 : vector<1xf32> to vector<1x1x1xf32>
    %reduce_sum3A_34 = vector.extract %reduce_sum3A_33[0, 0, 0] : f32 from vector<1x1x1xf32>
    %neg3A = arith.constant 0.000000e+00 : f32
    %neg3A_35 = arith.subf %neg3A, %reduce_sum3A_34 : f32
    %eq3A = arith.constant 0 : i32
    %eq3A_36 = arith.cmpi eq, %arg0, %eq3A : i32
    %convert_element_type3A_37 = arith.extui %eq3A_36 : i1 to i32
    %cond3A = arith.constant 0 : i32
    %cond3A_38 = arith.cmpi ne, %convert_element_type3A_37, %cond3A : i32
    scf.if %cond3A_38 {
      %reshape3A = vector.broadcast %neg3A_35 : f32 to vector<1x1xf32>
      %swap3A_48 = arith.constant 0 : index
      %swap3A_49 = arith.constant 0 : index
      %swap3A_50 = vector.load %arg5[%swap3A_48, %swap3A_49] : memref<1x1xf32, #tpu.memory_space<vmem>>, vector<1x1xf32>
      tpu.vector_store %arg5[%swap3A_48, %swap3A_49], %reshape3A {strides = array<i32>} : memref<1x1xf32, #tpu.memory_space<vmem>>, vector<1x1xf32>,
    } else {
    }
    %gt3A = arith.constant 0 : i32
    %gt3A_39 = arith.cmpi sgt, %arg0, %gt3A : i32
    %convert_element_type3A_40 = arith.extui %gt3A_39 : i1 to i32
    %cond3A_41 = arith.constant 0 : i32
    %cond3A_42 = arith.cmpi ne, %convert_element_type3A_40, %cond3A_41 : i32
    scf.if %cond3A_42 {
      %get3A_48 = arith.constant 0 : index
      %get3A_49 = arith.constant 0 : index
      %get3A_50 = vector.load %arg5[%get3A_48, %get3A_49] : memref<1x1xf32, #tpu.memory_space<vmem>>, vector<1x1xf32>
      %add3A_51 = vector.broadcast %neg3A_35 : f32 to vector<1x1xf32>
      %add3A_52 = arith.addf %get3A_50, %add3A_51 : vector<1x1xf32>
      %swap3A_53 = arith.constant 0 : index
      %swap3A_54 = arith.constant 0 : index
      %swap3A_55 = vector.load %arg5[%swap3A_53, %swap3A_54] : memref<1x1xf32, #tpu.memory_space<vmem>>, vector<1x1xf32>
      tpu.vector_store %arg5[%swap3A_53, %swap3A_54], %add3A_52 {strides = array<i32>} : memref<1x1xf32, #tpu.memory_space<vmem>>, vector<1x1xf32>,
    } else {
    }
    %eq3A_43 = arith.constant 9 : i32
    %eq3A_44 = arith.cmpi eq, %arg0, %eq3A_43 : i32
    %convert_element_type3A_45 = arith.extui %eq3A_44 : i1 to i32
    %cond3A_46 = arith.constant 0 : i32
    %cond3A_47 = arith.cmpi ne, %convert_element_type3A_45, %cond3A_46 : i32
    scf.if %cond3A_47 {
      %get3A_48 = arith.constant 0 : index
      %get3A_49 = arith.constant 0 : index
      %get3A_50 = vector.load %arg5[%get3A_48, %get3A_49] : memref<1x1xf32, #tpu.memory_space<vmem>>, vector<1x1xf32>
      %mul3A_51 = arith.constant 9.99999974E-5 : f32
      %mul3A_52 = vector.broadcast %mul3A_51 : f32 to vector<1x1xf32>
      %mul3A_53 = arith.mulf %get3A_50, %mul3A_52 : vector<1x1xf32>
      %swap3A_54 = arith.constant 0 : index
      %swap3A_55 = arith.constant 0 : index
      %swap3A_56 = vector.load %arg5[%swap3A_54, %swap3A_55] : memref<1x1xf32, #tpu.memory_space<vmem>>, vector<1x1xf32>
      tpu.vector_store %arg5[%swap3A_54, %swap3A_55], %mul3A_53 {strides = array<i32>} : memref<1x1xf32, #tpu.memory_space<vmem>>, vector<1x1xf32>,
    } else {
    }
    return
  }
  func.func @transform_0(%arg0: i32) -> (i32, i32, i32) {
    %c0_i32 = arith.constant 0 : i32
    %c0_i32_0 = arith.constant 0 : i32
    %c0_i32_1 = arith.constant 0 : i32
    return %c0_i32, %arg0, %c0_i32_0 : i32, i32, i32
  }
  func.func @transform_1(%arg0: i32) -> (i32, i32) {
    %c0_i32 = arith.constant 0 : i32
    %c0_i32_0 = arith.constant 0 : i32
    return %arg0, %c0_i32 : i32, i32
  }
  func.func @transform_2(%arg0: i32) -> (i32, i32) {
    %c0_i32 = arith.constant 0 : i32
    %c0_i32_0 = arith.constant 0 : i32
    return %arg0, %c0_i32 : i32, i32
  }
  func.func @transform_3(%arg0: i32) -> (i32, i32) {
    %c0_i32 = arith.constant 0 : i32
    %c0_i32_0 = arith.constant 0 : i32
    return %arg0, %c0_i32 : i32, i32
  }
  func.func @transform_4(%arg0: i32) -> (i32, i32) {
    %c0_i32 = arith.constant 0 : i32
    %c0_i32_0 = arith.constant 0 : i32
    %c0_i32_1 = arith.constant 0 : i32
    return %c0_i32, %c0_i32_0 : i32, i32
  }
}

</mosaic_0001>

<sc_bundles>
// kernel: kernel.12.cloned.1.call-start
scs
__scs_entry_jumppad:
0x0: {  	(pc) =	sbr.rel $0x88, $3  }
0x1: {  	(tag) =	ssettag $0x0;
	lr =	simm.s32 $0x1  }
0x2: {  	[smem:$0x3F9E] =	sst lr;
	_ =	strace $0xD0000000  }
0x3: {  	_ = 	snop  }
0x4: {  	_ = 	snop  }
0x5: {  	_ = 	snop  }
0x6: {  	_ = 	snop  }
0x7: {  	_ = 	snop  }
__scs_overlays_trampoline_lowered:
0x8: {  	[smem:$0x3FAD] =	sst s0  }
0x9: {  	[smem:$0x3FAE] =	sst s1  }
0xa: {  	[smem:$0x3FAF] =	sst s2  }
0xb: {  	[smem:$0x3FB0] =	sst s3  }
0xc: {  	[smem:$0x3FB1] =	sst s4  }
0xd: {  	[smem:$0x3FB2] =	sst s5  }
0xe: {  	[smem:$0x3FB3] =	sst s6  }
0xf: {  	[smem:$0x3FB4] =	sst s7  }
0x10: {  	[smem:$0x3FB5] =	sst s8  }
0x11: {  	[smem:$0x3FB6] =	sst s9;
	s0 =	simm.s32 @!p0 $0x0  }
0x12: {  	s1 =	sld [smem:$0x3F9C];
	s0 =	simm.s32 @p0 $0x1  }
0x13: {  	[smem:$0x3FB7] =	sst s0;
	s0 =	simm.s32 @!p1 $0x0  }
0x14: {  	s2 =	sld [smem:$0x3F9B];
	s0 =	simm.s32 @p1 $0x1  }
0x15: {  	[smem:$0x3FB8] =	sst s0;
	s0 =	simm.s32 @!p2 $0x0  }
0x16: {  	s3 =	sld [smem:$0x3FDB];
	s0 =	simm.s32 @p2 $0x1  }
0x17: {  	s4 =	simm.s32 $0x1BF5;
	[smem:$0x3FBA] =	sst s0  }
0x18: {  	s0 =	sld [smem:$0x3F9D];
	_ =	swait.ge [sflag:s4], $0x0  }
0x19: {  	s7 =	sld [smem:$0x3F9E]  }
0x1a: {  	s8 =	sadd.s32 $0xFFFFE003, lr  }
0x1b: {  	s9 =	sadd.s32 $0xFFFFFEF7, lr;
	s5 =	simm.s32 $0xFFFFFFFF;
	p2 =	slt.u32 s8, $0xFFFFF086  }
0x1c: {  	p1 =	slt.u32 s9, $0xF7A;
	s5 =	simm.s32 @!p2 $0x0  }
0x1d: {  	s5 =	simm.s32 @p1 $0x1;
	p0 =	seq.s32 s7, s2  }
0x1e: {  	s7 =	smul.u32 @!p0 $0xF7A, s2;
	p2 =	seq.s32 @!p0 s5, $0x0  }
0x1f: {  	s9 =	smul.u32 $0xF7A, s1;
	s8 =	simm.s32 @!p0 $0x1BF5;
	p2 =	por !p2, p0  }
0x20: {  	[sflag:s8] =	ssyncset.s32 @!p0 $0xFFFFF086;
	s6 =	sadd.s32 @!p0 s3, s7;
	s7 =	simm.s32 @!p0 $0x108  }
0x21: {  	s3 =	sadd.s32 s3, s9;
	s6 =	sadd.s32 @!p0 $0x88, s6;
	s7 =	simm.s32 @p2 $0x1082  }
0x22: {  	[simem:s7], [sflag:s8] =	dma.local @!p0 [hbm:s6], $0xF7A  }
0x23: {  	s9 =	sor.u32 $0xD0000000, s2;
	s6 =	simm.s32 $0x108;
	_ =	swait.ge @!p0 [sflag:s8], $0x0  }
0x24: {  	s3 =	sadd.s32 $0x88, s3;
	s6 =	simm.s32 @!p1 $0x1082;
	[sflag:s4] =	ssyncset.s32 $0xFFFFF086  }
0x25: {  	[simem:s6], [sflag:s4] =	dma.local [hbm:s3], $0xF7A  }
0x26: {  	[smem:$0x3F9E] =	sst s1;
	(tag) =	ssettag s2;
	_ =	strace s9  }
0x27: {  	s1 =	sld [smem:$0x3FAE]  }
0x28: {  	s2 =	sld [smem:$0x3FAF]  }
0x29: {  	s4 =	sld [smem:$0x3FB1]  }
0x2a: {  	p0 =	seq.s32 s5, $0x0;
	s5 =	sld [smem:$0x3FB2]  }
0x2b: {  	s6 =	sld [smem:$0x3FB3]  }
0x2c: {  	s7 =	sld [smem:$0x3FB4]  }
0x2d: {  	s3 =	simm.s32 $0x108;
	s8 =	sld [smem:$0x3FB5]  }
0x2e: {  	s3 =	simm.s32 @!p0 $0x1082;
	s9 =	sld [smem:$0x3FB6]  }
0x2f: {  	lr =	sadd.s32 s0, s3;
	s0 =	sld [smem:$0x3FAD]  }
0x30: {  	s3 =	sld [smem:$0x3FB0]  }
0x31: {  	[smem:$0x3FB9] =	sst s10  }
0x32: {  	s10 =	sld [smem:$0x3FB7];
	_ =	sdelay $0x3  }
0x33: {  	p0 =	seq.s32 s10, $0x1;
	s10 =	sld [smem:$0x3FB9];
	_ =	sdelay $0x3  }
0x34: {  	[smem:$0x3FB9] =	sst s10  }
0x35: {  	s10 =	sld [smem:$0x3FB8];
	_ =	sdelay $0x3  }
0x36: {  	p1 =	seq.s32 s10, $0x1;
	s10 =	sld [smem:$0x3FB9];
	_ =	sdelay $0x3  }
0x37: {  	[smem:$0x3FB9] =	sst s10  }
0x38: {  	s10 =	sld [smem:$0x3FBA]  }
0x39: {  	_ = 	snop;
	(pc) =	sbr.ind lr, $3  }
0x3a: {  	_ = 	snop  }
0x3b: {  	_ = 	snop  }
0x3c: {  	p2 =	seq.s32 s10, $0x1;
	s10 =	sld [smem:$0x3FB9]  }
0x3d: {  	_ =	shalt  }
0x3e: {  	_ =	shalt  }
0x3f: {  	_ =	shalt  }
0x40: {  	_ =	shalt  }
0x41: {  	_ =	shalt  }
0x42: {  	_ =	shalt  }
0x43: {  	_ =	shalt  }
0x44: {  	_ =	shalt  }
0x45: {  	_ =	shalt  }
0x46: {  	_ =	shalt  }
0x47: {  	_ =	shalt  }
0x48: {  	_ =	shalt  }
0x49: {  	_ =	shalt  }
0x4a: {  	_ =	shalt  }
0x4b: {  	_ =	shalt  }
0x4c: {  	_ =	shalt  }
0x4d: {  	_ =	shalt  }
0x4e: {  	_ =	shalt  }
0x4f: {  	_ =	shalt  }
0x50: {  	_ =	shalt  }
0x51: {  	_ =	shalt  }
0x52: {  	_ =	shalt  }
0x53: {  	_ =	shalt  }
0x54: {  	_ =	shalt  }
0x55: {  	_ =	shalt  }
0x56: {  	_ =	shalt  }
0x57: {  	_ =	shalt  }
0x58: {  	_ =	shalt  }
0x59: {  	_ =	shalt  }
0x5a: {  	_ =	shalt  }
0x5b: {  	_ =	shalt  }
0x5c: {  	_ =	shalt  }
0x5d: {  	_ =	shalt  }
0x5e: {  	_ =	shalt  }
0x5f: {  	_ =	shalt  }
0x60: {  	_ =	shalt  }
0x61: {  	_ =	shalt  }
0x62: {  	_ =	shalt  }
0x63: {  	_ =	shalt  }
0x64: {  	_ =	shalt  }
0x65: {  	_ =	shalt  }
0x66: {  	_ =	shalt  }
0x67: {  	_ =	shalt  }
0x68: {  	_ =	shalt  }
0x69: {  	_ =	shalt  }
0x6a: {  	_ =	shalt  }
0x6b: {  	_ =	shalt  }
0x6c: {  	_ =	shalt  }
0x6d: {  	_ =	shalt  }
0x6e: {  	_ =	shalt  }
0x6f: {  	_ =	shalt  }
0x70: {  	_ =	shalt  }
0x71: {  	_ =	shalt  }
0x72: {  	_ =	shalt  }
0x73: {  	_ =	shalt  }
0x74: {  	_ =	shalt  }
0x75: {  	_ =	shalt  }
0x76: {  	_ =	shalt  }
0x77: {  	_ =	shalt  }
0x78: {  	_ =	shalt  }
0x79: {  	_ =	shalt  }
0x7a: {  	_ =	shalt  }
0x7b: {  	_ =	shalt  }
0x7c: {  	_ =	shalt  }
0x7d: {  	_ =	shalt  }
0x7e: {  	_ =	shalt  }
0x7f: {  	_ =	shalt  }
0x80: {  	_ =	shalt  }
0x81: {  	_ =	shalt  }
0x82: {  	_ =	shalt  }
0x83: {  	_ =	shalt  }
0x84: {  	_ =	shalt  }
0x85: {  	_ =	shalt  }
0x86: {  	_ =	shalt  }
0x87: {  	_ =	shalt  }
.Lfunc_end0:
.L_simem_size_0:
called_computation.1_lowered:
.L_overlay_start_0:
0x88: {  	s2 =	sld [smem:$0x3FD9]  }
0x89: {  	s3 =	sld [smem:$0x3FFE];
	_ =	sdelay $0x1  }
0x8a: {  	s1 =	srdreg.scid  }
0x8b: {  	s0 =	sand.u32 $0x1, s1  }
0x8c: {  	s14 =	sshll.u32 s0, $0xA;
	s2 =	sadd.s32 s3, s2  }
0x8d: {  	s2 =	sadd.s32 s2, s14  }
0x8e: {  	[smem:$0x3FC5] =	sst s2  }
0x8f: {  	_ = 	snop  }
0x90: {  	s2 =	sld [smem:$0x3FD0];
	_ =	sdelay $0x2  }
0x91: {  	s15 =	simm.s32 $0xA;
	s4 =	simm.s32 $0x10  }
0x92: {  	[smem:s4], [sflag:s15] =	dma.local [hbm:s2], $0x1  }
0x93: {  	_ =	swait.eq [sflag:s15], $0x1  }
0x94: {  	[sflag:s15] =	ssyncset.done $0x0  }
0x95: {  	s16 =	sld [smem:$0x10];
	[sflag:s15] =	ssyncadd.s32 $0xFFFFFFFF  }
0x96: {  	s17 =	sld [smem:$0x11];
	(tm) =	ssettm $0x1  }
0x97: {  	s18 =	sld [smem:$0x3FFB];
	_ =	sdelay $0x3  }
0x98: {  	_ =	strace s18  }
0x99: {  	s4 =	sld [smem:$0x3FFC];
	_ =	sdelay $0x3  }
0x9a: {  	_ =	strace s4  }
0x9b: {  	s4 =	sld [smem:$0x3FFD];
	_ =	sdelay $0x3  }
0x9c: {  	_ =	strace s4  }
0x9d: {  	_ =	strace $0x8FFFFFFF  }
0x9e: {  	s19 =	sld [smem:$0x3FDB];
	_ =	sdelay $0x1  }
0x9f: {  	s5 =	simm.s32 $_scs_section_size  }
0xa0: {  	s6 =	simm.s32 $_size__tile_overlayer_lowered;
	s7 =	simm.s32 $_tile_overlayer_lowered  }
0xa1: {  	s22 =	simm.s32 $0x1BFF;
	s21 =	sshll.u32 s7, $0x1;
	s4 =	sadd.s32 s5, s19  }
0xa2: {  	s8 =	simm.s32 $0x0;
	s20 =	sshll.u32 s6, $0x1;
	s6 =	sadd.s32 s21, s4  }
0xa3: {  	[timem:s8], [sflag:s22] =	dma.local [hbm:s6], s20  }
0xa4: {  	_ =	swait.ge [sflag:s22], s20  }
0xa5: {  	s5 =	ssub.s32 $0x0, s20;
	[sflag:s22] =	ssyncset.done $0x0  }
0xa6: {  	[sflag:s22] =	ssyncadd.s32 s5;
	_ =	sdelay $0x1  }
0xa7: {  	s23 =	simm.s32 $0x1B8B  }
0xa8: {  	_ =	swait.ge [sflag:s23], $0x1  }
0xa9: {  	[sflag:s23] =	ssyncset.done $0x0  }
0xaa: {  	s25 =	simm.s32 $0x1B8E;
	s24 =	sld [smem:$0x3FFE];
	[sflag:s23] =	ssyncadd.s32 $0xFFFFFFFF  }
0xab: {  	s26 =	simm.s32 $execute0_lowered;
	[smem:$0x3FD2] =	sst s25  }
0xac: {  	s6 =	sshll.u32 s26, $0x1;
	_ =	strace $0x80000049;
	[dreg:$0x1] =	wrdreg $0xFFFFFFFF  }
0xad: {  	s28 =	simm.s32 $_size_execute0_lowered;
	s4 =	sadd.s32 s4, s6;
	[dreg:$0x0] =	wrdreg $0x0  }
0xae: {  	s6 =	sshll.u32 s28, $0x1;
	[dreg:$0x2] =	wrdreg s4  }
0xaf: {  	[dreg:$0x3] =	wrdreg s6  }
0xb0: {  	[dreg:$0x4] =	wrdreg $0xC0  }
0xb1: {  	_ =	task [dreg:s8], $0x5FFFF  }
0xb2: {  	[dreg:$0x1] =	wrdreg $0xFFFFFFFF  }
0xb3: {  	[dreg:$0x0] =	wrdreg $0x60  }
0xb4: {  	[dreg:$0x2] =	wrdreg s24  }
0xb5: {  	[dreg:$0x3] =	wrdreg s16  }
0xb6: {  	[dreg:$0x4] =	wrdreg s17  }
0xb7: {  	[dreg:$0x5] =	wrdreg $0x48000  }
0xb8: {  	[dreg:$0x6] =	wrdreg $0x97000  }
0xb9: {  	[dreg:$0x7] =	wrdreg $0x9  }
0xba: {  	_ =	task.clear_ibuf [dreg:s8], $0x8FFFF;
	_ =	strace $0x90000049  }
0xbb: {  	s29 =	simm.s32 $0x9;
	_ =	strace $0x8000004B  }
0xbc: {  	_ =	swait.ge [sflag:s29], $0x1  }
0xbd: {  	[sflag:s29] =	ssyncadd.s32 $0xFFFFFFFF  }
0xbe: {  	_ =	strace $0x9000004B  }
0xbf: {  	_ =	sfence  }
0xc0: {  	s30 =	sld [smem:$0x0];
	_ =	sdelay $0x2  }
0xc1: {  	s31 =	sshll.u32 s1, $0xD;
	s1 =	sshrl.u32 s1, $0x2  }
0xc2: {  	s3 =	sand.u32 $0x4000, s31;
	s1 =	sadd.s32 s1, s30  }
0xc3: {  	s0 =	sor.u32 s3, s0;
	s1 =	sshll.u32 s1, $0x11  }
0xc4: {  	s0 =	sor.u32 s1, s0  }
0xc5: {  	s0 =	sadd.s32 $0x8F2B, s0  }
0xc6: {  	[sflag:s0] =	ssyncadd.remote.s32 $0x1  }
0xc7: {  	_ =	sfence.sel $0xFFFF  }
0xc8: {  	[dreg:$0x0] =	wrdreg $0xFFFFFFFF;
	(pc) =	sbr.abs _section_cstart, $3  }
0xc9: {  	[dreg:$0x1] =	wrdreg $0xFFFFFFFF  }
0xca: {  	_ =	task.clear_ibuf [dreg:s8], $0x2FFFF;
	_ =	strace $0x9FFFFFFF  }
0xcb: {  	(tm) =	ssettm $0x7FFFFFFF  }
tec
execute0_lowered:
.L_overlay_start_1:
0x0: {  	(tag) =	ssettag $0x1  }
0x1: {  	s1 =	rddreg [dreg:$0x0]  }
0x2: {  	s6 =	rddreg [dreg:$0x1]  }
0x3: {  	s15 =	rddreg [dreg:$0x2]  }
0x4: {  	s2 =	rddreg [dreg:$0x3]  }
0x5: {  	s0 =	stileid.u32;
	s3 =	rddreg [dreg:$0x4]  }
0x6: {  	s4 =	simm.s32 $0x0;
	s5 =	srdreg.scid;
	s28 =	simm.s32 $0x1380  }
0x7: {  	s29 =	simm.s32 $0x2700;
	s30 =	simm.s32 $0x2780;
	s12 =	smul.u32 $0x9E00, s0  }
0x8: {  	[smem:$0x7FF] =	sst s4;
	s20 =	sand.u32 $0x1, s5;
	s13 =	sadd.s32 $0x6800, s1  }
0x9: {  	s14 =	sadd.s32 $0xB800, s1;
	s22 =	sshll.u32 s0, $0x6;
	s23 =	smul.u32 $0x1400, s0  }
0xa: {  	s18 =	sadd.s32 $0x4A100, s3;
	s21 =	smul.u32 $0x280, s0;
	p0 =	seq.s32 s0, $0xF  }
0xb: {  	_ =	strace $0x8000004A;
	s5 =	ssub.s32 $0x2, s20;
	s17 =	smul.u32 $0x9C400, s20  }
0xc: {  	s18 =	sshrl.u32 @p0 s18, $0x3;
	p1 =	seq.s32 s20, $0x0;
	s20 =	simm.s32 $0x1400  }
0xd: {  	s7 =	sshrl.u32 s12, $0x4;
	s9 =	sshrl.u32 s5, $0x1;
	s10 =	sshrl.u32 s12, $0x1  }
0xe: {  	s24 =	sshrl.u32 s23, $0x3;
	s23 =	simm.s32 $0x3800;
	s8 =	sadd.s32 s7, s1  }
0xf: {  	s16 =	ssub.s32 s5, s9;
	s5 =	sadd.s32 s10, s2;
	s6 =	sadd.s32 s6, s7  }
0x10: {  	s7 =	sor.u32 $0x1C03, s22;
	s19 =	sadd.s32 s10, s3;
	s9 =	sadd.s32 $0x19C20, s1  }
0x11: {  	s25 =	sadd.s32 $0x2800, s24;
	s26 =	sadd.s32 s12, s17;
	s12 =	sadd.s32 s13, s21  }
0x12: {  	s17 =	sshrl.u32 s17, $0x4;
	s22 =	simm.s32 $0x2800;
	s24 =	simm.s32 $0x1  }
0x13: {  	s8 =	sadd.s32 $0x10800, s8;
	s10 =	sadd.s32 s13, s25;
	s1 =	sadd.s32 s14, s25  }
.Ltmp0:
0x14: {  	s13 =	sadd.s32 s14, s21;
	s31 =	sadd.s32 s15, s17;
	(pc) =	sbr.rel .LBB2_1-.Ltmp0, $4  }
0x15: {  	s16 =	smax.u32 s16, $0x1;
	s17 =	simm.s32 $0x3;
	s19 =	sshrl.u32 @!p0 s19, $0x3  }
0x16: {  	s21 =	simm.s32 $0x80;
	[dreg:$0x7] =	wrdreg s1;
	s1 =	sshrl.u32 s26, $0x4  }
0x17: {  	[dreg:$0x6] =	wrdreg s10;
	s14 =	sadd.s32 s15, s1;
	s1 =	sadd.s32 $0x4A100, s2  }
0x18: {  	s26 =	simm.s32 $0x2;
	s15 =	sadd.s32 $0x9420, s31;
	s25 =	sshrl.u32 @p0 s1, $0x3  }
.LBB2_7:
0x19: {  	s0 =	sadd.s32 $0x80, s31;
	[sflag:s17] =	ssyncadd.s32 $0xFFFFF000  }
0x1a: {  	[tilespmem:s23], [sflag:$0x2] =	stream.indirect.gather [spmem:s3], $0x20, s0, s21, $0xb8;
	[tilespmem:$0xE520] =	vst v63  }
0x1b: {  	_ =	swait.ge [sflag:s24], $0x1000  }
0x1c: {  	[sflag:s24] =	ssyncset.done $0x0  }
0x1d: {  	s10 =	sadd.s32 $0x1400, s31;
	[sflag:s24] =	ssyncadd.s32 $0xFFFFF000  }
0x1e: {  	[spmem:s2] =	stream.indirect.scatter.add.bf16 [tilespmem:s22], [sflag:$0x3], $0x20, s10, s21, $0xb8;
	[tilespmem:$0xE520] =	vst v63  }
0x1f: {  	_ =	swait.ge [sflag:s17], $0x1000  }
0x20: {  	[sflag:s17] =	ssyncset.done $0x0  }
0x21: {  	s11 =	sadd.s32 $0x100, s31;
	[sflag:s17] =	ssyncadd.s32 $0xFFFFF000  }
0x22: {  	[tilespmem:s22], [sflag:$0x1] =	stream.indirect.gather [spmem:s3], $0x20, s11, s21, $0xb8;
	[tilespmem:$0xE520] =	vst v63  }
0x23: {  	_ =	swait.ge [sflag:s26], $0x1000  }
0x24: {  	[sflag:s26] =	ssyncset.done $0x0  }
0x25: {  	s31 =	sadd.s32 $0x1480, s31;
	[sflag:s26] =	ssyncadd.s32 $0xFFFFF000  }
0x26: {  	[spmem:s2] =	stream.indirect.scatter.add.bf16 [tilespmem:s23], [sflag:$0x3], $0x20, s31, s21, $0xb8;
	[tilespmem:$0xE520] =	vst v63  }
0x27: {  	_ =	swait.ge [sflag:s17], $0x1000  }
0x28: {  	[sflag:s17] =	ssyncset.done $0x0  }
0x29: {  	[sflag:s17] =	ssyncadd.s32 $0xFFFFF000  }
.LBB2_8:
0x2a: {  	[tilespmem:s23], [sflag:$0x2] =	stream.indirect.gather [spmem:s3], $0x20, s28, s21, $0xb8;
	[tilespmem:$0xE520] =	vst v63  }
0x2b: {  	_ =	swait.ge [sflag:s24], $0x1000  }
0x2c: {  	[sflag:s24] =	ssyncset.done $0x0  }
0x2d: {  	[sflag:s24] =	ssyncadd.s32 $0xFFFFF000  }
0x2e: {  	[spmem:s2] =	stream.indirect.scatter.add.bf16 [tilespmem:s22], [sflag:$0x3], $0x20, s29, s21, $0xb8;
	[tilespmem:$0xE520] =	vst v63  }
0x2f: {  	_ =	swait.ge [sflag:s17], $0x1000  }
0x30: {  	[sflag:s17] =	ssyncset.done $0x0  }
0x31: {  	[sflag:s17] =	ssyncadd.s32 $0xFFFFF000  }
0x32: {  	_ =	swait.ge [sflag:s26], $0x1000  }
0x33: {  	[sflag:s26] =	ssyncset.done $0x0  }
0x34: {  	[sflag:s26] =	ssyncadd.s32 $0xFFFFF000  }
0x35: {  	[spmem:s2] =	stream.indirect.scatter.add.bf16 [tilespmem:s23], [sflag:$0x3], $0x20, s30, s21, $0xb8;
	[tilespmem:$0xE520] =	vst v63  }
0x36: {  	_ =	swait.ge [sflag:s17], $0x1000  }
0x37: {  	[sflag:s17] =	ssyncset.done $0x0  }
0x38: {  	[sflag:s17] =	ssyncadd.s32 $0xFFFFF000  }
0x39: {  	s0 =	simm.s32 @p0 $0x3;
	[bflag:$0x0] =	sbarrier.arrive $0xFFFF  }
0x3a: {  	[hbm:s15], [sflag:s7] =	dma.local @p0 [spmem:s25], $0x820  }
0x3b: {  	_ =	swait.ge @p0 [sflag:s0], $0x820  }
0x3c: {  	s4 =	sadd.s32 $0x1, s4;
	[sflag:s0] =	ssyncset.done @p0 $0x0  }
0x3d: {  	p2 =	sne.s32 s4, s16;
	[sflag:s0] =	ssyncadd.s32 @p0 $0xFFFFF7E0;
	s0 =	sshrl.u32 @!p0 s5, $0x3  }
0x3e: {  	[hbm:s14], [sflag:s7] =	dma.local @!p0 [spmem:s0], $0x9E0  }
.Ltmp1:
0x3f: {  	_ = 	snop;
	(pc) =	sbr.rel @!p2 .LBB2_9-.Ltmp1, $4  }
0x40: {  	s0 =	simm.s32 @!p0 $0x3  }
0x41: {  	_ =	swait.ge @!p0 [sflag:s0], $0x9E0  }
0x42: {  	[sflag:s0] =	ssyncset.done @!p0 $0x0  }
0x43: {  	[sflag:s0] =	ssyncadd.s32 @!p0 $0xFFFFF620  }
.LBB2_1:
0x44: {  	s1 =	sshrl.u32 s5, $0x3  }
0x45: {  	[spmem:s1], [sflag:s7] =	dma.local [hbm:s6], $0x9E0  }
0x46: {  	_ =	swait.ge [sflag:s17], $0x9E0  }
0x47: {  	[sflag:s17] =	ssyncset.done $0x0  }
0x48: {  	s1 =	simm.s32 @p0 $0x3;
	[sflag:s17] =	ssyncadd.s32 $0xFFFFF620  }
0x49: {  	[spmem:s18], [sflag:s7] =	dma.local @p0 [hbm:s9], $0x820  }
0x4a: {  	_ =	swait.ge @p0 [sflag:s1], $0x820  }
0x4b: {  	[sflag:s1] =	ssyncset.done @p0 $0x0  }
.Ltmp2:
0x4c: {  	[sflag:s1] =	ssyncadd.s32 @p0 $0xFFFFF7E0;
	s1 =	simm.s32 @!p0 $0x3;
	(pc) =	sbr.rel @!p1 .LBB2_2-.Ltmp2, $4  }
0x4d: {  	[spmem:s19], [sflag:s7] =	dma.local @!p0 [hbm:s8], $0x9E0  }
0x4e: {  	_ =	swait.ge @!p0 [sflag:s1], $0x9E0  }
0x4f: {  	[sflag:s1] =	ssyncset.done @!p0 $0x0  }
0x50: {  	[sflag:s1] =	ssyncadd.s32 @!p0 $0xFFFFF620;
	s1 =	simm.s32 $0x0  }
0x51: {  	[tilespmem:s1], [sflag:$0x3] =	stream.linear.gather [hbm4b:s12+s1], $0x1400, $0x38;
	[tilespmem:$0xE520] =	vst v63  }
0x52: {  	_ =	swait.ge [sflag:s17], $0x1400  }
0x53: {  	[sflag:s17] =	ssyncset.done $0x0  }
0x54: {  	[sflag:s17] =	ssyncadd.s32 $0xFFFFEC00  }
0x55: {  	[tilespmem:s20], [sflag:$0x3] =	stream.linear.gather [hbm4b:s13+s1], $0x1400, $0x38;
	[tilespmem:$0xE520] =	vst v63  }
0x56: {  	_ =	swait.ge [sflag:s17], $0x1400  }
0x57: {  	[sflag:s17] =	ssyncset.done $0x0  }
0x58: {  	[sflag:s17] =	ssyncadd.s32 $0xFFFFEC00  }
0x59: {  	[bflag:$0x0] =	sbarrier.arrive $0xFFFF  }
0x5a: {  	[tilespmem:s22], [sflag:$0x1] =	stream.indirect.gather [spmem:s3], $0x20, s1, s21, $0xb8;
	[tilespmem:$0xE520] =	vst v63  }
0x5b: {  	s11 =	simm.s32 $0x80  }
0x5c: {  	[tilespmem:s23], [sflag:$0x2] =	stream.indirect.gather [spmem:s3], $0x20, s11, s21, $0xb8;
	[tilespmem:$0xE520] =	vst v63  }
0x5d: {  	_ =	swait.ge [sflag:s24], $0x1000  }
0x5e: {  	[sflag:s24] =	ssyncset.done $0x0  }
0x5f: {  	s0 =	simm.s32 $0x1400;
	[sflag:s24] =	ssyncadd.s32 $0xFFFFF000  }
0x60: {  	[spmem:s2] =	stream.indirect.scatter.add.bf16 [tilespmem:s22], [sflag:$0x3], $0x20, s0, s21, $0xb8;
	[tilespmem:$0xE520] =	vst v63  }
0x61: {  	_ =	swait.ge [sflag:s17], $0x1000  }
0x62: {  	[sflag:s17] =	ssyncset.done $0x0  }
0x63: {  	s10 =	simm.s32 $0x100;
	[sflag:s17] =	ssyncadd.s32 $0xFFFFF000  }
0x64: {  	[tilespmem:s22], [sflag:$0x1] =	stream.indirect.gather [spmem:s3], $0x20, s10, s21, $0xb8;
	[tilespmem:$0xE520] =	vst v63  }
0x65: {  	_ =	swait.ge [sflag:s26], $0x1000  }
0x66: {  	[sflag:s26] =	ssyncset.done $0x0  }
0x67: {  	s11 =	simm.s32 $0x1480;
	[sflag:s26] =	ssyncadd.s32 $0xFFFFF000  }
0x68: {  	[spmem:s2] =	stream.indirect.scatter.add.bf16 [tilespmem:s23], [sflag:$0x3], $0x20, s11, s21, $0xb8;
	[tilespmem:$0xE520] =	vst v63  }
0x69: {  	_ =	swait.ge [sflag:s17], $0x1000  }
0x6a: {  	s31 =	simm.s32 $0x100;
	s1 =	simm.s32 $0x800;
	[sflag:s17] =	ssyncset.done $0x0  }
.LBB2_6:
0x6b: {  	s0 =	sadd.s32 $0x80, s31  }
0x6c: {  	[sflag:s17] =	ssyncadd.s32 $0xFFFFF000;
	s10 =	smov.u32 s1;
	s11 =	sadd.s32 $0x400, s1  }
0x6d: {  	[tilespmem:s23], [sflag:$0x2] =	stream.indirect.gather [spmem:s3], $0x20, s0, s21, $0xb8;
	[tilespmem:$0xE520] =	vst v63  }
0x6e: {  	p2 =	seq.s32 s1, $0x4800;
	_ =	swait.ge [sflag:s24], $0x1000  }
0x6f: {  	[sflag:s24] =	ssyncset.done $0x0  }
0x70: {  	s0 =	sadd.s32 $0x1400, s31;
	[sflag:s24] =	ssyncadd.s32 $0xFFFFF000  }
0x71: {  	[spmem:s2] =	stream.indirect.scatter.add.bf16 [tilespmem:s22], [sflag:$0x3], $0x20, s0, s21, $0xb8;
	[tilespmem:$0xE520] =	vst v63  }
0x72: {  	_ =	swait.ge [sflag:s17], $0x1000  }
0x73: {  	[sflag:s17] =	ssyncset.done $0x0  }
0x74: {  	s0 =	sadd.s32 $0x100, s31;
	[sflag:s17] =	ssyncadd.s32 $0xFFFFF000  }
0x75: {  	[tilespmem:s22], [sflag:$0x1] =	stream.indirect.gather [spmem:s3], $0x20, s0, s21, $0xb8;
	[tilespmem:$0xE520] =	vst v63  }
0x76: {  	_ =	swait.ge [sflag:s26], $0x1000  }
.Ltmp3:
0x77: {  	[sflag:s26] =	ssyncset.done $0x0;
	(pc) =	sbr.rel @!p2 .LBB2_6-.Ltmp3, $4  }
0x78: {  	s0 =	sadd.s32 $0x1480, s31;
	[sflag:s26] =	ssyncadd.s32 $0xFFFFF000  }
0x79: {  	[spmem:s2] =	stream.indirect.scatter.add.bf16 [tilespmem:s23], [sflag:$0x3], $0x20, s0, s21, $0xb8;
	[tilespmem:$0xE520] =	vst v63  }
0x7a: {  	_ =	swait.ge [sflag:s17], $0x1000  }
0x7b: {  	s1 =	smov.u32 s11;
	s31 =	sshra.s32 s10, $0x2;
	[sflag:s17] =	ssyncset.done $0x0  }
.Ltmp4:
0x7c: {  	_ = 	snop;
	(pc) =	sbr.rel .LBB2_7-.Ltmp4, $1  }
0x7d: {  	_ =	sdelay $0x3  }
.LBB2_2:
0x7e: {  	s0 =	rddreg [dreg:$0x6]  }
0x7f: {  	[tilespmem:s1], [sflag:$0x3] =	stream.linear.gather [hbm4b:s0+s1], $0x1400, $0x38;
	[tilespmem:$0xE520] =	vst v63  }
0x80: {  	_ =	swait.ge [sflag:s17], $0x1400  }
0x81: {  	[sflag:s17] =	ssyncset.done $0x0  }
0x82: {  	s10 =	rddreg [dreg:$0x7];
	[sflag:s17] =	ssyncadd.s32 $0xFFFFEC00  }
0x83: {  	[tilespmem:s20], [sflag:$0x3] =	stream.linear.gather [hbm4b:s10+s1], $0x1400, $0x38;
	[tilespmem:$0xE520] =	vst v63  }
0x84: {  	_ =	swait.ge [sflag:s17], $0x1400  }
0x85: {  	[sflag:s17] =	ssyncset.done $0x0  }
0x86: {  	[sflag:s17] =	ssyncadd.s32 $0xFFFFEC00  }
0x87: {  	[bflag:$0x0] =	sbarrier.arrive $0xFFFF  }
0x88: {  	[tilespmem:s22], [sflag:$0x1] =	stream.indirect.gather [spmem:s3], $0x20, s1, s21, $0xb8;
	[tilespmem:$0xE520] =	vst v63  }
0x89: {  	s11 =	simm.s32 $0x80  }
0x8a: {  	[tilespmem:s23], [sflag:$0x2] =	stream.indirect.gather [spmem:s3], $0x20, s11, s21, $0xb8;
	[tilespmem:$0xE520] =	vst v63  }
0x8b: {  	_ =	swait.ge [sflag:s24], $0x1000  }
0x8c: {  	[sflag:s24] =	ssyncset.done $0x0  }
0x8d: {  	s1 =	simm.s32 $0x1400;
	[sflag:s24] =	ssyncadd.s32 $0xFFFFF000  }
0x8e: {  	[spmem:s2] =	stream.indirect.scatter.add.bf16 [tilespmem:s22], [sflag:$0x3], $0x20, s1, s21, $0xb8;
	[tilespmem:$0xE520] =	vst v63  }
0x8f: {  	_ =	swait.ge [sflag:s17], $0x1000  }
0x90: {  	[sflag:s17] =	ssyncset.done $0x0  }
0x91: {  	s10 =	simm.s32 $0x100;
	[sflag:s17] =	ssyncadd.s32 $0xFFFFF000  }
0x92: {  	[tilespmem:s22], [sflag:$0x1] =	stream.indirect.gather [spmem:s3], $0x20, s10, s21, $0xb8;
	[tilespmem:$0xE520] =	vst v63  }
0x93: {  	_ =	swait.ge [sflag:s26], $0x1000  }
0x94: {  	[sflag:s26] =	ssyncset.done $0x0  }
0x95: {  	s11 =	simm.s32 $0x1480;
	[sflag:s26] =	ssyncadd.s32 $0xFFFFF000  }
0x96: {  	[spmem:s2] =	stream.indirect.scatter.add.bf16 [tilespmem:s23], [sflag:$0x3], $0x20, s11, s21, $0xb8;
	[tilespmem:$0xE520] =	vst v63  }
0x97: {  	_ =	swait.ge [sflag:s17], $0x1000  }
0x98: {  	s31 =	simm.s32 $0x100;
	s1 =	simm.s32 $0x800;
	[sflag:s17] =	ssyncset.done $0x0  }
.LBB2_3:
0x99: {  	s0 =	sadd.s32 $0x80, s31  }
0x9a: {  	[sflag:s17] =	ssyncadd.s32 $0xFFFFF000;
	s10 =	smov.u32 s1;
	s11 =	sadd.s32 $0x400, s1  }
0x9b: {  	[tilespmem:s23], [sflag:$0x2] =	stream.indirect.gather [spmem:s3], $0x20, s0, s21, $0xb8;
	[tilespmem:$0xE520] =	vst v63  }
0x9c: {  	p2 =	sne.s32 s1, $0x4800;
	_ =	swait.ge [sflag:s24], $0x1000  }
0x9d: {  	[sflag:s24] =	ssyncset.done $0x0  }
0x9e: {  	s0 =	sadd.s32 $0x1400, s31;
	[sflag:s24] =	ssyncadd.s32 $0xFFFFF000  }
0x9f: {  	[spmem:s2] =	stream.indirect.scatter.add.bf16 [tilespmem:s22], [sflag:$0x3], $0x20, s0, s21, $0xb8;
	[tilespmem:$0xE520] =	vst v63  }
0xa0: {  	_ =	swait.ge [sflag:s17], $0x1000  }
0xa1: {  	[sflag:s17] =	ssyncset.done $0x0  }
0xa2: {  	s0 =	sadd.s32 $0x100, s31;
	[sflag:s17] =	ssyncadd.s32 $0xFFFFF000  }
0xa3: {  	[tilespmem:s22], [sflag:$0x1] =	stream.indirect.gather [spmem:s3], $0x20, s0, s21, $0xb8;
	[tilespmem:$0xE520] =	vst v63  }
0xa4: {  	_ =	swait.ge [sflag:s26], $0x1000  }
.Ltmp5:
0xa5: {  	[sflag:s26] =	ssyncset.done $0x0;
	(pc) =	sbr.rel @p2 .LBB2_3-.Ltmp5, $4  }
0xa6: {  	s0 =	sadd.s32 $0x1480, s31;
	[sflag:s26] =	ssyncadd.s32 $0xFFFFF000  }
0xa7: {  	[spmem:s2] =	stream.indirect.scatter.add.bf16 [tilespmem:s23], [sflag:$0x3], $0x20, s0, s21, $0xb8;
	[tilespmem:$0xE520] =	vst v63  }
0xa8: {  	_ =	swait.ge [sflag:s17], $0x1000  }
0xa9: {  	s1 =	smov.u32 s11;
	s31 =	sshra.s32 s10, $0x2;
	[sflag:s17] =	ssyncset.done $0x0  }
0xaa: {  	s0 =	sadd.s32 $0x80, s31;
	[sflag:s17] =	ssyncadd.s32 $0xFFFFF000  }
0xab: {  	[tilespmem:s23], [sflag:$0x2] =	stream.indirect.gather [spmem:s3], $0x20, s0, s21, $0xb8;
	[tilespmem:$0xE520] =	vst v63  }
0xac: {  	_ =	swait.ge [sflag:s24], $0x1000  }
0xad: {  	[sflag:s24] =	ssyncset.done $0x0  }
0xae: {  	s10 =	sadd.s32 $0x1400, s31;
	[sflag:s24] =	ssyncadd.s32 $0xFFFFF000  }
0xaf: {  	[spmem:s2] =	stream.indirect.scatter.add.bf16 [tilespmem:s22], [sflag:$0x3], $0x20, s10, s21, $0xb8;
	[tilespmem:$0xE520] =	vst v63  }
0xb0: {  	_ =	swait.ge [sflag:s17], $0x1000  }
0xb1: {  	[sflag:s17] =	ssyncset.done $0x0  }
0xb2: {  	s11 =	sadd.s32 $0x100, s31;
	[sflag:s17] =	ssyncadd.s32 $0xFFFFF000  }
0xb3: {  	[tilespmem:s22], [sflag:$0x1] =	stream.indirect.gather [spmem:s3], $0x20, s11, s21, $0xb8;
	[tilespmem:$0xE520] =	vst v63  }
0xb4: {  	_ =	swait.ge [sflag:s26], $0x1000  }
0xb5: {  	[sflag:s26] =	ssyncset.done $0x0  }
.Ltmp6:
0xb6: {  	s31 =	sadd.s32 $0x1480, s31;
	[sflag:s26] =	ssyncadd.s32 $0xFFFFF000;
	(pc) =	sbr.rel .LBB2_8-.Ltmp6, $4  }
0xb7: {  	[spmem:s2] =	stream.indirect.scatter.add.bf16 [tilespmem:s23], [sflag:$0x3], $0x20, s31, s21, $0xb8;
	[tilespmem:$0xE520] =	vst v63  }
0xb8: {  	_ =	swait.ge [sflag:s17], $0x1000  }
0xb9: {  	[sflag:s17] =	ssyncset.done $0x0  }
0xba: {  	[sflag:s17] =	ssyncadd.s32 $0xFFFFF000  }
.LBB2_9:
0xbb: {  	_ =	sfence.sel $0x180000  }
0xbc: {  	[bflag:$0x0] =	sbarrier.arrive $0xFFFF  }
0xbd: {  	_ =	strace $0x9000004A  }
0xbe: {  	s0 =	stileid.u32;
	[bflag:$0x2] =	sbarrier.arrive $0xFFFF  }
0xbf: {  	p0 =	sne.s32 s0, $0x0;
	s0 =	rddreg [dreg:$0x5]  }
0xc0: {  	s0 =	sadd.s32 @!p0 $0x100000, s0  }
0xc1: {  	[sflag:s0] =	ssyncadd.tile.s32 @!p0 $0x1;
	_ =	shalt  }
.Lfunc_end2:
_tile_overlayer_lowered:
.L_overlay_start_2:
0xc2: {  	(tag) =	ssettag $0x2  }
0xc3: {  	s0 =	rddreg [dreg:$0x0];
	s2 =	stileid.u32  }
0xc4: {  	s1 =	rddreg [dreg:$0x1];
	p0 =	sne.s32 s2, $0x0  }
0xc5: {  	s3 =	rddreg [dreg:$0x2];
	[bflag:$0x3] =	sbarrier.arrive $0xFFFF;
	s2 =	simm.s32 @!p0 $0x1C03  }
0xc6: {  	[timem:s3], [sflag:s2] =	dma.local @!p0 [hbm:s0], s1  }
0xc7: {  	s0 =	simm.s32 @!p0 $0x3  }
0xc8: {  	_ =	swait.ge @!p0 [sflag:s0], s1  }
0xc9: {  	s1 =	ssub.s32 @!p0 $0x0, s1;
	[sflag:s0] =	ssyncset.done @!p0 $0x0  }
0xca: {  	[sflag:s0] =	ssyncadd.s32 @!p0 s1  }
0xcb: {  	[bflag:$0x3] =	sbarrier.arrive $0xFFFF  }
0xcc: {  	_ =	shalt  }

// kernel: kernel.15.cloned.1.call-start
scs
__scs_entry_jumppad:
0x0: {  	(pc) =	sbr.rel $0x88, $3  }
0x1: {  	(tag) =	ssettag $0x0;
	lr =	simm.s32 $0x1  }
0x2: {  	[smem:$0x3F9E] =	sst lr;
	_ =	strace $0xD0000000  }
0x3: {  	_ = 	snop  }
0x4: {  	_ = 	snop  }
0x5: {  	_ = 	snop  }
0x6: {  	_ = 	snop  }
0x7: {  	_ = 	snop  }
__scs_overlays_trampoline_lowered:
0x8: {  	[smem:$0x3FAD] =	sst s0  }
0x9: {  	[smem:$0x3FAE] =	sst s1  }
0xa: {  	[smem:$0x3FAF] =	sst s2  }
0xb: {  	[smem:$0x3FB0] =	sst s3  }
0xc: {  	[smem:$0x3FB1] =	sst s4  }
0xd: {  	[smem:$0x3FB2] =	sst s5  }
0xe: {  	[smem:$0x3FB3] =	sst s6  }
0xf: {  	[smem:$0x3FB4] =	sst s7  }
0x10: {  	[smem:$0x3FB5] =	sst s8  }
0x11: {  	[smem:$0x3FB6] =	sst s9;
	s0 =	simm.s32 @!p0 $0x0  }
0x12: {  	s1 =	sld [smem:$0x3F9C];
	s0 =	simm.s32 @p0 $0x1  }
0x13: {  	[smem:$0x3FB7] =	sst s0;
	s0 =	simm.s32 @!p1 $0x0  }
0x14: {  	s2 =	sld [smem:$0x3F9B];
	s0 =	simm.s32 @p1 $0x1  }
0x15: {  	[smem:$0x3FB8] =	sst s0;
	s0 =	simm.s32 @!p2 $0x0  }
0x16: {  	s3 =	sld [smem:$0x3FDB];
	s0 =	simm.s32 @p2 $0x1  }
0x17: {  	s4 =	simm.s32 $0x1BF5;
	[smem:$0x3FBA] =	sst s0  }
0x18: {  	s0 =	sld [smem:$0x3F9D];
	_ =	swait.ge [sflag:s4], $0x0  }
0x19: {  	s7 =	sld [smem:$0x3F9E]  }
0x1a: {  	s8 =	sadd.s32 $0xFFFFE003, lr  }
0x1b: {  	s9 =	sadd.s32 $0xFFFFFEF7, lr;
	s5 =	simm.s32 $0xFFFFFFFF;
	p2 =	slt.u32 s8, $0xFFFFF086  }
0x1c: {  	p1 =	slt.u32 s9, $0xF7A;
	s5 =	simm.s32 @!p2 $0x0  }
0x1d: {  	s5 =	simm.s32 @p1 $0x1;
	p0 =	seq.s32 s7, s2  }
0x1e: {  	s7 =	smul.u32 @!p0 $0xF7A, s2;
	p2 =	seq.s32 @!p0 s5, $0x0  }
0x1f: {  	s9 =	smul.u32 $0xF7A, s1;
	s8 =	simm.s32 @!p0 $0x1BF5;
	p2 =	por !p2, p0  }
0x20: {  	[sflag:s8] =	ssyncset.s32 @!p0 $0xFFFFF086;
	s6 =	sadd.s32 @!p0 s3, s7;
	s7 =	simm.s32 @!p0 $0x108  }
0x21: {  	s3 =	sadd.s32 s3, s9;
	s6 =	sadd.s32 @!p0 $0x88, s6;
	s7 =	simm.s32 @p2 $0x1082  }
0x22: {  	[simem:s7], [sflag:s8] =	dma.local @!p0 [hbm:s6], $0xF7A  }
0x23: {  	s9 =	sor.u32 $0xD0000000, s2;
	s6 =	simm.s32 $0x108;
	_ =	swait.ge @!p0 [sflag:s8], $0x0  }
0x24: {  	s3 =	sadd.s32 $0x88, s3;
	s6 =	simm.s32 @!p1 $0x1082;
	[sflag:s4] =	ssyncset.s32 $0xFFFFF086  }
0x25: {  	[simem:s6], [sflag:s4] =	dma.local [hbm:s3], $0xF7A  }
0x26: {  	[smem:$0x3F9E] =	sst s1;
	(tag) =	ssettag s2;
	_ =	strace s9  }
0x27: {  	s1 =	sld [smem:$0x3FAE]  }
0x28: {  	s2 =	sld [smem:$0x3FAF]  }
0x29: {  	s4 =	sld [smem:$0x3FB1]  }
0x2a: {  	p0 =	seq.s32 s5, $0x0;
	s5 =	sld [smem:$0x3FB2]  }
0x2b: {  	s6 =	sld [smem:$0x3FB3]  }
0x2c: {  	s7 =	sld [smem:$0x3FB4]  }
0x2d: {  	s3 =	simm.s32 $0x108;
	s8 =	sld [smem:$0x3FB5]  }
0x2e: {  	s3 =	simm.s32 @!p0 $0x1082;
	s9 =	sld [smem:$0x3FB6]  }
0x2f: {  	lr =	sadd.s32 s0, s3;
	s0 =	sld [smem:$0x3FAD]  }
0x30: {  	s3 =	sld [smem:$0x3FB0]  }
0x31: {  	[smem:$0x3FB9] =	sst s10  }
0x32: {  	s10 =	sld [smem:$0x3FB7];
	_ =	sdelay $0x3  }
0x33: {  	p0 =	seq.s32 s10, $0x1;
	s10 =	sld [smem:$0x3FB9];
	_ =	sdelay $0x3  }
0x34: {  	[smem:$0x3FB9] =	sst s10  }
0x35: {  	s10 =	sld [smem:$0x3FB8];
	_ =	sdelay $0x3  }
0x36: {  	p1 =	seq.s32 s10, $0x1;
	s10 =	sld [smem:$0x3FB9];
	_ =	sdelay $0x3  }
0x37: {  	[smem:$0x3FB9] =	sst s10  }
0x38: {  	s10 =	sld [smem:$0x3FBA]  }
0x39: {  	_ = 	snop;
	(pc) =	sbr.ind lr, $3  }
0x3a: {  	_ = 	snop  }
0x3b: {  	_ = 	snop  }
0x3c: {  	p2 =	seq.s32 s10, $0x1;
	s10 =	sld [smem:$0x3FB9]  }
0x3d: {  	_ =	shalt  }
0x3e: {  	_ =	shalt  }
0x3f: {  	_ =	shalt  }
0x40: {  	_ =	shalt  }
0x41: {  	_ =	shalt  }
0x42: {  	_ =	shalt  }
0x43: {  	_ =	shalt  }
0x44: {  	_ =	shalt  }
0x45: {  	_ =	shalt  }
0x46: {  	_ =	shalt  }
0x47: {  	_ =	shalt  }
0x48: {  	_ =	shalt  }
0x49: {  	_ =	shalt  }
0x4a: {  	_ =	shalt  }
0x4b: {  	_ =	shalt  }
0x4c: {  	_ =	shalt  }
0x4d: {  	_ =	shalt  }
0x4e: {  	_ =	shalt  }
0x4f: {  	_ =	shalt  }
0x50: {  	_ =	shalt  }
0x51: {  	_ =	shalt  }
0x52: {  	_ =	shalt  }
0x53: {  	_ =	shalt  }
0x54: {  	_ =	shalt  }
0x55: {  	_ =	shalt  }
0x56: {  	_ =	shalt  }
0x57: {  	_ =	shalt  }
0x58: {  	_ =	shalt  }
0x59: {  	_ =	shalt  }
0x5a: {  	_ =	shalt  }
0x5b: {  	_ =	shalt  }
0x5c: {  	_ =	shalt  }
0x5d: {  	_ =	shalt  }
0x5e: {  	_ =	shalt  }
0x5f: {  	_ =	shalt  }
0x60: {  	_ =	shalt  }
0x61: {  	_ =	shalt  }
0x62: {  	_ =	shalt  }
0x63: {  	_ =	shalt  }
0x64: {  	_ =	shalt  }
0x65: {  	_ =	shalt  }
0x66: {  	_ =	shalt  }
0x67: {  	_ =	shalt  }
0x68: {  	_ =	shalt  }
0x69: {  	_ =	shalt  }
0x6a: {  	_ =	shalt  }
0x6b: {  	_ =	shalt  }
0x6c: {  	_ =	shalt  }
0x6d: {  	_ =	shalt  }
0x6e: {  	_ =	shalt  }
0x6f: {  	_ =	shalt  }
0x70: {  	_ =	shalt  }
0x71: {  	_ =	shalt  }
0x72: {  	_ =	shalt  }
0x73: {  	_ =	shalt  }
0x74: {  	_ =	shalt  }
0x75: {  	_ =	shalt  }
0x76: {  	_ =	shalt  }
0x77: {  	_ =	shalt  }
0x78: {  	_ =	shalt  }
0x79: {  	_ =	shalt  }
0x7a: {  	_ =	shalt  }
0x7b: {  	_ =	shalt  }
0x7c: {  	_ =	shalt  }
0x7d: {  	_ =	shalt  }
0x7e: {  	_ =	shalt  }
0x7f: {  	_ =	shalt  }
0x80: {  	_ =	shalt  }
0x81: {  	_ =	shalt  }
0x82: {  	_ =	shalt  }
0x83: {  	_ =	shalt  }
0x84: {  	_ =	shalt  }
0x85: {  	_ =	shalt  }
0x86: {  	_ =	shalt  }
0x87: {  	_ =	shalt  }
.Lfunc_end0:
.L_simem_size_0:
called_computation.2_lowered:
.L_overlay_start_0:
0x88: {  	s2 =	sld [smem:$0x3FD9]  }
0x89: {  	s3 =	sld [smem:$0x3FFE];
	_ =	sdelay $0x1  }
0x8a: {  	s1 =	srdreg.scid  }
0x8b: {  	s0 =	sand.u32 $0x1, s1  }
0x8c: {  	s14 =	sshll.u32 s0, $0xA;
	s2 =	sadd.s32 s3, s2  }
0x8d: {  	s2 =	sadd.s32 s2, s14  }
0x8e: {  	[smem:$0x3FC5] =	sst s2  }
0x8f: {  	_ = 	snop  }
0x90: {  	s2 =	sld [smem:$0x3FD0];
	_ =	sdelay $0x2  }
0x91: {  	s15 =	simm.s32 $0xA;
	s4 =	simm.s32 $0x10  }
0x92: {  	[smem:s4], [sflag:s15] =	dma.local [hbm:s2], $0x1  }
0x93: {  	_ =	swait.eq [sflag:s15], $0x1  }
0x94: {  	[sflag:s15] =	ssyncset.done $0x0  }
0x95: {  	s16 =	sld [smem:$0x10];
	[sflag:s15] =	ssyncadd.s32 $0xFFFFFFFF  }
0x96: {  	s17 =	sld [smem:$0x11];
	(tm) =	ssettm $0x1  }
0x97: {  	s18 =	sld [smem:$0x3FFB];
	_ =	sdelay $0x3  }
0x98: {  	_ =	strace s18  }
0x99: {  	s4 =	sld [smem:$0x3FFC];
	_ =	sdelay $0x3  }
0x9a: {  	_ =	strace s4  }
0x9b: {  	s4 =	sld [smem:$0x3FFD];
	_ =	sdelay $0x3  }
0x9c: {  	_ =	strace s4  }
0x9d: {  	_ =	strace $0x8FFFFFFF  }
0x9e: {  	s19 =	sld [smem:$0x3FDB];
	_ =	sdelay $0x1  }
0x9f: {  	s5 =	simm.s32 $_scs_section_size  }
0xa0: {  	s6 =	simm.s32 $_size__tile_overlayer_lowered;
	s7 =	simm.s32 $_tile_overlayer_lowered  }
0xa1: {  	s22 =	simm.s32 $0x1BFF;
	s21 =	sshll.u32 s7, $0x1;
	s4 =	sadd.s32 s5, s19  }
0xa2: {  	s8 =	simm.s32 $0x0;
	s20 =	sshll.u32 s6, $0x1;
	s6 =	sadd.s32 s21, s4  }
0xa3: {  	[timem:s8], [sflag:s22] =	dma.local [hbm:s6], s20  }
0xa4: {  	_ =	swait.ge [sflag:s22], s20  }
0xa5: {  	s5 =	ssub.s32 $0x0, s20;
	[sflag:s22] =	ssyncset.done $0x0  }
0xa6: {  	[sflag:s22] =	ssyncadd.s32 s5;
	_ =	sdelay $0x1  }
0xa7: {  	s23 =	simm.s32 $0x1B8B  }
0xa8: {  	_ =	swait.ge [sflag:s23], $0x1  }
0xa9: {  	[sflag:s23] =	ssyncset.done $0x0  }
0xaa: {  	s25 =	simm.s32 $0x1B8E;
	s24 =	sld [smem:$0x3FFE];
	[sflag:s23] =	ssyncadd.s32 $0xFFFFFFFF  }
0xab: {  	s26 =	simm.s32 $execute0_lowered;
	[smem:$0x3FD2] =	sst s25  }
0xac: {  	s6 =	sshll.u32 s26, $0x1;
	_ =	strace $0x8000004C;
	[dreg:$0x1] =	wrdreg $0xFFFFFFFF  }
0xad: {  	s28 =	simm.s32 $_size_execute0_lowered;
	s4 =	sadd.s32 s4, s6;
	[dreg:$0x0] =	wrdreg $0x0  }
0xae: {  	s6 =	sshll.u32 s28, $0x1;
	[dreg:$0x2] =	wrdreg s4  }
0xaf: {  	[dreg:$0x3] =	wrdreg s6  }
0xb0: {  	[dreg:$0x4] =	wrdreg $0xC0  }
0xb1: {  	_ =	task [dreg:s8], $0x5FFFF  }
0xb2: {  	[dreg:$0x1] =	wrdreg $0xFFFFFFFF  }
0xb3: {  	[dreg:$0x0] =	wrdreg $0x60  }
0xb4: {  	[dreg:$0x2] =	wrdreg s24  }
0xb5: {  	[dreg:$0x3] =	wrdreg s16  }
0xb6: {  	[dreg:$0x4] =	wrdreg s17  }
0xb7: {  	[dreg:$0x5] =	wrdreg $0x48000  }
0xb8: {  	[dreg:$0x6] =	wrdreg $0x97000  }
0xb9: {  	[dreg:$0x7] =	wrdreg $0x9  }
0xba: {  	_ =	task.clear_ibuf [dreg:s8], $0x8FFFF;
	_ =	strace $0x9000004C  }
0xbb: {  	s29 =	simm.s32 $0x9;
	_ =	strace $0x8000004E  }
0xbc: {  	_ =	swait.ge [sflag:s29], $0x1  }
0xbd: {  	[sflag:s29] =	ssyncadd.s32 $0xFFFFFFFF  }
0xbe: {  	_ =	strace $0x9000004E  }
0xbf: {  	_ =	sfence  }
0xc0: {  	s30 =	sld [smem:$0x0];
	_ =	sdelay $0x2  }
0xc1: {  	s31 =	sshll.u32 s1, $0xD;
	s1 =	sshrl.u32 s1, $0x2  }
0xc2: {  	s3 =	sand.u32 $0x4000, s31;
	s1 =	sadd.s32 s1, s30  }
0xc3: {  	s0 =	sor.u32 s3, s0;
	s1 =	sshll.u32 s1, $0x11  }
0xc4: {  	s0 =	sor.u32 s1, s0  }
0xc5: {  	s0 =	sadd.s32 $0x8F2B, s0  }
0xc6: {  	[sflag:s0] =	ssyncadd.remote.s32 $0x1  }
0xc7: {  	_ =	sfence.sel $0xFFFF  }
0xc8: {  	[dreg:$0x0] =	wrdreg $0xFFFFFFFF;
	(pc) =	sbr.abs _section_cstart, $3  }
0xc9: {  	[dreg:$0x1] =	wrdreg $0xFFFFFFFF  }
0xca: {  	_ =	task.clear_ibuf [dreg:s8], $0x2FFFF;
	_ =	strace $0x9FFFFFFF  }
0xcb: {  	(tm) =	ssettm $0x7FFFFFFF  }
tec
execute0_lowered:
.L_overlay_start_1:
0x0: {  	(tag) =	ssettag $0x1  }
0x1: {  	s1 =	rddreg [dreg:$0x0]  }
0x2: {  	s6 =	rddreg [dreg:$0x1]  }
0x3: {  	s15 =	rddreg [dreg:$0x2]  }
0x4: {  	s2 =	rddreg [dreg:$0x3]  }
0x5: {  	s0 =	stileid.u32;
	s3 =	rddreg [dreg:$0x4]  }
0x6: {  	s4 =	simm.s32 $0x0;
	s5 =	srdreg.scid;
	s28 =	simm.s32 $0x1380  }
0x7: {  	s29 =	simm.s32 $0x2700;
	s30 =	simm.s32 $0x2780;
	s12 =	smul.u32 $0x9E00, s0  }
0x8: {  	[smem:$0x7FF] =	sst s4;
	s20 =	sand.u32 $0x1, s5;
	s13 =	sadd.s32 $0x6800, s1  }
0x9: {  	s14 =	sadd.s32 $0xB800, s1;
	s22 =	sshll.u32 s0, $0x6;
	s23 =	smul.u32 $0x1400, s0  }
0xa: {  	s18 =	sadd.s32 $0x4A100, s3;
	s21 =	smul.u32 $0x280, s0;
	p0 =	seq.s32 s0, $0xF  }
0xb: {  	_ =	strace $0x8000004D;
	s5 =	ssub.s32 $0x2, s20;
	s17 =	smul.u32 $0x9C400, s20  }
0xc: {  	s18 =	sshrl.u32 @p0 s18, $0x3;
	p1 =	seq.s32 s20, $0x0;
	s20 =	simm.s32 $0x1400  }
0xd: {  	s7 =	sshrl.u32 s12, $0x4;
	s9 =	sshrl.u32 s5, $0x1;
	s10 =	sshrl.u32 s12, $0x1  }
0xe: {  	s24 =	sshrl.u32 s23, $0x3;
	s23 =	simm.s32 $0x3800;
	s8 =	sadd.s32 s7, s1  }
0xf: {  	s16 =	ssub.s32 s5, s9;
	s5 =	sadd.s32 s10, s2;
	s6 =	sadd.s32 s6, s7  }
0x10: {  	s7 =	sor.u32 $0x1C03, s22;
	s19 =	sadd.s32 s10, s3;
	s9 =	sadd.s32 $0x19C20, s1  }
0x11: {  	s25 =	sadd.s32 $0x2800, s24;
	s26 =	sadd.s32 s12, s17;
	s12 =	sadd.s32 s13, s21  }
0x12: {  	s17 =	sshrl.u32 s17, $0x4;
	s22 =	simm.s32 $0x2800;
	s24 =	simm.s32 $0x1  }
0x13: {  	s8 =	sadd.s32 $0x10800, s8;
	s10 =	sadd.s32 s13, s25;
	s1 =	sadd.s32 s14, s25  }
.Ltmp0:
0x14: {  	s13 =	sadd.s32 s14, s21;
	s31 =	sadd.s32 s15, s17;
	(pc) =	sbr.rel .LBB2_1-.Ltmp0, $4  }
0x15: {  	s16 =	smax.u32 s16, $0x1;
	s17 =	simm.s32 $0x3;
	s19 =	sshrl.u32 @!p0 s19, $0x3  }
0x16: {  	s21 =	simm.s32 $0x80;
	[dreg:$0x7] =	wrdreg s1;
	s1 =	sshrl.u32 s26, $0x4  }
0x17: {  	[dreg:$0x6] =	wrdreg s10;
	s14 =	sadd.s32 s15, s1;
	s1 =	sadd.s32 $0x4A100, s2  }
0x18: {  	s26 =	simm.s32 $0x2;
	s15 =	sadd.s32 $0x9420, s31;
	s25 =	sshrl.u32 @p0 s1, $0x3  }
.LBB2_7:
0x19: {  	s0 =	sadd.s32 $0x80, s31;
	[sflag:s17] =	ssyncadd.s32 $0xFFFFF000  }
0x1a: {  	[tilespmem:s23], [sflag:$0x2] =	stream.indirect.gather [spmem:s3], $0x20, s0, s21, $0xb8;
	[tilespmem:$0xE520] =	vst v63  }
0x1b: {  	_ =	swait.ge [sflag:s24], $0x1000  }
0x1c: {  	[sflag:s24] =	ssyncset.done $0x0  }
0x1d: {  	s10 =	sadd.s32 $0x1400, s31;
	[sflag:s24] =	ssyncadd.s32 $0xFFFFF000  }
0x1e: {  	[spmem:s2] =	stream.indirect.scatter.add.bf16 [tilespmem:s22], [sflag:$0x3], $0x20, s10, s21, $0xb8;
	[tilespmem:$0xE520] =	vst v63  }
0x1f: {  	_ =	swait.ge [sflag:s17], $0x1000  }
0x20: {  	[sflag:s17] =	ssyncset.done $0x0  }
0x21: {  	s11 =	sadd.s32 $0x100, s31;
	[sflag:s17] =	ssyncadd.s32 $0xFFFFF000  }
0x22: {  	[tilespmem:s22], [sflag:$0x1] =	stream.indirect.gather [spmem:s3], $0x20, s11, s21, $0xb8;
	[tilespmem:$0xE520] =	vst v63  }
0x23: {  	_ =	swait.ge [sflag:s26], $0x1000  }
0x24: {  	[sflag:s26] =	ssyncset.done $0x0  }
0x25: {  	s31 =	sadd.s32 $0x1480, s31;
	[sflag:s26] =	ssyncadd.s32 $0xFFFFF000  }
0x26: {  	[spmem:s2] =	stream.indirect.scatter.add.bf16 [tilespmem:s23], [sflag:$0x3], $0x20, s31, s21, $0xb8;
	[tilespmem:$0xE520] =	vst v63  }
0x27: {  	_ =	swait.ge [sflag:s17], $0x1000  }
0x28: {  	[sflag:s17] =	ssyncset.done $0x0  }
0x29: {  	[sflag:s17] =	ssyncadd.s32 $0xFFFFF000  }
.LBB2_8:
0x2a: {  	[tilespmem:s23], [sflag:$0x2] =	stream.indirect.gather [spmem:s3], $0x20, s28, s21, $0xb8;
	[tilespmem:$0xE520] =	vst v63  }
0x2b: {  	_ =	swait.ge [sflag:s24], $0x1000  }
0x2c: {  	[sflag:s24] =	ssyncset.done $0x0  }
0x2d: {  	[sflag:s24] =	ssyncadd.s32 $0xFFFFF000  }
0x2e: {  	[spmem:s2] =	stream.indirect.scatter.add.bf16 [tilespmem:s22], [sflag:$0x3], $0x20, s29, s21, $0xb8;
	[tilespmem:$0xE520] =	vst v63  }
0x2f: {  	_ =	swait.ge [sflag:s17], $0x1000  }
0x30: {  	[sflag:s17] =	ssyncset.done $0x0  }
0x31: {  	[sflag:s17] =	ssyncadd.s32 $0xFFFFF000  }
0x32: {  	_ =	swait.ge [sflag:s26], $0x1000  }
0x33: {  	[sflag:s26] =	ssyncset.done $0x0  }
0x34: {  	[sflag:s26] =	ssyncadd.s32 $0xFFFFF000  }
0x35: {  	[spmem:s2] =	stream.indirect.scatter.add.bf16 [tilespmem:s23], [sflag:$0x3], $0x20, s30, s21, $0xb8;
	[tilespmem:$0xE520] =	vst v63  }
0x36: {  	_ =	swait.ge [sflag:s17], $0x1000  }
0x37: {  	[sflag:s17] =	ssyncset.done $0x0  }
0x38: {  	[sflag:s17] =	ssyncadd.s32 $0xFFFFF000  }
0x39: {  	s0 =	simm.s32 @p0 $0x3;
	[bflag:$0x0] =	sbarrier.arrive $0xFFFF  }
0x3a: {  	[hbm:s15], [sflag:s7] =	dma.local @p0 [spmem:s25], $0x820  }
0x3b: {  	_ =	swait.ge @p0 [sflag:s0], $0x820  }
0x3c: {  	s4 =	sadd.s32 $0x1, s4;
	[sflag:s0] =	ssyncset.done @p0 $0x0  }
0x3d: {  	p2 =	sne.s32 s4, s16;
	[sflag:s0] =	ssyncadd.s32 @p0 $0xFFFFF7E0;
	s0 =	sshrl.u32 @!p0 s5, $0x3  }
0x3e: {  	[hbm:s14], [sflag:s7] =	dma.local @!p0 [spmem:s0], $0x9E0  }
.Ltmp1:
0x3f: {  	_ = 	snop;
	(pc) =	sbr.rel @!p2 .LBB2_9-.Ltmp1, $4  }
0x40: {  	s0 =	simm.s32 @!p0 $0x3  }
0x41: {  	_ =	swait.ge @!p0 [sflag:s0], $0x9E0  }
0x42: {  	[sflag:s0] =	ssyncset.done @!p0 $0x0  }
0x43: {  	[sflag:s0] =	ssyncadd.s32 @!p0 $0xFFFFF620  }
.LBB2_1:
0x44: {  	s1 =	sshrl.u32 s5, $0x3  }
0x45: {  	[spmem:s1], [sflag:s7] =	dma.local [hbm:s6], $0x9E0  }
0x46: {  	_ =	swait.ge [sflag:s17], $0x9E0  }
0x47: {  	[sflag:s17] =	ssyncset.done $0x0  }
0x48: {  	s1 =	simm.s32 @p0 $0x3;
	[sflag:s17] =	ssyncadd.s32 $0xFFFFF620  }
0x49: {  	[spmem:s18], [sflag:s7] =	dma.local @p0 [hbm:s9], $0x820  }
0x4a: {  	_ =	swait.ge @p0 [sflag:s1], $0x820  }
0x4b: {  	[sflag:s1] =	ssyncset.done @p0 $0x0  }
.Ltmp2:
0x4c: {  	[sflag:s1] =	ssyncadd.s32 @p0 $0xFFFFF7E0;
	s1 =	simm.s32 @!p0 $0x3;
	(pc) =	sbr.rel @!p1 .LBB2_2-.Ltmp2, $4  }
0x4d: {  	[spmem:s19], [sflag:s7] =	dma.local @!p0 [hbm:s8], $0x9E0  }
0x4e: {  	_ =	swait.ge @!p0 [sflag:s1], $0x9E0  }
0x4f: {  	[sflag:s1] =	ssyncset.done @!p0 $0x0  }
0x50: {  	[sflag:s1] =	ssyncadd.s32 @!p0 $0xFFFFF620;
	s1 =	simm.s32 $0x0  }
0x51: {  	[tilespmem:s1], [sflag:$0x3] =	stream.linear.gather [hbm4b:s12+s1], $0x1400, $0x38;
	[tilespmem:$0xE520] =	vst v63  }
0x52: {  	_ =	swait.ge [sflag:s17], $0x1400  }
0x53: {  	[sflag:s17] =	ssyncset.done $0x0  }
0x54: {  	[sflag:s17] =	ssyncadd.s32 $0xFFFFEC00  }
0x55: {  	[tilespmem:s20], [sflag:$0x3] =	stream.linear.gather [hbm4b:s13+s1], $0x1400, $0x38;
	[tilespmem:$0xE520] =	vst v63  }
0x56: {  	_ =	swait.ge [sflag:s17], $0x1400  }
0x57: {  	[sflag:s17] =	ssyncset.done $0x0  }
0x58: {  	[sflag:s17] =	ssyncadd.s32 $0xFFFFEC00  }
0x59: {  	[bflag:$0x0] =	sbarrier.arrive $0xFFFF  }
0x5a: {  	[tilespmem:s22], [sflag:$0x1] =	stream.indirect.gather [spmem:s3], $0x20, s1, s21, $0xb8;
	[tilespmem:$0xE520] =	vst v63  }
0x5b: {  	s11 =	simm.s32 $0x80  }
0x5c: {  	[tilespmem:s23], [sflag:$0x2] =	stream.indirect.gather [spmem:s3], $0x20, s11, s21, $0xb8;
	[tilespmem:$0xE520] =	vst v63  }
0x5d: {  	_ =	swait.ge [sflag:s24], $0x1000  }
0x5e: {  	[sflag:s24] =	ssyncset.done $0x0  }
0x5f: {  	s0 =	simm.s32 $0x1400;
	[sflag:s24] =	ssyncadd.s32 $0xFFFFF000  }
0x60: {  	[spmem:s2] =	stream.indirect.scatter.add.bf16 [tilespmem:s22], [sflag:$0x3], $0x20, s0, s21, $0xb8;
	[tilespmem:$0xE520] =	vst v63  }
0x61: {  	_ =	swait.ge [sflag:s17], $0x1000  }
0x62: {  	[sflag:s17] =	ssyncset.done $0x0  }
0x63: {  	s10 =	simm.s32 $0x100;
	[sflag:s17] =	ssyncadd.s32 $0xFFFFF000  }
0x64: {  	[tilespmem:s22], [sflag:$0x1] =	stream.indirect.gather [spmem:s3], $0x20, s10, s21, $0xb8;
	[tilespmem:$0xE520] =	vst v63  }
0x65: {  	_ =	swait.ge [sflag:s26], $0x1000  }
0x66: {  	[sflag:s26] =	ssyncset.done $0x0  }
0x67: {  	s11 =	simm.s32 $0x1480;
	[sflag:s26] =	ssyncadd.s32 $0xFFFFF000  }
0x68: {  	[spmem:s2] =	stream.indirect.scatter.add.bf16 [tilespmem:s23], [sflag:$0x3], $0x20, s11, s21, $0xb8;
	[tilespmem:$0xE520] =	vst v63  }
0x69: {  	_ =	swait.ge [sflag:s17], $0x1000  }
0x6a: {  	s31 =	simm.s32 $0x100;
	s1 =	simm.s32 $0x800;
	[sflag:s17] =	ssyncset.done $0x0  }
.LBB2_6:
0x6b: {  	s0 =	sadd.s32 $0x80, s31  }
0x6c: {  	[sflag:s17] =	ssyncadd.s32 $0xFFFFF000;
	s10 =	smov.u32 s1;
	s11 =	sadd.s32 $0x400, s1  }
0x6d: {  	[tilespmem:s23], [sflag:$0x2] =	stream.indirect.gather [spmem:s3], $0x20, s0, s21, $0xb8;
	[tilespmem:$0xE520] =	vst v63  }
0x6e: {  	p2 =	seq.s32 s1, $0x4800;
	_ =	swait.ge [sflag:s24], $0x1000  }
0x6f: {  	[sflag:s24] =	ssyncset.done $0x0  }
0x70: {  	s0 =	sadd.s32 $0x1400, s31;
	[sflag:s24] =	ssyncadd.s32 $0xFFFFF000  }
0x71: {  	[spmem:s2] =	stream.indirect.scatter.add.bf16 [tilespmem:s22], [sflag:$0x3], $0x20, s0, s21, $0xb8;
	[tilespmem:$0xE520] =	vst v63  }
0x72: {  	_ =	swait.ge [sflag:s17], $0x1000  }
0x73: {  	[sflag:s17] =	ssyncset.done $0x0  }
0x74: {  	s0 =	sadd.s32 $0x100, s31;
	[sflag:s17] =	ssyncadd.s32 $0xFFFFF000  }
0x75: {  	[tilespmem:s22], [sflag:$0x1] =	stream.indirect.gather [spmem:s3], $0x20, s0, s21, $0xb8;
	[tilespmem:$0xE520] =	vst v63  }
0x76: {  	_ =	swait.ge [sflag:s26], $0x1000  }
.Ltmp3:
0x77: {  	[sflag:s26] =	ssyncset.done $0x0;
	(pc) =	sbr.rel @!p2 .LBB2_6-.Ltmp3, $4  }
0x78: {  	s0 =	sadd.s32 $0x1480, s31;
	[sflag:s26] =	ssyncadd.s32 $0xFFFFF000  }
0x79: {  	[spmem:s2] =	stream.indirect.scatter.add.bf16 [tilespmem:s23], [sflag:$0x3], $0x20, s0, s21, $0xb8;
	[tilespmem:$0xE520] =	vst v63  }
0x7a: {  	_ =	swait.ge [sflag:s17], $0x1000  }
0x7b: {  	s1 =	smov.u32 s11;
	s31 =	sshra.s32 s10, $0x2;
	[sflag:s17] =	ssyncset.done $0x0  }
.Ltmp4:
0x7c: {  	_ = 	snop;
	(pc) =	sbr.rel .LBB2_7-.Ltmp4, $1  }
0x7d: {  	_ =	sdelay $0x3  }
.LBB2_2:
0x7e: {  	s0 =	rddreg [dreg:$0x6]  }
0x7f: {  	[tilespmem:s1], [sflag:$0x3] =	stream.linear.gather [hbm4b:s0+s1], $0x1400, $0x38;
	[tilespmem:$0xE520] =	vst v63  }
0x80: {  	_ =	swait.ge [sflag:s17], $0x1400  }
0x81: {  	[sflag:s17] =	ssyncset.done $0x0  }
0x82: {  	s10 =	rddreg [dreg:$0x7];
	[sflag:s17] =	ssyncadd.s32 $0xFFFFEC00  }
0x83: {  	[tilespmem:s20], [sflag:$0x3] =	stream.linear.gather [hbm4b:s10+s1], $0x1400, $0x38;
	[tilespmem:$0xE520] =	vst v63  }
0x84: {  	_ =	swait.ge [sflag:s17], $0x1400  }
0x85: {  	[sflag:s17] =	ssyncset.done $0x0  }
0x86: {  	[sflag:s17] =	ssyncadd.s32 $0xFFFFEC00  }
0x87: {  	[bflag:$0x0] =	sbarrier.arrive $0xFFFF  }
0x88: {  	[tilespmem:s22], [sflag:$0x1] =	stream.indirect.gather [spmem:s3], $0x20, s1, s21, $0xb8;
	[tilespmem:$0xE520] =	vst v63  }
0x89: {  	s11 =	simm.s32 $0x80  }
0x8a: {  	[tilespmem:s23], [sflag:$0x2] =	stream.indirect.gather [spmem:s3], $0x20, s11, s21, $0xb8;
	[tilespmem:$0xE520] =	vst v63  }
0x8b: {  	_ =	swait.ge [sflag:s24], $0x1000  }
0x8c: {  	[sflag:s24] =	ssyncset.done $0x0  }
0x8d: {  	s1 =	simm.s32 $0x1400;
	[sflag:s24] =	ssyncadd.s32 $0xFFFFF000  }
0x8e: {  	[spmem:s2] =	stream.indirect.scatter.add.bf16 [tilespmem:s22], [sflag:$0x3], $0x20, s1, s21, $0xb8;
	[tilespmem:$0xE520] =	vst v63  }
0x8f: {  	_ =	swait.ge [sflag:s17], $0x1000  }
0x90: {  	[sflag:s17] =	ssyncset.done $0x0  }
0x91: {  	s10 =	simm.s32 $0x100;
	[sflag:s17] =	ssyncadd.s32 $0xFFFFF000  }
0x92: {  	[tilespmem:s22], [sflag:$0x1] =	stream.indirect.gather [spmem:s3], $0x20, s10, s21, $0xb8;
	[tilespmem:$0xE520] =	vst v63  }
0x93: {  	_ =	swait.ge [sflag:s26], $0x1000  }
0x94: {  	[sflag:s26] =	ssyncset.done $0x0  }
0x95: {  	s11 =	simm.s32 $0x1480;
	[sflag:s26] =	ssyncadd.s32 $0xFFFFF000  }
0x96: {  	[spmem:s2] =	stream.indirect.scatter.add.bf16 [tilespmem:s23], [sflag:$0x3], $0x20, s11, s21, $0xb8;
	[tilespmem:$0xE520] =	vst v63  }
0x97: {  	_ =	swait.ge [sflag:s17], $0x1000  }
0x98: {  	s31 =	simm.s32 $0x100;
	s1 =	simm.s32 $0x800;
	[sflag:s17] =	ssyncset.done $0x0  }
.LBB2_3:
0x99: {  	s0 =	sadd.s32 $0x80, s31  }
0x9a: {  	[sflag:s17] =	ssyncadd.s32 $0xFFFFF000;
	s10 =	smov.u32 s1;
	s11 =	sadd.s32 $0x400, s1  }
0x9b: {  	[tilespmem:s23], [sflag:$0x2] =	stream.indirect.gather [spmem:s3], $0x20, s0, s21, $0xb8;
	[tilespmem:$0xE520] =	vst v63  }
0x9c: {  	p2 =	sne.s32 s1, $0x4800;
	_ =	swait.ge [sflag:s24], $0x1000  }
0x9d: {  	[sflag:s24] =	ssyncset.done $0x0  }
0x9e: {  	s0 =	sadd.s32 $0x1400, s31;
	[sflag:s24] =	ssyncadd.s32 $0xFFFFF000  }
0x9f: {  	[spmem:s2] =	stream.indirect.scatter.add.bf16 [tilespmem:s22], [sflag:$0x3], $0x20, s0, s21, $0xb8;
	[tilespmem:$0xE520] =	vst v63  }
0xa0: {  	_ =	swait.ge [sflag:s17], $0x1000  }
0xa1: {  	[sflag:s17] =	ssyncset.done $0x0  }
0xa2: {  	s0 =	sadd.s32 $0x100, s31;
	[sflag:s17] =	ssyncadd.s32 $0xFFFFF000  }
0xa3: {  	[tilespmem:s22], [sflag:$0x1] =	stream.indirect.gather [spmem:s3], $0x20, s0, s21, $0xb8;
	[tilespmem:$0xE520] =	vst v63  }
0xa4: {  	_ =	swait.ge [sflag:s26], $0x1000  }
.Ltmp5:
0xa5: {  	[sflag:s26] =	ssyncset.done $0x0;
	(pc) =	sbr.rel @p2 .LBB2_3-.Ltmp5, $4  }
0xa6: {  	s0 =	sadd.s32 $0x1480, s31;
	[sflag:s26] =	ssyncadd.s32 $0xFFFFF000  }
0xa7: {  	[spmem:s2] =	stream.indirect.scatter.add.bf16 [tilespmem:s23], [sflag:$0x3], $0x20, s0, s21, $0xb8;
	[tilespmem:$0xE520] =	vst v63  }
0xa8: {  	_ =	swait.ge [sflag:s17], $0x1000  }
0xa9: {  	s1 =	smov.u32 s11;
	s31 =	sshra.s32 s10, $0x2;
	[sflag:s17] =	ssyncset.done $0x0  }
0xaa: {  	s0 =	sadd.s32 $0x80, s31;
	[sflag:s17] =	ssyncadd.s32 $0xFFFFF000  }
0xab: {  	[tilespmem:s23], [sflag:$0x2] =	stream.indirect.gather [spmem:s3], $0x20, s0, s21, $0xb8;
	[tilespmem:$0xE520] =	vst v63  }
0xac: {  	_ =	swait.ge [sflag:s24], $0x1000  }
0xad: {  	[sflag:s24] =	ssyncset.done $0x0  }
0xae: {  	s10 =	sadd.s32 $0x1400, s31;
	[sflag:s24] =	ssyncadd.s32 $0xFFFFF000  }
0xaf: {  	[spmem:s2] =	stream.indirect.scatter.add.bf16 [tilespmem:s22], [sflag:$0x3], $0x20, s10, s21, $0xb8;
	[tilespmem:$0xE520] =	vst v63  }
0xb0: {  	_ =	swait.ge [sflag:s17], $0x1000  }
0xb1: {  	[sflag:s17] =	ssyncset.done $0x0  }
0xb2: {  	s11 =	sadd.s32 $0x100, s31;
	[sflag:s17] =	ssyncadd.s32 $0xFFFFF000  }
0xb3: {  	[tilespmem:s22], [sflag:$0x1] =	stream.indirect.gather [spmem:s3], $0x20, s11, s21, $0xb8;
	[tilespmem:$0xE520] =	vst v63  }
0xb4: {  	_ =	swait.ge [sflag:s26], $0x1000  }
0xb5: {  	[sflag:s26] =	ssyncset.done $0x0  }
.Ltmp6:
0xb6: {  	s31 =	sadd.s32 $0x1480, s31;
	[sflag:s26] =	ssyncadd.s32 $0xFFFFF000;
	(pc) =	sbr.rel .LBB2_8-.Ltmp6, $4  }
0xb7: {  	[spmem:s2] =	stream.indirect.scatter.add.bf16 [tilespmem:s23], [sflag:$0x3], $0x20, s31, s21, $0xb8;
	[tilespmem:$0xE520] =	vst v63  }
0xb8: {  	_ =	swait.ge [sflag:s17], $0x1000  }
0xb9: {  	[sflag:s17] =	ssyncset.done $0x0  }
0xba: {  	[sflag:s17] =	ssyncadd.s32 $0xFFFFF000  }
.LBB2_9:
0xbb: {  	_ =	sfence.sel $0x180000  }
0xbc: {  	[bflag:$0x0] =	sbarrier.arrive $0xFFFF  }
0xbd: {  	_ =	strace $0x9000004D  }
0xbe: {  	s0 =	stileid.u32;
	[bflag:$0x2] =	sbarrier.arrive $0xFFFF  }
0xbf: {  	p0 =	sne.s32 s0, $0x0;
	s0 =	rddreg [dreg:$0x5]  }
0xc0: {  	s0 =	sadd.s32 @!p0 $0x100000, s0  }
0xc1: {  	[sflag:s0] =	ssyncadd.tile.s32 @!p0 $0x1;
	_ =	shalt  }
.Lfunc_end2:
_tile_overlayer_lowered:
.L_overlay_start_2:
0xc2: {  	(tag) =	ssettag $0x2  }
0xc3: {  	s0 =	rddreg [dreg:$0x0];
	s2 =	stileid.u32  }
0xc4: {  	s1 =	rddreg [dreg:$0x1];
	p0 =	sne.s32 s2, $0x0  }
0xc5: {  	s3 =	rddreg [dreg:$0x2];
	[bflag:$0x3] =	sbarrier.arrive $0xFFFF;
	s2 =	simm.s32 @!p0 $0x1C03  }
0xc6: {  	[timem:s3], [sflag:s2] =	dma.local @!p0 [hbm:s0], s1  }
0xc7: {  	s0 =	simm.s32 @!p0 $0x3  }
0xc8: {  	_ =	swait.ge @!p0 [sflag:s0], s1  }
0xc9: {  	s1 =	ssub.s32 @!p0 $0x0, s1;
	[sflag:s0] =	ssyncset.done @!p0 $0x0  }
0xca: {  	[sflag:s0] =	ssyncadd.s32 @!p0 s1  }
0xcb: {  	[bflag:$0x3] =	sbarrier.arrive $0xFFFF  }
0xcc: {  	_ =	shalt  }

// kernel: kernel.9.cloned.1.call-start
scs
__scs_entry_jumppad:
0x0: {  	(pc) =	sbr.rel $0x88, $3  }
0x1: {  	(tag) =	ssettag $0x0;
	lr =	simm.s32 $0x1  }
0x2: {  	[smem:$0x3F9E] =	sst lr;
	_ =	strace $0xD0000000  }
0x3: {  	_ = 	snop  }
0x4: {  	_ = 	snop  }
0x5: {  	_ = 	snop  }
0x6: {  	_ = 	snop  }
0x7: {  	_ = 	snop  }
__scs_overlays_trampoline_lowered:
0x8: {  	[smem:$0x3FAD] =	sst s0  }
0x9: {  	[smem:$0x3FAE] =	sst s1  }
0xa: {  	[smem:$0x3FAF] =	sst s2  }
0xb: {  	[smem:$0x3FB0] =	sst s3  }
0xc: {  	[smem:$0x3FB1] =	sst s4  }
0xd: {  	[smem:$0x3FB2] =	sst s5  }
0xe: {  	[smem:$0x3FB3] =	sst s6  }
0xf: {  	[smem:$0x3FB4] =	sst s7  }
0x10: {  	[smem:$0x3FB5] =	sst s8  }
0x11: {  	[smem:$0x3FB6] =	sst s9;
	s0 =	simm.s32 @!p0 $0x0  }
0x12: {  	s1 =	sld [smem:$0x3F9C];
	s0 =	simm.s32 @p0 $0x1  }
0x13: {  	[smem:$0x3FB7] =	sst s0;
	s0 =	simm.s32 @!p1 $0x0  }
0x14: {  	s2 =	sld [smem:$0x3F9B];
	s0 =	simm.s32 @p1 $0x1  }
0x15: {  	[smem:$0x3FB8] =	sst s0;
	s0 =	simm.s32 @!p2 $0x0  }
0x16: {  	s3 =	sld [smem:$0x3FDB];
	s0 =	simm.s32 @p2 $0x1  }
0x17: {  	s4 =	simm.s32 $0x1BF5;
	[smem:$0x3FBA] =	sst s0  }
0x18: {  	s0 =	sld [smem:$0x3F9D];
	_ =	swait.ge [sflag:s4], $0x0  }
0x19: {  	s7 =	sld [smem:$0x3F9E]  }
0x1a: {  	s8 =	sadd.s32 $0xFFFFE003, lr  }
0x1b: {  	s9 =	sadd.s32 $0xFFFFFEF7, lr;
	s5 =	simm.s32 $0xFFFFFFFF;
	p2 =	slt.u32 s8, $0xFFFFF086  }
0x1c: {  	p1 =	slt.u32 s9, $0xF7A;
	s5 =	simm.s32 @!p2 $0x0  }
0x1d: {  	s5 =	simm.s32 @p1 $0x1;
	p0 =	seq.s32 s7, s2  }
0x1e: {  	s7 =	smul.u32 @!p0 $0xF7A, s2;
	p2 =	seq.s32 @!p0 s5, $0x0  }
0x1f: {  	s9 =	smul.u32 $0xF7A, s1;
	s8 =	simm.s32 @!p0 $0x1BF5;
	p2 =	por !p2, p0  }
0x20: {  	[sflag:s8] =	ssyncset.s32 @!p0 $0xFFFFF086;
	s6 =	sadd.s32 @!p0 s3, s7;
	s7 =	simm.s32 @!p0 $0x108  }
0x21: {  	s3 =	sadd.s32 s3, s9;
	s6 =	sadd.s32 @!p0 $0x88, s6;
	s7 =	simm.s32 @p2 $0x1082  }
0x22: {  	[simem:s7], [sflag:s8] =	dma.local @!p0 [hbm:s6], $0xF7A  }
0x23: {  	s9 =	sor.u32 $0xD0000000, s2;
	s6 =	simm.s32 $0x108;
	_ =	swait.ge @!p0 [sflag:s8], $0x0  }
0x24: {  	s3 =	sadd.s32 $0x88, s3;
	s6 =	simm.s32 @!p1 $0x1082;
	[sflag:s4] =	ssyncset.s32 $0xFFFFF086  }
0x25: {  	[simem:s6], [sflag:s4] =	dma.local [hbm:s3], $0xF7A  }
0x26: {  	[smem:$0x3F9E] =	sst s1;
	(tag) =	ssettag s2;
	_ =	strace s9  }
0x27: {  	s1 =	sld [smem:$0x3FAE]  }
0x28: {  	s2 =	sld [smem:$0x3FAF]  }
0x29: {  	s4 =	sld [smem:$0x3FB1]  }
0x2a: {  	p0 =	seq.s32 s5, $0x0;
	s5 =	sld [smem:$0x3FB2]  }
0x2b: {  	s6 =	sld [smem:$0x3FB3]  }
0x2c: {  	s7 =	sld [smem:$0x3FB4]  }
0x2d: {  	s3 =	simm.s32 $0x108;
	s8 =	sld [smem:$0x3FB5]  }
0x2e: {  	s3 =	simm.s32 @!p0 $0x1082;
	s9 =	sld [smem:$0x3FB6]  }
0x2f: {  	lr =	sadd.s32 s0, s3;
	s0 =	sld [smem:$0x3FAD]  }
0x30: {  	s3 =	sld [smem:$0x3FB0]  }
0x31: {  	[smem:$0x3FB9] =	sst s10  }
0x32: {  	s10 =	sld [smem:$0x3FB7];
	_ =	sdelay $0x3  }
0x33: {  	p0 =	seq.s32 s10, $0x1;
	s10 =	sld [smem:$0x3FB9];
	_ =	sdelay $0x3  }
0x34: {  	[smem:$0x3FB9] =	sst s10  }
0x35: {  	s10 =	sld [smem:$0x3FB8];
	_ =	sdelay $0x3  }
0x36: {  	p1 =	seq.s32 s10, $0x1;
	s10 =	sld [smem:$0x3FB9];
	_ =	sdelay $0x3  }
0x37: {  	[smem:$0x3FB9] =	sst s10  }
0x38: {  	s10 =	sld [smem:$0x3FBA]  }
0x39: {  	_ = 	snop;
	(pc) =	sbr.ind lr, $3  }
0x3a: {  	_ = 	snop  }
0x3b: {  	_ = 	snop  }
0x3c: {  	p2 =	seq.s32 s10, $0x1;
	s10 =	sld [smem:$0x3FB9]  }
0x3d: {  	_ =	shalt  }
0x3e: {  	_ =	shalt  }
0x3f: {  	_ =	shalt  }
0x40: {  	_ =	shalt  }
0x41: {  	_ =	shalt  }
0x42: {  	_ =	shalt  }
0x43: {  	_ =	shalt  }
0x44: {  	_ =	shalt  }
0x45: {  	_ =	shalt  }
0x46: {  	_ =	shalt  }
0x47: {  	_ =	shalt  }
0x48: {  	_ =	shalt  }
0x49: {  	_ =	shalt  }
0x4a: {  	_ =	shalt  }
0x4b: {  	_ =	shalt  }
0x4c: {  	_ =	shalt  }
0x4d: {  	_ =	shalt  }
0x4e: {  	_ =	shalt  }
0x4f: {  	_ =	shalt  }
0x50: {  	_ =	shalt  }
0x51: {  	_ =	shalt  }
0x52: {  	_ =	shalt  }
0x53: {  	_ =	shalt  }
0x54: {  	_ =	shalt  }
0x55: {  	_ =	shalt  }
0x56: {  	_ =	shalt  }
0x57: {  	_ =	shalt  }
0x58: {  	_ =	shalt  }
0x59: {  	_ =	shalt  }
0x5a: {  	_ =	shalt  }
0x5b: {  	_ =	shalt  }
0x5c: {  	_ =	shalt  }
0x5d: {  	_ =	shalt  }
0x5e: {  	_ =	shalt  }
0x5f: {  	_ =	shalt  }
0x60: {  	_ =	shalt  }
0x61: {  	_ =	shalt  }
0x62: {  	_ =	shalt  }
0x63: {  	_ =	shalt  }
0x64: {  	_ =	shalt  }
0x65: {  	_ =	shalt  }
0x66: {  	_ =	shalt  }
0x67: {  	_ =	shalt  }
0x68: {  	_ =	shalt  }
0x69: {  	_ =	shalt  }
0x6a: {  	_ =	shalt  }
0x6b: {  	_ =	shalt  }
0x6c: {  	_ =	shalt  }
0x6d: {  	_ =	shalt  }
0x6e: {  	_ =	shalt  }
0x6f: {  	_ =	shalt  }
0x70: {  	_ =	shalt  }
0x71: {  	_ =	shalt  }
0x72: {  	_ =	shalt  }
0x73: {  	_ =	shalt  }
0x74: {  	_ =	shalt  }
0x75: {  	_ =	shalt  }
0x76: {  	_ =	shalt  }
0x77: {  	_ =	shalt  }
0x78: {  	_ =	shalt  }
0x79: {  	_ =	shalt  }
0x7a: {  	_ =	shalt  }
0x7b: {  	_ =	shalt  }
0x7c: {  	_ =	shalt  }
0x7d: {  	_ =	shalt  }
0x7e: {  	_ =	shalt  }
0x7f: {  	_ =	shalt  }
0x80: {  	_ =	shalt  }
0x81: {  	_ =	shalt  }
0x82: {  	_ =	shalt  }
0x83: {  	_ =	shalt  }
0x84: {  	_ =	shalt  }
0x85: {  	_ =	shalt  }
0x86: {  	_ =	shalt  }
0x87: {  	_ =	shalt  }
.Lfunc_end0:
.L_simem_size_0:
called_computation_lowered:
.L_overlay_start_0:
0x88: {  	s2 =	sld [smem:$0x3FD9]  }
0x89: {  	s3 =	sld [smem:$0x3FFE];
	_ =	sdelay $0x1  }
0x8a: {  	s1 =	srdreg.scid  }
0x8b: {  	s0 =	sand.u32 $0x1, s1  }
0x8c: {  	s14 =	sshll.u32 s0, $0xA;
	s2 =	sadd.s32 s3, s2  }
0x8d: {  	s2 =	sadd.s32 s2, s14  }
0x8e: {  	[smem:$0x3FC5] =	sst s2  }
0x8f: {  	_ = 	snop  }
0x90: {  	s2 =	sld [smem:$0x3FD0];
	_ =	sdelay $0x2  }
0x91: {  	s15 =	simm.s32 $0xA;
	s4 =	simm.s32 $0x10  }
0x92: {  	[smem:s4], [sflag:s15] =	dma.local [hbm:s2], $0x1  }
0x93: {  	_ =	swait.eq [sflag:s15], $0x1  }
0x94: {  	[sflag:s15] =	ssyncset.done $0x0  }
0x95: {  	[sflag:s15] =	ssyncadd.s32 $0xFFFFFFFF  }
0x96: {  	s16 =	sld [smem:$0x11];
	(tm) =	ssettm $0x1  }
0x97: {  	s17 =	sld [smem:$0x3FFB];
	_ =	sdelay $0x3  }
0x98: {  	_ =	strace s17  }
0x99: {  	s3 =	sld [smem:$0x3FFC];
	_ =	sdelay $0x3  }
0x9a: {  	_ =	strace s3  }
0x9b: {  	s3 =	sld [smem:$0x3FFD];
	_ =	sdelay $0x3  }
0x9c: {  	_ =	strace s3  }
0x9d: {  	_ =	strace $0x8FFFFFFF  }
0x9e: {  	s18 =	sld [smem:$0x3FDB];
	_ =	sdelay $0x1  }
0x9f: {  	s19 =	simm.s32 $_scs_section_size  }
0xa0: {  	s5 =	simm.s32 $_size__tile_overlayer_lowered;
	s6 =	simm.s32 $_tile_overlayer_lowered  }
0xa1: {  	s22 =	simm.s32 $0x1BFF;
	s21 =	sshll.u32 s6, $0x1;
	s3 =	sadd.s32 s19, s18  }
0xa2: {  	s7 =	simm.s32 $0x0;
	s20 =	sshll.u32 s5, $0x1;
	s5 =	sadd.s32 s21, s3  }
0xa3: {  	[timem:s7], [sflag:s22] =	dma.local [hbm:s5], s20  }
0xa4: {  	_ =	swait.ge [sflag:s22], s20  }
0xa5: {  	s4 =	ssub.s32 $0x0, s20;
	[sflag:s22] =	ssyncset.done $0x0  }
0xa6: {  	[sflag:s22] =	ssyncadd.s32 s4;
	_ =	sdelay $0x1  }
0xa7: {  	s23 =	simm.s32 $0x1B8B  }
0xa8: {  	_ =	swait.ge [sflag:s23], $0x1  }
0xa9: {  	[sflag:s23] =	ssyncset.done $0x0  }
0xaa: {  	s25 =	simm.s32 $0x1B8E;
	s24 =	sld [smem:$0x3FFE];
	[sflag:s23] =	ssyncadd.s32 $0xFFFFFFFF  }
0xab: {  	s26 =	simm.s32 $execute0_lowered;
	[smem:$0x3FD2] =	sst s25  }
0xac: {  	s5 =	sshll.u32 s26, $0x1;
	_ =	strace $0x80000046;
	[dreg:$0x1] =	wrdreg $0xFFFFFFFF  }
0xad: {  	s28 =	simm.s32 $_size_execute0_lowered;
	s3 =	sadd.s32 s3, s5;
	[dreg:$0x0] =	wrdreg $0x0  }
0xae: {  	s5 =	sshll.u32 s28, $0x1;
	[dreg:$0x2] =	wrdreg s3  }
0xaf: {  	[dreg:$0x3] =	wrdreg s5  }
0xb0: {  	[dreg:$0x4] =	wrdreg $0xC0  }
0xb1: {  	_ =	task [dreg:s7], $0x5FFFF  }
0xb2: {  	[dreg:$0x1] =	wrdreg $0xFFFFFFFF  }
0xb3: {  	[dreg:$0x0] =	wrdreg $0x60  }
0xb4: {  	[dreg:$0x2] =	wrdreg s24  }
0xb5: {  	[dreg:$0x3] =	wrdreg s16  }
0xb6: {  	[dreg:$0x4] =	wrdreg $0x30000  }
0xb7: {  	[dreg:$0x5] =	wrdreg $0x57800  }
0xb8: {  	[dreg:$0x6] =	wrdreg $0x9  }
0xb9: {  	_ =	task.clear_ibuf [dreg:s7], $0x7FFFF;
	_ =	strace $0x90000046  }
0xba: {  	s29 =	simm.s32 $0x9;
	_ =	strace $0x80000048  }
0xbb: {  	_ =	swait.ge [sflag:s29], $0x1  }
0xbc: {  	[sflag:s29] =	ssyncadd.s32 $0xFFFFFFFF  }
0xbd: {  	_ =	strace $0x90000048  }
0xbe: {  	_ =	sfence  }
0xbf: {  	s30 =	sld [smem:$0x0];
	_ =	sdelay $0x2  }
0xc0: {  	s31 =	sshll.u32 s1, $0xD;
	s1 =	sshrl.u32 s1, $0x2  }
0xc1: {  	s3 =	sand.u32 $0x4000, s31;
	s1 =	sadd.s32 s1, s30  }
0xc2: {  	s0 =	sor.u32 s3, s0;
	s1 =	sshll.u32 s1, $0x11  }
0xc3: {  	s0 =	sor.u32 s1, s0  }
0xc4: {  	s0 =	sadd.s32 $0x8F2B, s0  }
0xc5: {  	[sflag:s0] =	ssyncadd.remote.s32 $0x1  }
0xc6: {  	_ =	sfence.sel $0xFFFF  }
0xc7: {  	[dreg:$0x0] =	wrdreg $0xFFFFFFFF;
	(pc) =	sbr.abs _section_cstart, $3  }
0xc8: {  	[dreg:$0x1] =	wrdreg $0xFFFFFFFF  }
0xc9: {  	_ =	task.clear_ibuf [dreg:s7], $0x2FFFF;
	_ =	strace $0x9FFFFFFF  }
0xca: {  	(tm) =	ssettm $0x7FFFFFFF  }
0xcb: {  	_ =	shalt  }
tec
execute0_lowered:
.L_overlay_start_1:
0x0: {  	(tag) =	ssettag $0x1  }
0x1: {  	s6 =	rddreg [dreg:$0x0]  }
0x2: {  	s12 =	rddreg [dreg:$0x1]  }
0x3: {  	s0 =	srdreg.scid;
	s2 =	rddreg [dreg:$0x2]  }
0x4: {  	s3 =	rddreg [dreg:$0x3];
	s1 =	stileid.u32  }
0x5: {  	s4 =	simm.s32 $0x0;
	s16 =	simm.s32 $0x2800;
	s17 =	simm.s32 $0x1  }
0x6: {  	s21 =	simm.s32 $0x1400;
	s7 =	sand.u32 $0x1, s0;
	s0 =	rddreg [dreg:$0x4]  }
0x7: {  	s22 =	simm.s32 $0x80;
	s25 =	simm.s32 $0x0;
	[smem:$0x7FF] =	sst s4  }
0x8: {  	s9 =	smul.u32 $0x2780, s1;
	s23 =	sadd.s32 $0x25080, s2;
	s24 =	sadd.s32 $0x25080, s3  }
0x9: {  	s18 =	sshll.u32 s1, $0x6;
	p0 =	seq.s32 s1, $0xF;
	s5 =	sshll.u32 s7, $0x4  }
0xa: {  	_ =	strace $0x80000047;
	s8 =	ssub.s32 $0x2, s7;
	s14 =	smul.u32 $0x4E200, s7  }
0xb: {  	s18 =	sor.u32 $0x1C01, s18;
	s23 =	sshrl.u32 @p0 s23, $0x3;
	s24 =	sshrl.u32 @p0 s24, $0x3  }
0xc: {  	s5 =	sor.u32 s1, s5;
	s11 =	sshrl.u32 s9, $0x3;
	s13 =	sshrl.u32 s8, $0x1  }
0xd: {  	s5 =	smul.u32 $0x280, s5;
	s29 =	sadd.s32 s11, s6;
	s15 =	ssub.s32 s8, s13  }
0xe: {  	s8 =	sadd.s32 s9, s3;
	s30 =	sadd.s32 s9, s14;
	s31 =	sshrl.u32 s14, $0x3  }
0xf: {  	s7 =	sadd.s32 $0x10800, s29;
	s11 =	sshrl.u32 s30, $0x3;
	s14 =	sadd.s32 s12, s31  }
0x10: {  	s15 =	smax.u32 s15, $0x1;
	s20 =	sshrl.u32 s8, $0x3;
	s10 =	sadd.s32 s5, s6  }
0x11: {  	s5 =	sadd.s32 $0x15800, s6;
	s6 =	sadd.s32 s9, s2;
	s11 =	sadd.s32 s12, s11  }
0x12: {  	s13 =	sadd.s32 $0x4A10, s14;
	s14 =	sadd.s32 $0x9830, s14;
	s9 =	sadd.s32 $0x1800, s10  }
0x13: {  	s10 =	sadd.s32 $0xB800, s10;
	s12 =	sadd.s32 $0x4E20, s11;
	s19 =	sshrl.u32 s6, $0x3  }
.LBB2_1:
0x14: {  	[tilespmem:s16], [sflag:$0x1] =	stream.linear.gather [hbm4b:s5+s4], $0x800, $0x38;
	[tilespmem:$0x7F00] =	vst v63  }
0x15: {  	_ =	swait.ge [sflag:s17], $0x800  }
0x16: {  	[sflag:s17] =	ssyncset.done $0x0  }
0x17: {  	[sflag:s17] =	ssyncadd.s32 $0xFFFFF800  }
0x18: {  	[spmem:s19], [sflag:s18] =	dma.local [hbm:s7], $0x4F0  }
0x19: {  	_ =	swait.ge [sflag:s17], $0x4F0  }
0x1a: {  	[sflag:s17] =	ssyncset.done $0x0  }
0x1b: {  	[sflag:s17] =	ssyncadd.s32 $0xFFFFFB10  }
0x1c: {  	[spmem:s20], [sflag:s18] =	dma.local [hbm:s7], $0x4F0  }
0x1d: {  	_ =	swait.ge [sflag:s17], $0x4F0  }
0x1e: {  	[sflag:s17] =	ssyncset.done $0x0  }
0x1f: {  	[sflag:s17] =	ssyncadd.s32 $0xFFFFFB10  }
0x20: {  	[tilespmem:s4], [sflag:$0x1] =	stream.linear.gather [hbm4b:s9+s4], $0x1400, $0x38;
	[tilespmem:$0x7F00] =	vst v63  }
0x21: {  	_ =	swait.ge [sflag:s17], $0x1400  }
0x22: {  	[sflag:s17] =	ssyncset.done $0x0  }
0x23: {  	[sflag:s17] =	ssyncadd.s32 $0xFFFFEC00  }
0x24: {  	[tilespmem:s21], [sflag:$0x1] =	stream.linear.gather [hbm4b:s10+s4], $0x1400, $0x38;
	[tilespmem:$0x7F00] =	vst v63  }
0x25: {  	_ =	swait.ge [sflag:s17], $0x1400  }
0x26: {  	[sflag:s17] =	ssyncset.done $0x0  }
0x27: {  	[sflag:s17] =	ssyncadd.s32 $0xFFFFEC00  }
0x28: {  	s26 =	simm.s32 $0x1400;
	[bflag:$0x0] =	sbarrier.arrive $0xFFFF  }
0x29: {  	[spmem:s2] =	stream.indirect.scatter.add.f32 [tilespmem:s16], [sflag:$0x1], $0x10, s26, s22, $0xb8;
	[tilespmem:$0x7F00] =	vst v63  }
0x2a: {  	_ =	swait.ge [sflag:s17], $0x800  }
0x2b: {  	[sflag:s17] =	ssyncset.done $0x0  }
0x2c: {  	s31 =	simm.s32 $0x0;
	[sflag:s17] =	ssyncadd.s32 $0xFFFFF800  }
0x2d: {  	[spmem:s3] =	stream.indirect.scatter.add.f32 [tilespmem:s16], [sflag:$0x1], $0x10, s31, s22, $0xb8;
	[tilespmem:$0x7F00] =	vst v63  }
0x2e: {  	_ =	swait.ge [sflag:s17], $0x800  }
0x2f: {  	s28 =	simm.s32 $0x400;
	s26 =	simm.s32 $0x80;
	[sflag:s17] =	ssyncset.done $0x0  }
.LBB2_2:
0x30: {  	s29 =	sadd.s32 $0x1400, s26  }
0x31: {  	[sflag:s17] =	ssyncadd.s32 $0xFFFFF800;
	s30 =	smov.u32 s28;
	s31 =	sadd.s32 $0x200, s28  }
0x32: {  	[spmem:s2] =	stream.indirect.scatter.add.f32 [tilespmem:s16], [sflag:$0x1], $0x10, s29, s22, $0xb8;
	[tilespmem:$0x7F00] =	vst v63  }
0x33: {  	p1 =	sne.s32 s28, $0x4E00;
	_ =	swait.ge [sflag:s17], $0x800  }
.Ltmp0:
0x34: {  	[sflag:s17] =	ssyncset.done $0x0;
	(pc) =	sbr.rel @p1 .LBB2_2-.Ltmp0, $4  }
0x35: {  	[sflag:s17] =	ssyncadd.s32 $0xFFFFF800  }
0x36: {  	[spmem:s3] =	stream.indirect.scatter.add.f32 [tilespmem:s16], [sflag:$0x1], $0x10, s26, s22, $0xb8;
	[tilespmem:$0x7F00] =	vst v63  }
0x37: {  	_ =	swait.ge [sflag:s17], $0x800  }
0x38: {  	s28 =	smov.u32 s31;
	s26 =	sshra.s32 s30, $0x2;
	[sflag:s17] =	ssyncset.done $0x0  }
0x39: {  	s28 =	sadd.s32 $0x1400, s26;
	[sflag:s17] =	ssyncadd.s32 $0xFFFFF800  }
0x3a: {  	[spmem:s2] =	stream.indirect.scatter.add.f32 [tilespmem:s16], [sflag:$0x1], $0x10, s28, s22, $0xb8;
	[tilespmem:$0x7F00] =	vst v63  }
0x3b: {  	_ =	swait.ge [sflag:s17], $0x800  }
0x3c: {  	[sflag:s17] =	ssyncset.done $0x0  }
0x3d: {  	[sflag:s17] =	ssyncadd.s32 $0xFFFFF800  }
0x3e: {  	[spmem:s3] =	stream.indirect.scatter.add.f32 [tilespmem:s16], [sflag:$0x1], $0x10, s26, s22, $0xb8;
	[tilespmem:$0x7F00] =	vst v63  }
0x3f: {  	_ =	swait.ge [sflag:s17], $0x800  }
0x40: {  	[sflag:s17] =	ssyncset.done $0x0  }
0x41: {  	[sflag:s17] =	ssyncadd.s32 $0xFFFFF800  }
0x42: {  	s26 =	simm.s32 @p0 $0x1;
	[bflag:$0x0] =	sbarrier.arrive $0xFFFF  }
0x43: {  	[hbm:s13], [sflag:s18] =	dma.local @p0 [spmem:s23], $0x410  }
0x44: {  	_ =	swait.ge @p0 [sflag:s26], $0x410  }
0x45: {  	[sflag:s26] =	ssyncset.done @p0 $0x0  }
0x46: {  	[sflag:s26] =	ssyncadd.s32 @p0 $0xFFFFFBF0  }
0x47: {  	[hbm:s14], [sflag:s18] =	dma.local @p0 [spmem:s24], $0x410  }
0x48: {  	_ =	swait.ge @p0 [sflag:s26], $0x410  }
0x49: {  	[sflag:s26] =	ssyncset.done @p0 $0x0  }
0x4a: {  	[sflag:s26] =	ssyncadd.s32 @p0 $0xFFFFFBF0;
	s26 =	sshrl.u32 @!p0 s6, $0x3  }
0x4b: {  	[hbm:s11], [sflag:s18] =	dma.local @!p0 [spmem:s26], $0x4F0  }
0x4c: {  	s26 =	simm.s32 @!p0 $0x1  }
0x4d: {  	s25 =	sadd.s32 $0x1, s25;
	_ =	swait.ge @!p0 [sflag:s26], $0x4F0  }
0x4e: {  	p1 =	sne.s32 s25, s15;
	[sflag:s26] =	ssyncset.done @!p0 $0x0  }
.Ltmp1:
0x4f: {  	s28 =	sshrl.u32 @!p0 s8, $0x3;
	[sflag:s26] =	ssyncadd.s32 @!p0 $0xFFFFFB10;
	(pc) =	sbr.rel @p1 .LBB2_1-.Ltmp1, $4  }
0x50: {  	[hbm:s12], [sflag:s18] =	dma.local @!p0 [spmem:s28], $0x4F0  }
0x51: {  	_ =	swait.ge @!p0 [sflag:s26], $0x4F0  }
0x52: {  	[sflag:s26] =	ssyncset.done @!p0 $0x0  }
0x53: {  	[sflag:s26] =	ssyncadd.s32 @!p0 $0xFFFFFB10  }
0x54: {  	_ =	sfence.sel $0x180000  }
0x55: {  	[bflag:$0x0] =	sbarrier.arrive $0xFFFF  }
0x56: {  	p0 =	sne.s32 s1, $0x0;
	_ =	strace $0x90000047  }
0x57: {  	s0 =	sadd.s32 @!p0 $0x100000, s0;
	[bflag:$0x2] =	sbarrier.arrive $0xFFFF  }
0x58: {  	[sflag:s0] =	ssyncadd.tile.s32 @!p0 $0x1;
	_ =	shalt  }
.Lfunc_end2:
_tile_overlayer_lowered:
.L_overlay_start_2:
0x59: {  	(tag) =	ssettag $0x2  }
0x5a: {  	s0 =	rddreg [dreg:$0x0];
	s2 =	stileid.u32  }
0x5b: {  	s1 =	rddreg [dreg:$0x1];
	p0 =	sne.s32 s2, $0x0  }
0x5c: {  	s3 =	rddreg [dreg:$0x2];
	[bflag:$0x3] =	sbarrier.arrive $0xFFFF;
	s2 =	simm.s32 @!p0 $0x1C01  }
0x5d: {  	[timem:s3], [sflag:s2] =	dma.local @!p0 [hbm:s0], s1  }
0x5e: {  	s0 =	simm.s32 @!p0 $0x1  }
0x5f: {  	_ =	swait.ge @!p0 [sflag:s0], s1  }
0x60: {  	s1 =	ssub.s32 @!p0 $0x0, s1;
	[sflag:s0] =	ssyncset.done @!p0 $0x0  }
0x61: {  	[sflag:s0] =	ssyncadd.s32 @!p0 s1  }
0x62: {  	[bflag:$0x3] =	sbarrier.arrive $0xFFFF  }
0x63: {  	_ =	shalt  }

</sc_bundles>
